<compile_context>
chip_gen: v7x
topology: tpu7x:2x2x1
jax: 0.10.2.dev20260603
libtpu: 0.0.44.dev20260713+nightly
codegen_flags: <defaults>
</compile_context>

<pallas_src>
import functools

import jax
import jax.numpy as jnp
from jax import lax
from jax.experimental import pallas as pl
from jax.experimental.pallas import tpu as pltpu
from jax.experimental.pallas import tpu_sc as plsc

NIMG = 16
ROWS = 512
COLS = 512
NPIX = ROWS * COLS
NB = 4096
EMAX = 8.0
SCALE = NB / EMAX
PSTRIDE = 4096
GOFF = 8192
HSIZE = 8208
CROWS = 16
TROWS = ROWS // 2
NCH = TROWS // CROWS
VPR = COLS // 16
K = 8
L = 16


def _body(x_hbm, t_hbm, out_hbm, xb0, tb0, xb1, tb1, hist, part, outrow,
          shared, sx0, st0, sx1, st1):
    cid = lax.axis_index("c")
    sid = lax.axis_index("s")
    img = cid * 8 + sid // 2
    half = sid % 2

    zeros16 = jnp.zeros((L,), jnp.float32)
    ones16 = jnp.ones((L,), jnp.float32)

    row0 = half * TROWS

    def start_chunk(c, xb, tb, sx, st):
        rs = row0 + jnp.minimum(c, NCH - 1) * CROWS
        pltpu.make_async_copy(x_hbm.at[img, pl.ds(rs, CROWS), :], xb, sx).start()
        pltpu.make_async_copy(t_hbm.at[img, pl.ds(rs, CROWS), :], tb, st).start()

    def wait_chunk(xb, tb, sx, st):
        pltpu.make_async_copy(x_hbm.at[img, pl.ds(0, CROWS), :], xb, sx).wait()
        pltpu.make_async_copy(t_hbm.at[img, pl.ds(0, CROWS), :], tb, st).wait()

    start_chunk(jnp.int32(0), xb0, tb0, sx0, st0)

    def zbody(i, carry):
        hist[pl.ds(i * L, L)] = zeros16
        return carry

    lax.fori_loop(0, HSIZE // L, zbody, 0)

    def process(xb, tb, gvec):
        def load(v, r):
            return xb[r, pl.ds(v * L, L)], tb[r, pl.ds(v * L, L)]

        def compute(x, ti):
            y = lax.bitcast_convert_type(x * (-SCALE), jnp.int32) ^ (ti << 31)
            z = (NB - SCALE) + lax.bitcast_convert_type(y, jnp.float32)
            m = z < jnp.float32(NB)
            zc = jnp.minimum(jnp.maximum(z, 0.0), NB - 1.0)
            return zc.astype(jnp.int32) + (ti << 12), m

        def scatter(items):
            for plane, m in items:
                plsc.addupdate_scatter(hist, [plane], ones16, mask=m)

        def tsum(tis):
            while len(tis) > 1:
                tis = [a + b for a, b in zip(tis[::2], tis[1::2])]
            return tis[0]

        def row_body(r, g):
            prev = None
            for gi in range(VPR // K):
                lv = [load(gi * K + v, r) for v in range(K)]
                cv = [compute(x, ti) for x, ti in lv]
                g = g + tsum([ti for _, ti in lv])
                if prev is not None:
                    scatter(prev)
                prev = cv
            scatter(prev)
            return g

        return lax.fori_loop(0, CROWS, row_body, gvec)

    def pair_body(c2, gvec):
        c = 2 * c2
        start_chunk(c + 1, xb1, tb1, sx1, st1)
        wait_chunk(xb0, tb0, sx0, st0)
        gvec = process(xb0, tb0, gvec)
        start_chunk(c + 2, xb0, tb0, sx0, st0)
        wait_chunk(xb1, tb1, sx1, st1)
        gvec = process(xb1, tb1, gvec)
        return gvec

    gvec = lax.fori_loop(0, NCH // 2, pair_body, jnp.zeros((L,), jnp.int32))
    wait_chunk(xb0, tb0, sx0, st0)

    hist[pl.ds(GOFF, L)] = gvec.astype(jnp.float32)

    pltpu.sync_copy(hist, shared.at[sid])
    plsc.subcore_barrier()

    @pl.when(half == 0)
    def _scan():
        pltpu.sync_copy(shared.at[sid + 1], part)
        gm = hist[pl.ds(GOFF, L)] + part[pl.ds(GOFF, L)]
        G = jnp.sum(gm)
        Gn = jnp.float32(NPIX) - G
        emid0 = (jnp.float32(NB) - 0.5
                 - lax.iota(jnp.int32, L).astype(jnp.float32)) / SCALE
        estep = jnp.float32(L) / SCALE

        def sbody(k, carry):
            Rc, Pc, emid, accv = carry
            neg = hist[pl.ds(k * L, L)] + part[pl.ds(k * L, L)]
            pos = (hist[pl.ds(PSTRIDE + k * L, L)]
                   + part[pl.ds(PSTRIDE + k * L, L)])
            n = neg + pos
            cn = plsc.cumsum(n)
            cp = plsc.cumsum(pos)
            Rend = Rc + cn
            Pend = Pc + cp
            Rstart = Rend - n
            Pstart = Pend - pos
            jpe = (G - Pend) / jnp.maximum(G + Rend - Pend, 1.0)
            jps = (G - Pstart) / jnp.maximum(G + Rstart - Pstart, 1.0)
            jne = (Gn - (Rend - Pend)) / jnp.maximum(Gn + Pend, 1.0)
            jns = (Gn - (Rstart - Pstart)) / jnp.maximum(Gn + Pstart, 1.0)
            dj = (jps - jpe) + (jns - jne)
            return (Rc + jnp.sum(n), Pc + jnp.sum(pos), emid - estep,
                    accv + emid * dj)

        init = (jnp.float32(0.0), jnp.float32(0.0), emid0, zeros16)
        _, _, _, accv = lax.fori_loop(0, NB // L, sbody, init)
        loss = 0.5 * jnp.sum(accv)
        outrow[...] = zeros16 + loss
        pltpu.sync_copy(outrow, out_hbm.at[img])


def _make_kernel():
    mesh = plsc.VectorSubcoreMesh(
        core_axis_name="c", subcore_axis_name="s", num_cores=2, num_subcores=16
    )

    return pl.kernel(
        _body,
        out_type=jax.ShapeDtypeStruct((NIMG, L), jnp.float32),
        mesh=mesh,
        compiler_params=pltpu.CompilerParams(needs_layout_passes=False),
        scratch_types=[
            pltpu.VMEM((CROWS, COLS), jnp.float32),
            pltpu.VMEM((CROWS, COLS), jnp.int32),
            pltpu.VMEM((CROWS, COLS), jnp.float32),
            pltpu.VMEM((CROWS, COLS), jnp.int32),
            pltpu.VMEM((HSIZE,), jnp.float32),
            pltpu.VMEM((HSIZE,), jnp.float32),
            pltpu.VMEM((L,), jnp.float32),
            pltpu.VMEM_SHARED((16, HSIZE), jnp.float32),
            pltpu.SemaphoreType.DMA,
            pltpu.SemaphoreType.DMA,
            pltpu.SemaphoreType.DMA,
            pltpu.SemaphoreType.DMA,
        ],
    )


@jax.jit
def kernel(outputs, targets):
    t = targets.astype(jnp.int32)
    per_image = _make_kernel()(outputs, t)
    return jnp.mean(per_image[:, 0])

# --- scband reference (transcript-rebuilt; emitter-appended) ---
"""Pipeline reference for scband-lovasz-loss-12051678233165 (READ-ONLY COPY).

The authoritative reference and input builder live on the scoring server;
editing this copy changes nothing except your own understanding.
"""

import jax, jax.numpy as jnp
import numpy as np


def lovasz_grad(gt_sorted):
    gts = jnp.sum(gt_sorted)
    intersection = gts - jnp.cumsum(gt_sorted)
    union = gts + jnp.cumsum(1.0 - gt_sorted)
    jaccard = 1.0 - intersection / union
    # jaccard[1:] = jaccard[1:] - jaccard[:-1]
    jaccard = jnp.concatenate([jaccard[:1], jaccard[1:] - jaccard[:-1]])
    return jaccard


def lovasz_hinge_flat(logits, labels):
    # logits: [P] float, labels: [P] float in {0,1}
    signs = 2.0 * labels - 1.0
    errors = 1.0 - logits * signs
    perm = jnp.argsort(-errors)  # descending sort
    errors_sorted = errors[perm]
    gt_sorted = labels[perm]
    grad = lovasz_grad(gt_sorted)
    # grad derives only from integer labels -> treated as constant (Variable(grad) in torch)
    return jnp.dot(jax.nn.relu(errors_sorted), jax.lax.stop_gradient(grad))


def lovasz_hinge(logits, labels):
    # per_image=True, ignore=None: flatten each image, loss per image, then mean
    B = logits.shape[0]
    flat_logits = logits.reshape(B, -1)
    flat_labels = labels.reshape(B, -1)
    losses = jax.vmap(lovasz_hinge_flat)(flat_logits, flat_labels)
    return jnp.mean(losses)


def symmetric_lovasz(outputs, targets):
    positive = lovasz_hinge(outputs, targets)
    negative = lovasz_hinge(-outputs, 1.0 - targets)
    return (positive + negative) / 2.0


def setup_inputs(seed: int = 0) -> dict:
    key = jax.random.key(seed)
    k1, k2 = jax.random.split(key)
    outputs = jax.random.normal(k1, (16, 512, 512), dtype=jnp.float32)
    targets = jax.random.randint(k2, (16, 512, 512), 0, 2, dtype=jnp.int64)
    return {"outputs": outputs, "targets": targets}


def reference(outputs, targets):
    t = targets.astype(jnp.float32)
    return symmetric_lovasz(outputs, t)

if __name__ == "__main__":
    import jax
    _d = setup_inputs()
    print(jax.jit(kernel)(*tuple(_d.values())))

</pallas_src>

<mosaic_0001>
#map = affine_map<(d0, d1) -> (0, 0, 0)>
#map1 = affine_map<(d0, d1) -> (0, 0)>
module attributes {stable_mosaic.version = 14 : i64} {
  func.func @_body(%arg0: i32, %arg1: i32, %arg2: memref<16x512x512xf32, #tpu.memory_space<hbm>>, %arg3: memref<16x512x512xi32, #tpu.memory_space<hbm>>, %arg4: memref<16x16xf32, #tpu.memory_space<hbm>>, %arg5: memref<16x512xf32, #tpu.memory_space<vmem>>, %arg6: memref<16x512xi32, #tpu.memory_space<vmem>>, %arg7: memref<16x512xf32, #tpu.memory_space<vmem>>, %arg8: memref<16x512xi32, #tpu.memory_space<vmem>>, %arg9: memref<8208xf32, #tpu.memory_space<vmem>>, %arg10: memref<8208xf32, #tpu.memory_space<vmem>>, %arg11: memref<16xf32, #tpu.memory_space<vmem>>, %arg12: memref<16x8208xf32, #tpu.memory_space<vmem_shared>>, %arg13: memref<!tpu.dma_semaphore, #tpu.memory_space<semaphore_mem>>, %arg14: memref<!tpu.dma_semaphore, #tpu.memory_space<semaphore_mem>>, %arg15: memref<!tpu.dma_semaphore, #tpu.memory_space<semaphore_mem>>, %arg16: memref<!tpu.dma_semaphore, #tpu.memory_space<semaphore_mem>>) attributes {dimension_semantics = [#tpu.dimension_semantics<core_parallel>, #tpu.dimension_semantics<subcore_parallel>], iteration_bounds = array<i64: 2, 16>, scalar_prefetch = 0 : i64, scratch_operands = 12 : i64, tpu.core_type = #tpu.core_type<sc_vector_subcore>, window_params = [{transform_indices = #map}, {transform_indices = #map}, {transform_indices = #map1}]} {
    %mul3A = arith.constant 8 : i32
    %mul3A_0 = arith.muli %arg0, %mul3A : i32
    %jit3A = arith.constant 2 : i32
    %div3A = arith.divsi %arg1, %jit3A : i32
    %sign3A = arith.constant 0 : i32
    %sign3A_1 = arith.cmpi sgt, %arg1, %sign3A : i32
    %sign3A_2 = arith.extui %sign3A_1 : i1 to i32
    %sign3A_3 = arith.constant 0 : i32
    %sign3A_4 = arith.cmpi slt, %arg1, %sign3A_3 : i32
    %sign3A_5 = arith.extui %sign3A_4 : i1 to i32
    %sign3A_6 = arith.subi %sign3A_2, %sign3A_5 : i32
    %sign3A_7 = arith.constant 0 : i32
    %sign3A_8 = arith.cmpi sgt, %jit3A, %sign3A_7 : i32
    %sign3A_9 = arith.extui %sign3A_8 : i1 to i32
    %sign3A_10 = arith.constant 0 : i32
    %sign3A_11 = arith.cmpi slt, %jit3A, %sign3A_10 : i32
    %sign3A_12 = arith.extui %sign3A_11 : i1 to i32
    %sign3A_13 = arith.subi %sign3A_9, %sign3A_12 : i32
    %ne3A = arith.cmpi ne, %sign3A_6, %sign3A_13 : i32
    %rem3A = arith.remsi %arg1, %jit3A : i32
    %ne3A_14 = arith.constant 0 : i32
    %ne3A_15 = arith.cmpi ne, %rem3A, %ne3A_14 : i32
    %and3A = arith.andi %ne3A, %ne3A_15 : i1
    %sub3A = arith.constant 1 : i32
    %sub3A_16 = arith.subi %div3A, %sub3A : i32
    %select_n3A = arith.select %and3A, %sub3A_16, %div3A : i32
    %add3A = arith.addi %mul3A_0, %select_n3A : i32
    %jit3A_17 = arith.constant 2 : i32
    %eq3A = arith.constant 0 : i32
    %eq3A_18 = arith.cmpi eq, %jit3A_17, %eq3A : i32
    %jit3A_19 = arith.constant 1 : i32
    %select_n3A_20 = arith.select %eq3A_18, %jit3A_19, %jit3A_17 : i32
    %rem3A_21 = arith.remsi %arg1, %select_n3A_20 : i32
    %ne3A_22 = arith.constant 0 : i32
    %ne3A_23 = arith.cmpi ne, %rem3A_21, %ne3A_22 : i32
    %lt3A = arith.constant 0 : i32
    %lt3A_24 = arith.cmpi slt, %rem3A_21, %lt3A : i32
    %lt3A_25 = arith.constant 0 : i32
    %lt3A_26 = arith.cmpi slt, %select_n3A_20, %lt3A_25 : i32
    %ne3A_27 = arith.xori %lt3A_24, %lt3A_26 : i1
    %and3A_28 = arith.andi %ne3A_27, %ne3A_23 : i1
    %add3A_29 = arith.addi %rem3A_21, %select_n3A_20 : i32
    %select_n3A_30 = arith.select %and3A_28, %add3A_29, %rem3A_21 : i32
    %broadcast_in_dim3A = arith.constant 0.000000e+00 : f32
    %broadcast_in_dim3A_31 = vector.broadcast %broadcast_in_dim3A : f32 to vector<16xf32>
    %broadcast_in_dim3A_32 = arith.constant 1.000000e+00 : f32
    %broadcast_in_dim3A_33 = vector.broadcast %broadcast_in_dim3A_32 : f32 to vector<16xf32>
    %mul3A_34 = arith.constant 256 : i32
    %mul3A_35 = arith.muli %select_n3A_30, %mul3A_34 : i32
    %min3A = arith.constant 0 : i32
    %min3A_36 = arith.constant 15 : i32
    %min3A_37 = arith.minsi %min3A, %min3A_36 : i32
    %mul3A_38 = arith.constant 16 : i32
    %mul3A_39 = arith.muli %min3A_37, %mul3A_38 : i32
    %add3A_40 = arith.addi %mul3A_35, %mul3A_39 : i32
    %dma_start3A = arith.constant 0 : i32
    %dma_start3A_41 = tpu.memref_slice %arg2[%add3A, %add3A_40, %dma_start3A] : memref<16x512x512xf32, #tpu.memory_space<hbm>> -> memref<1x16x512xf32, #tpu.memory_space<hbm>>
    %dma_start3A_42 = tpu.memref_squeeze %dma_start3A_41 : memref<1x16x512xf32, #tpu.memory_space<hbm>> -> memref<16x512xf32, #tpu.memory_space<hbm>>
    %dma_start3A_43 = arith.constant 0 : i32
    %dma_start3A_44 = tpu.memref_slice %arg2[%add3A, %add3A_40, %dma_start3A_43] : memref<16x512x512xf32, #tpu.memory_space<hbm>> -> memref<1x16x512xf32, #tpu.memory_space<hbm>>
    %dma_start3A_45 = tpu.memref_squeeze %dma_start3A_44 : memref<1x16x512xf32, #tpu.memory_space<hbm>> -> memref<16x512xf32, #tpu.memory_space<hbm>>
    tpu.enqueue_dma source(%dma_start3A_45 : memref<16x512xf32, #tpu.memory_space<hbm>>) target(%arg5 : memref<16x512xf32, #tpu.memory_space<vmem>>) target_semaphore(%arg13 : memref<!tpu.dma_semaphore, #tpu.memory_space<semaphore_mem>>)
    %dma_start3A_46 = arith.constant 0 : i32
    %dma_start3A_47 = tpu.memref_slice %arg3[%add3A, %add3A_40, %dma_start3A_46] : memref<16x512x512xi32, #tpu.memory_space<hbm>> -> memref<1x16x512xi32, #tpu.memory_space<hbm>>
    %dma_start3A_48 = tpu.memref_squeeze %dma_start3A_47 : memref<1x16x512xi32, #tpu.memory_space<hbm>> -> memref<16x512xi32, #tpu.memory_space<hbm>>
    %dma_start3A_49 = arith.constant 0 : i32
    %dma_start3A_50 = tpu.memref_slice %arg3[%add3A, %add3A_40, %dma_start3A_49] : memref<16x512x512xi32, #tpu.memory_space<hbm>> -> memref<1x16x512xi32, #tpu.memory_space<hbm>>
    %dma_start3A_51 = tpu.memref_squeeze %dma_start3A_50 : memref<1x16x512xi32, #tpu.memory_space<hbm>> -> memref<16x512xi32, #tpu.memory_space<hbm>>
    tpu.enqueue_dma source(%dma_start3A_51 : memref<16x512xi32, #tpu.memory_space<hbm>>) target(%arg6 : memref<16x512xi32, #tpu.memory_space<vmem>>) target_semaphore(%arg14 : memref<!tpu.dma_semaphore, #tpu.memory_space<semaphore_mem>>)
    %scan3A = arith.constant 0 : i32
    %scan3A_52 = arith.constant 0 : i32
    %scan3A_53 = arith.constant 513 : i32
    %scan3A_54 = arith.addi %scan3A_52, %scan3A_53 : i32
    %scan3A_55 = arith.constant 1 : i32
    scf.for %scan3A_85 = %scan3A_52 to %scan3A_54 step %scan3A_55  : i32 {
      %mul3A_86 = arith.constant 16 : i32
      %mul3A_87 = arith.muli %scan3A_85, %mul3A_86 : i32
      %swap3A_88 = arith.index_cast %mul3A_87 : i32 to index
      %swap3A_89 = tpu.vector_load %arg9[%swap3A_88] {strides = array<i32>} : memref<8208xf32, #tpu.memory_space<vmem>>, vector<16xf32>,
      tpu.vector_store %arg9[%swap3A_88], %broadcast_in_dim3A_31 {strides = array<i32>} : memref<8208xf32, #tpu.memory_space<vmem>>, vector<16xf32>,
    }
    %scan3A_56 = arith.constant 513 : i32
    %broadcast_in_dim3A_57 = arith.constant 0 : i32
    %broadcast_in_dim3A_58 = vector.broadcast %broadcast_in_dim3A_57 : i32 to vector<16xi32>
    %scan3A_59 = arith.constant 0 : i32
    %scan3A_60 = arith.constant 8 : i32
    %scan3A_61 = arith.addi %scan3A_59, %scan3A_60 : i32
    %scan3A_62 = arith.constant 1 : i32
    %scan3A_63 = scf.for %scan3A_85 = %scan3A_59 to %scan3A_61 step %scan3A_62 iter_args(%scan3A_86 = %broadcast_in_dim3A_58) -> (vector<16xi32>)  : i32 {
      %mul3A_87 = arith.constant 2 : i32
      %mul3A_88 = arith.muli %mul3A_87, %scan3A_85 : i32
      %add3A_89 = arith.constant 1 : i32
      %add3A_90 = arith.addi %mul3A_88, %add3A_89 : i32
      %min3A_91 = arith.constant 15 : i32
      %min3A_92 = arith.minsi %add3A_90, %min3A_91 : i32
      %mul3A_93 = arith.constant 16 : i32
      %mul3A_94 = arith.muli %min3A_92, %mul3A_93 : i32
      %add3A_95 = arith.addi %mul3A_35, %mul3A_94 : i32
      %dma_start3A_96 = arith.constant 0 : i32
      %dma_start3A_97 = tpu.memref_slice %arg2[%add3A, %add3A_95, %dma_start3A_96] : memref<16x512x512xf32, #tpu.memory_space<hbm>> -> memref<1x16x512xf32, #tpu.memory_space<hbm>>
      %dma_start3A_98 = tpu.memref_squeeze %dma_start3A_97 : memref<1x16x512xf32, #tpu.memory_space<hbm>> -> memref<16x512xf32, #tpu.memory_space<hbm>>
      %dma_start3A_99 = arith.constant 0 : i32
      %dma_start3A_100 = tpu.memref_slice %arg2[%add3A, %add3A_95, %dma_start3A_99] : memref<16x512x512xf32, #tpu.memory_space<hbm>> -> memref<1x16x512xf32, #tpu.memory_space<hbm>>
      %dma_start3A_101 = tpu.memref_squeeze %dma_start3A_100 : memref<1x16x512xf32, #tpu.memory_space<hbm>> -> memref<16x512xf32, #tpu.memory_space<hbm>>
      tpu.enqueue_dma source(%dma_start3A_101 : memref<16x512xf32, #tpu.memory_space<hbm>>) target(%arg7 : memref<16x512xf32, #tpu.memory_space<vmem>>) target_semaphore(%arg15 : memref<!tpu.dma_semaphore, #tpu.memory_space<semaphore_mem>>)
      %dma_start3A_102 = arith.constant 0 : i32
      %dma_start3A_103 = tpu.memref_slice %arg3[%add3A, %add3A_95, %dma_start3A_102] : memref<16x512x512xi32, #tpu.memory_space<hbm>> -> memref<1x16x512xi32, #tpu.memory_space<hbm>>
      %dma_start3A_104 = tpu.memref_squeeze %dma_start3A_103 : memref<1x16x512xi32, #tpu.memory_space<hbm>> -> memref<16x512xi32, #tpu.memory_space<hbm>>
      %dma_start3A_105 = arith.constant 0 : i32
      %dma_start3A_106 = tpu.memref_slice %arg3[%add3A, %add3A_95, %dma_start3A_105] : memref<16x512x512xi32, #tpu.memory_space<hbm>> -> memref<1x16x512xi32, #tpu.memory_space<hbm>>
      %dma_start3A_107 = tpu.memref_squeeze %dma_start3A_106 : memref<1x16x512xi32, #tpu.memory_space<hbm>> -> memref<16x512xi32, #tpu.memory_space<hbm>>
      tpu.enqueue_dma source(%dma_start3A_107 : memref<16x512xi32, #tpu.memory_space<hbm>>) target(%arg8 : memref<16x512xi32, #tpu.memory_space<vmem>>) target_semaphore(%arg16 : memref<!tpu.dma_semaphore, #tpu.memory_space<semaphore_mem>>)
      %dma_wait3A_108 = arith.constant 0 : i32
      %dma_wait3A_109 = arith.constant 0 : i32
      %dma_wait3A_110 = tpu.memref_slice %arg2[%add3A, %dma_wait3A_108, %dma_wait3A_109] : memref<16x512x512xf32, #tpu.memory_space<hbm>> -> memref<1x16x512xf32, #tpu.memory_space<hbm>>
      %dma_wait3A_111 = tpu.memref_squeeze %dma_wait3A_110 : memref<1x16x512xf32, #tpu.memory_space<hbm>> -> memref<16x512xf32, #tpu.memory_space<hbm>>
      %dma_wait3A_112 = arith.constant 0 : i32
      %dma_wait3A_113 = arith.constant 0 : i32
      %dma_wait3A_114 = tpu.memref_slice %arg2[%add3A, %dma_wait3A_112, %dma_wait3A_113] : memref<16x512x512xf32, #tpu.memory_space<hbm>> -> memref<1x16x512xf32, #tpu.memory_space<hbm>>
      %dma_wait3A_115 = tpu.memref_squeeze %dma_wait3A_114 : memref<1x16x512xf32, #tpu.memory_space<hbm>> -> memref<16x512xf32, #tpu.memory_space<hbm>>
      tpu.wait_dma2 semaphore(%arg13 : memref<!tpu.dma_semaphore, #tpu.memory_space<semaphore_mem>>) src(%dma_wait3A_115 : memref<16x512xf32, #tpu.memory_space<hbm>>) dst(%arg5 : memref<16x512xf32, #tpu.memory_space<vmem>>)
      %dma_wait3A_116 = arith.constant 0 : i32
      %dma_wait3A_117 = arith.constant 0 : i32
      %dma_wait3A_118 = tpu.memref_slice %arg3[%add3A, %dma_wait3A_116, %dma_wait3A_117] : memref<16x512x512xi32, #tpu.memory_space<hbm>> -> memref<1x16x512xi32, #tpu.memory_space<hbm>>
      %dma_wait3A_119 = tpu.memref_squeeze %dma_wait3A_118 : memref<1x16x512xi32, #tpu.memory_space<hbm>> -> memref<16x512xi32, #tpu.memory_space<hbm>>
      %dma_wait3A_120 = arith.constant 0 : i32
      %dma_wait3A_121 = arith.constant 0 : i32
      %dma_wait3A_122 = tpu.memref_slice %arg3[%add3A, %dma_wait3A_120, %dma_wait3A_121] : memref<16x512x512xi32, #tpu.memory_space<hbm>> -> memref<1x16x512xi32, #tpu.memory_space<hbm>>
      %dma_wait3A_123 = tpu.memref_squeeze %dma_wait3A_122 : memref<1x16x512xi32, #tpu.memory_space<hbm>> -> memref<16x512xi32, #tpu.memory_space<hbm>>
      tpu.wait_dma2 semaphore(%arg14 : memref<!tpu.dma_semaphore, #tpu.memory_space<semaphore_mem>>) src(%dma_wait3A_123 : memref<16x512xi32, #tpu.memory_space<hbm>>) dst(%arg6 : memref<16x512xi32, #tpu.memory_space<vmem>>)
      %scan3A_124 = arith.constant 0 : i32
      %scan3A_125 = arith.constant 16 : i32
      %scan3A_126 = arith.addi %scan3A_124, %scan3A_125 : i32
      %scan3A_127 = arith.constant 1 : i32
      %scan3A_128 = scf.for %scan3A_171 = %scan3A_124 to %scan3A_126 step %scan3A_127 iter_args(%scan3A_172 = %scan3A_86) -> (vector<16xi32>)  : i32 {
        %get3A = arith.index_cast %scan3A_171 : i32 to index
        %get3A_173 = arith.constant 0 : index
        %get3A_174 = tpu.vector_load %arg5[%get3A, %get3A_173] {strides = array<i32>} : memref<16x512xf32, #tpu.memory_space<vmem>>, vector<16xf32>,
        %get3A_175 = arith.index_cast %scan3A_171 : i32 to index
        %get3A_176 = arith.constant 0 : index
        %get3A_177 = tpu.vector_load %arg6[%get3A_175, %get3A_176] {strides = array<i32>} : memref<16x512xi32, #tpu.memory_space<vmem>>, vector<16xi32>,
        %get3A_178 = arith.index_cast %scan3A_171 : i32 to index
        %get3A_179 = arith.constant 16 : index
        %get3A_180 = tpu.vector_load %arg5[%get3A_178, %get3A_179] {strides = array<i32>} : memref<16x512xf32, #tpu.memory_space<vmem>>, vector<16xf32>,
        %get3A_181 = arith.index_cast %scan3A_171 : i32 to index
        %get3A_182 = arith.constant 16 : index
        %get3A_183 = tpu.vector_load %arg6[%get3A_181, %get3A_182] {strides = array<i32>} : memref<16x512xi32, #tpu.memory_space<vmem>>, vector<16xi32>,
        %get3A_184 = arith.index_cast %scan3A_171 : i32 to index
        %get3A_185 = arith.constant 32 : index
        %get3A_186 = tpu.vector_load %arg5[%get3A_184, %get3A_185] {strides = array<i32>} : memref<16x512xf32, #tpu.memory_space<vmem>>, vector<16xf32>,
        %get3A_187 = arith.index_cast %scan3A_171 : i32 to index
        %get3A_188 = arith.constant 32 : index
        %get3A_189 = tpu.vector_load %arg6[%get3A_187, %get3A_188] {strides = array<i32>} : memref<16x512xi32, #tpu.memory_space<vmem>>, vector<16xi32>,
        %get3A_190 = arith.index_cast %scan3A_171 : i32 to index
        %get3A_191 = arith.constant 48 : index
        %get3A_192 = tpu.vector_load %arg5[%get3A_190, %get3A_191] {strides = array<i32>} : memref<16x512xf32, #tpu.memory_space<vmem>>, vector<16xf32>,
        %get3A_193 = arith.index_cast %scan3A_171 : i32 to index
        %get3A_194 = arith.constant 48 : index
        %get3A_195 = tpu.vector_load %arg6[%get3A_193, %get3A_194] {strides = array<i32>} : memref<16x512xi32, #tpu.memory_space<vmem>>, vector<16xi32>,
        %get3A_196 = arith.index_cast %scan3A_171 : i32 to index
        %get3A_197 = arith.constant 64 : index
        %get3A_198 = tpu.vector_load %arg5[%get3A_196, %get3A_197] {strides = array<i32>} : memref<16x512xf32, #tpu.memory_space<vmem>>, vector<16xf32>,
        %get3A_199 = arith.index_cast %scan3A_171 : i32 to index
        %get3A_200 = arith.constant 64 : index
        %get3A_201 = tpu.vector_load %arg6[%get3A_199, %get3A_200] {strides = array<i32>} : memref<16x512xi32, #tpu.memory_space<vmem>>, vector<16xi32>,
        %get3A_202 = arith.index_cast %scan3A_171 : i32 to index
        %get3A_203 = arith.constant 80 : index
        %get3A_204 = tpu.vector_load %arg5[%get3A_202, %get3A_203] {strides = array<i32>} : memref<16x512xf32, #tpu.memory_space<vmem>>, vector<16xf32>,
        %get3A_205 = arith.index_cast %scan3A_171 : i32 to index
        %get3A_206 = arith.constant 80 : index
        %get3A_207 = tpu.vector_load %arg6[%get3A_205, %get3A_206] {strides = array<i32>} : memref<16x512xi32, #tpu.memory_space<vmem>>, vector<16xi32>,
        %get3A_208 = arith.index_cast %scan3A_171 : i32 to index
        %get3A_209 = arith.constant 96 : index
        %get3A_210 = tpu.vector_load %arg5[%get3A_208, %get3A_209] {strides = array<i32>} : memref<16x512xf32, #tpu.memory_space<vmem>>, vector<16xf32>,
        %get3A_211 = arith.index_cast %scan3A_171 : i32 to index
        %get3A_212 = arith.constant 96 : index
        %get3A_213 = tpu.vector_load %arg6[%get3A_211, %get3A_212] {strides = array<i32>} : memref<16x512xi32, #tpu.memory_space<vmem>>, vector<16xi32>,
        %get3A_214 = arith.index_cast %scan3A_171 : i32 to index
        %get3A_215 = arith.constant 112 : index
        %get3A_216 = tpu.vector_load %arg5[%get3A_214, %get3A_215] {strides = array<i32>} : memref<16x512xf32, #tpu.memory_space<vmem>>, vector<16xf32>,
        %get3A_217 = arith.index_cast %scan3A_171 : i32 to index
        %get3A_218 = arith.constant 112 : index
        %get3A_219 = tpu.vector_load %arg6[%get3A_217, %get3A_218] {strides = array<i32>} : memref<16x512xi32, #tpu.memory_space<vmem>>, vector<16xi32>,
        %mul3A_220 = arith.constant -5.120000e+02 : f32
        %mul3A_221 = vector.broadcast %mul3A_220 : f32 to vector<16xf32>
        %mul3A_222 = arith.mulf %get3A_174, %mul3A_221 : vector<16xf32>
        %bitcast_convert_type3A = tpu.bitcast %mul3A_222 : vector<16xf32> -> vector<16xi32>
        %shift_left3A = arith.constant 31 : i32
        %shift_left3A_223 = vector.broadcast %shift_left3A : i32 to vector<16xi32>
        %shift_left3A_224 = arith.shli %get3A_177, %shift_left3A_223 : vector<16xi32>
        %xor3A = arith.xori %bitcast_convert_type3A, %shift_left3A_224 : vector<16xi32>
        %bitcast_convert_type3A_225 = tpu.bitcast %xor3A : vector<16xi32> -> vector<16xf32>
        %add3A_226 = arith.constant 3.584000e+03 : f32
        %add3A_227 = vector.broadcast %add3A_226 : f32 to vector<16xf32>
        %add3A_228 = arith.addf %add3A_227, %bitcast_convert_type3A_225 : vector<16xf32>
        %lt3A_229 = arith.constant 4.096000e+03 : f32
        %lt3A_230 = vector.broadcast %lt3A_229 : f32 to vector<16xf32>
        %lt3A_231 = arith.cmpf olt, %add3A_228, %lt3A_230 : vector<16xf32>
        %max3A = arith.constant 0.000000e+00 : f32
        %max3A_232 = vector.broadcast %max3A : f32 to vector<16xf32>
        %max3A_233 = arith.maximumf %add3A_228, %max3A_232 : vector<16xf32>
        %min3A_234 = arith.constant 4.095000e+03 : f32
        %min3A_235 = vector.broadcast %min3A_234 : f32 to vector<16xf32>
        %min3A_236 = arith.minimumf %max3A_233, %min3A_235 : vector<16xf32>
        %convert_element_type3A_237 = arith.fptosi %min3A_236 : vector<16xf32> to vector<16xi32>
        %shift_left3A_238 = arith.constant 12 : i32
        %shift_left3A_239 = vector.broadcast %shift_left3A_238 : i32 to vector<16xi32>
        %shift_left3A_240 = arith.shli %get3A_177, %shift_left3A_239 : vector<16xi32>
        %add3A_241 = arith.addi %convert_element_type3A_237, %shift_left3A_240 : vector<16xi32>
        %mul3A_242 = arith.constant -5.120000e+02 : f32
        %mul3A_243 = vector.broadcast %mul3A_242 : f32 to vector<16xf32>
        %mul3A_244 = arith.mulf %get3A_180, %mul3A_243 : vector<16xf32>
        %bitcast_convert_type3A_245 = tpu.bitcast %mul3A_244 : vector<16xf32> -> vector<16xi32>
        %shift_left3A_246 = arith.constant 31 : i32
        %shift_left3A_247 = vector.broadcast %shift_left3A_246 : i32 to vector<16xi32>
        %shift_left3A_248 = arith.shli %get3A_183, %shift_left3A_247 : vector<16xi32>
        %xor3A_249 = arith.xori %bitcast_convert_type3A_245, %shift_left3A_248 : vector<16xi32>
        %bitcast_convert_type3A_250 = tpu.bitcast %xor3A_249 : vector<16xi32> -> vector<16xf32>
        %add3A_251 = arith.constant 3.584000e+03 : f32
        %add3A_252 = vector.broadcast %add3A_251 : f32 to vector<16xf32>
        %add3A_253 = arith.addf %add3A_252, %bitcast_convert_type3A_250 : vector<16xf32>
        %lt3A_254 = arith.constant 4.096000e+03 : f32
        %lt3A_255 = vector.broadcast %lt3A_254 : f32 to vector<16xf32>
        %lt3A_256 = arith.cmpf olt, %add3A_253, %lt3A_255 : vector<16xf32>
        %max3A_257 = arith.constant 0.000000e+00 : f32
        %max3A_258 = vector.broadcast %max3A_257 : f32 to vector<16xf32>
        %max3A_259 = arith.maximumf %add3A_253, %max3A_258 : vector<16xf32>
        %min3A_260 = arith.constant 4.095000e+03 : f32
        %min3A_261 = vector.broadcast %min3A_260 : f32 to vector<16xf32>
        %min3A_262 = arith.minimumf %max3A_259, %min3A_261 : vector<16xf32>
        %convert_element_type3A_263 = arith.fptosi %min3A_262 : vector<16xf32> to vector<16xi32>
        %shift_left3A_264 = arith.constant 12 : i32
        %shift_left3A_265 = vector.broadcast %shift_left3A_264 : i32 to vector<16xi32>
        %shift_left3A_266 = arith.shli %get3A_183, %shift_left3A_265 : vector<16xi32>
        %add3A_267 = arith.addi %convert_element_type3A_263, %shift_left3A_266 : vector<16xi32>
        %mul3A_268 = arith.constant -5.120000e+02 : f32
        %mul3A_269 = vector.broadcast %mul3A_268 : f32 to vector<16xf32>
        %mul3A_270 = arith.mulf %get3A_186, %mul3A_269 : vector<16xf32>
        %bitcast_convert_type3A_271 = tpu.bitcast %mul3A_270 : vector<16xf32> -> vector<16xi32>
        %shift_left3A_272 = arith.constant 31 : i32
        %shift_left3A_273 = vector.broadcast %shift_left3A_272 : i32 to vector<16xi32>
        %shift_left3A_274 = arith.shli %get3A_189, %shift_left3A_273 : vector<16xi32>
        %xor3A_275 = arith.xori %bitcast_convert_type3A_271, %shift_left3A_274 : vector<16xi32>
        %bitcast_convert_type3A_276 = tpu.bitcast %xor3A_275 : vector<16xi32> -> vector<16xf32>
        %add3A_277 = arith.constant 3.584000e+03 : f32
        %add3A_278 = vector.broadcast %add3A_277 : f32 to vector<16xf32>
        %add3A_279 = arith.addf %add3A_278, %bitcast_convert_type3A_276 : vector<16xf32>
        %lt3A_280 = arith.constant 4.096000e+03 : f32
        %lt3A_281 = vector.broadcast %lt3A_280 : f32 to vector<16xf32>
        %lt3A_282 = arith.cmpf olt, %add3A_279, %lt3A_281 : vector<16xf32>
        %max3A_283 = arith.constant 0.000000e+00 : f32
        %max3A_284 = vector.broadcast %max3A_283 : f32 to vector<16xf32>
        %max3A_285 = arith.maximumf %add3A_279, %max3A_284 : vector<16xf32>
        %min3A_286 = arith.constant 4.095000e+03 : f32
        %min3A_287 = vector.broadcast %min3A_286 : f32 to vector<16xf32>
        %min3A_288 = arith.minimumf %max3A_285, %min3A_287 : vector<16xf32>
        %convert_element_type3A_289 = arith.fptosi %min3A_288 : vector<16xf32> to vector<16xi32>
        %shift_left3A_290 = arith.constant 12 : i32
        %shift_left3A_291 = vector.broadcast %shift_left3A_290 : i32 to vector<16xi32>
        %shift_left3A_292 = arith.shli %get3A_189, %shift_left3A_291 : vector<16xi32>
        %add3A_293 = arith.addi %convert_element_type3A_289, %shift_left3A_292 : vector<16xi32>
        %mul3A_294 = arith.constant -5.120000e+02 : f32
        %mul3A_295 = vector.broadcast %mul3A_294 : f32 to vector<16xf32>
        %mul3A_296 = arith.mulf %get3A_192, %mul3A_295 : vector<16xf32>
        %bitcast_convert_type3A_297 = tpu.bitcast %mul3A_296 : vector<16xf32> -> vector<16xi32>
        %shift_left3A_298 = arith.constant 31 : i32
        %shift_left3A_299 = vector.broadcast %shift_left3A_298 : i32 to vector<16xi32>
        %shift_left3A_300 = arith.shli %get3A_195, %shift_left3A_299 : vector<16xi32>
        %xor3A_301 = arith.xori %bitcast_convert_type3A_297, %shift_left3A_300 : vector<16xi32>
        %bitcast_convert_type3A_302 = tpu.bitcast %xor3A_301 : vector<16xi32> -> vector<16xf32>
        %add3A_303 = arith.constant 3.584000e+03 : f32
        %add3A_304 = vector.broadcast %add3A_303 : f32 to vector<16xf32>
        %add3A_305 = arith.addf %add3A_304, %bitcast_convert_type3A_302 : vector<16xf32>
        %lt3A_306 = arith.constant 4.096000e+03 : f32
        %lt3A_307 = vector.broadcast %lt3A_306 : f32 to vector<16xf32>
        %lt3A_308 = arith.cmpf olt, %add3A_305, %lt3A_307 : vector<16xf32>
        %max3A_309 = arith.constant 0.000000e+00 : f32
        %max3A_310 = vector.broadcast %max3A_309 : f32 to vector<16xf32>
        %max3A_311 = arith.maximumf %add3A_305, %max3A_310 : vector<16xf32>
        %min3A_312 = arith.constant 4.095000e+03 : f32
        %min3A_313 = vector.broadcast %min3A_312 : f32 to vector<16xf32>
        %min3A_314 = arith.minimumf %max3A_311, %min3A_313 : vector<16xf32>
        %convert_element_type3A_315 = arith.fptosi %min3A_314 : vector<16xf32> to vector<16xi32>
        %shift_left3A_316 = arith.constant 12 : i32
        %shift_left3A_317 = vector.broadcast %shift_left3A_316 : i32 to vector<16xi32>
        %shift_left3A_318 = arith.shli %get3A_195, %shift_left3A_317 : vector<16xi32>
        %add3A_319 = arith.addi %convert_element_type3A_315, %shift_left3A_318 : vector<16xi32>
        %mul3A_320 = arith.constant -5.120000e+02 : f32
        %mul3A_321 = vector.broadcast %mul3A_320 : f32 to vector<16xf32>
        %mul3A_322 = arith.mulf %get3A_198, %mul3A_321 : vector<16xf32>
        %bitcast_convert_type3A_323 = tpu.bitcast %mul3A_322 : vector<16xf32> -> vector<16xi32>
        %shift_left3A_324 = arith.constant 31 : i32
        %shift_left3A_325 = vector.broadcast %shift_left3A_324 : i32 to vector<16xi32>
        %shift_left3A_326 = arith.shli %get3A_201, %shift_left3A_325 : vector<16xi32>
        %xor3A_327 = arith.xori %bitcast_convert_type3A_323, %shift_left3A_326 : vector<16xi32>
        %bitcast_convert_type3A_328 = tpu.bitcast %xor3A_327 : vector<16xi32> -> vector<16xf32>
        %add3A_329 = arith.constant 3.584000e+03 : f32
        %add3A_330 = vector.broadcast %add3A_329 : f32 to vector<16xf32>
        %add3A_331 = arith.addf %add3A_330, %bitcast_convert_type3A_328 : vector<16xf32>
        %lt3A_332 = arith.constant 4.096000e+03 : f32
        %lt3A_333 = vector.broadcast %lt3A_332 : f32 to vector<16xf32>
        %lt3A_334 = arith.cmpf olt, %add3A_331, %lt3A_333 : vector<16xf32>
        %max3A_335 = arith.constant 0.000000e+00 : f32
        %max3A_336 = vector.broadcast %max3A_335 : f32 to vector<16xf32>
        %max3A_337 = arith.maximumf %add3A_331, %max3A_336 : vector<16xf32>
        %min3A_338 = arith.constant 4.095000e+03 : f32
        %min3A_339 = vector.broadcast %min3A_338 : f32 to vector<16xf32>
        %min3A_340 = arith.minimumf %max3A_337, %min3A_339 : vector<16xf32>
        %convert_element_type3A_341 = arith.fptosi %min3A_340 : vector<16xf32> to vector<16xi32>
        %shift_left3A_342 = arith.constant 12 : i32
        %shift_left3A_343 = vector.broadcast %shift_left3A_342 : i32 to vector<16xi32>
        %shift_left3A_344 = arith.shli %get3A_201, %shift_left3A_343 : vector<16xi32>
        %add3A_345 = arith.addi %convert_element_type3A_341, %shift_left3A_344 : vector<16xi32>
        %mul3A_346 = arith.constant -5.120000e+02 : f32
        %mul3A_347 = vector.broadcast %mul3A_346 : f32 to vector<16xf32>
        %mul3A_348 = arith.mulf %get3A_204, %mul3A_347 : vector<16xf32>
        %bitcast_convert_type3A_349 = tpu.bitcast %mul3A_348 : vector<16xf32> -> vector<16xi32>
        %shift_left3A_350 = arith.constant 31 : i32
        %shift_left3A_351 = vector.broadcast %shift_left3A_350 : i32 to vector<16xi32>
        %shift_left3A_352 = arith.shli %get3A_207, %shift_left3A_351 : vector<16xi32>
        %xor3A_353 = arith.xori %bitcast_convert_type3A_349, %shift_left3A_352 : vector<16xi32>
        %bitcast_convert_type3A_354 = tpu.bitcast %xor3A_353 : vector<16xi32> -> vector<16xf32>
        %add3A_355 = arith.constant 3.584000e+03 : f32
        %add3A_356 = vector.broadcast %add3A_355 : f32 to vector<16xf32>
        %add3A_357 = arith.addf %add3A_356, %bitcast_convert_type3A_354 : vector<16xf32>
        %lt3A_358 = arith.constant 4.096000e+03 : f32
        %lt3A_359 = vector.broadcast %lt3A_358 : f32 to vector<16xf32>
        %lt3A_360 = arith.cmpf olt, %add3A_357, %lt3A_359 : vector<16xf32>
        %max3A_361 = arith.constant 0.000000e+00 : f32
        %max3A_362 = vector.broadcast %max3A_361 : f32 to vector<16xf32>
        %max3A_363 = arith.maximumf %add3A_357, %max3A_362 : vector<16xf32>
        %min3A_364 = arith.constant 4.095000e+03 : f32
        %min3A_365 = vector.broadcast %min3A_364 : f32 to vector<16xf32>
        %min3A_366 = arith.minimumf %max3A_363, %min3A_365 : vector<16xf32>
        %convert_element_type3A_367 = arith.fptosi %min3A_366 : vector<16xf32> to vector<16xi32>
        %shift_left3A_368 = arith.constant 12 : i32
        %shift_left3A_369 = vector.broadcast %shift_left3A_368 : i32 to vector<16xi32>
        %shift_left3A_370 = arith.shli %get3A_207, %shift_left3A_369 : vector<16xi32>
        %add3A_371 = arith.addi %convert_element_type3A_367, %shift_left3A_370 : vector<16xi32>
        %mul3A_372 = arith.constant -5.120000e+02 : f32
        %mul3A_373 = vector.broadcast %mul3A_372 : f32 to vector<16xf32>
        %mul3A_374 = arith.mulf %get3A_210, %mul3A_373 : vector<16xf32>
        %bitcast_convert_type3A_375 = tpu.bitcast %mul3A_374 : vector<16xf32> -> vector<16xi32>
        %shift_left3A_376 = arith.constant 31 : i32
        %shift_left3A_377 = vector.broadcast %shift_left3A_376 : i32 to vector<16xi32>
        %shift_left3A_378 = arith.shli %get3A_213, %shift_left3A_377 : vector<16xi32>
        %xor3A_379 = arith.xori %bitcast_convert_type3A_375, %shift_left3A_378 : vector<16xi32>
        %bitcast_convert_type3A_380 = tpu.bitcast %xor3A_379 : vector<16xi32> -> vector<16xf32>
        %add3A_381 = arith.constant 3.584000e+03 : f32
        %add3A_382 = vector.broadcast %add3A_381 : f32 to vector<16xf32>
        %add3A_383 = arith.addf %add3A_382, %bitcast_convert_type3A_380 : vector<16xf32>
        %lt3A_384 = arith.constant 4.096000e+03 : f32
        %lt3A_385 = vector.broadcast %lt3A_384 : f32 to vector<16xf32>
        %lt3A_386 = arith.cmpf olt, %add3A_383, %lt3A_385 : vector<16xf32>
        %max3A_387 = arith.constant 0.000000e+00 : f32
        %max3A_388 = vector.broadcast %max3A_387 : f32 to vector<16xf32>
        %max3A_389 = arith.maximumf %add3A_383, %max3A_388 : vector<16xf32>
        %min3A_390 = arith.constant 4.095000e+03 : f32
        %min3A_391 = vector.broadcast %min3A_390 : f32 to vector<16xf32>
        %min3A_392 = arith.minimumf %max3A_389, %min3A_391 : vector<16xf32>
        %convert_element_type3A_393 = arith.fptosi %min3A_392 : vector<16xf32> to vector<16xi32>
        %shift_left3A_394 = arith.constant 12 : i32
        %shift_left3A_395 = vector.broadcast %shift_left3A_394 : i32 to vector<16xi32>
        %shift_left3A_396 = arith.shli %get3A_213, %shift_left3A_395 : vector<16xi32>
        %add3A_397 = arith.addi %convert_element_type3A_393, %shift_left3A_396 : vector<16xi32>
        %mul3A_398 = arith.constant -5.120000e+02 : f32
        %mul3A_399 = vector.broadcast %mul3A_398 : f32 to vector<16xf32>
        %mul3A_400 = arith.mulf %get3A_216, %mul3A_399 : vector<16xf32>
        %bitcast_convert_type3A_401 = tpu.bitcast %mul3A_400 : vector<16xf32> -> vector<16xi32>
        %shift_left3A_402 = arith.constant 31 : i32
        %shift_left3A_403 = vector.broadcast %shift_left3A_402 : i32 to vector<16xi32>
        %shift_left3A_404 = arith.shli %get3A_219, %shift_left3A_403 : vector<16xi32>
        %xor3A_405 = arith.xori %bitcast_convert_type3A_401, %shift_left3A_404 : vector<16xi32>
        %bitcast_convert_type3A_406 = tpu.bitcast %xor3A_405 : vector<16xi32> -> vector<16xf32>
        %add3A_407 = arith.constant 3.584000e+03 : f32
        %add3A_408 = vector.broadcast %add3A_407 : f32 to vector<16xf32>
        %add3A_409 = arith.addf %add3A_408, %bitcast_convert_type3A_406 : vector<16xf32>
        %lt3A_410 = arith.constant 4.096000e+03 : f32
        %lt3A_411 = vector.broadcast %lt3A_410 : f32 to vector<16xf32>
        %lt3A_412 = arith.cmpf olt, %add3A_409, %lt3A_411 : vector<16xf32>
        %max3A_413 = arith.constant 0.000000e+00 : f32
        %max3A_414 = vector.broadcast %max3A_413 : f32 to vector<16xf32>
        %max3A_415 = arith.maximumf %add3A_409, %max3A_414 : vector<16xf32>
        %min3A_416 = arith.constant 4.095000e+03 : f32
        %min3A_417 = vector.broadcast %min3A_416 : f32 to vector<16xf32>
        %min3A_418 = arith.minimumf %max3A_415, %min3A_417 : vector<16xf32>
        %convert_element_type3A_419 = arith.fptosi %min3A_418 : vector<16xf32> to vector<16xi32>
        %shift_left3A_420 = arith.constant 12 : i32
        %shift_left3A_421 = vector.broadcast %shift_left3A_420 : i32 to vector<16xi32>
        %shift_left3A_422 = arith.shli %get3A_219, %shift_left3A_421 : vector<16xi32>
        %add3A_423 = arith.addi %convert_element_type3A_419, %shift_left3A_422 : vector<16xi32>
        %add3A_424 = arith.addi %get3A_177, %get3A_183 : vector<16xi32>
        %add3A_425 = arith.addi %get3A_189, %get3A_195 : vector<16xi32>
        %add3A_426 = arith.addi %get3A_201, %get3A_207 : vector<16xi32>
        %add3A_427 = arith.addi %get3A_213, %get3A_219 : vector<16xi32>
        %add3A_428 = arith.addi %add3A_424, %add3A_425 : vector<16xi32>
        %add3A_429 = arith.addi %add3A_426, %add3A_427 : vector<16xi32>
        %add3A_430 = arith.addi %add3A_428, %add3A_429 : vector<16xi32>
        %add3A_431 = arith.addi %scan3A_172, %add3A_430 : vector<16xi32>
        %get3A_432 = arith.index_cast %scan3A_171 : i32 to index
        %get3A_433 = arith.constant 128 : index
        %get3A_434 = tpu.vector_load %arg5[%get3A_432, %get3A_433] {strides = array<i32>} : memref<16x512xf32, #tpu.memory_space<vmem>>, vector<16xf32>,
        %get3A_435 = arith.index_cast %scan3A_171 : i32 to index
        %get3A_436 = arith.constant 128 : index
        %get3A_437 = tpu.vector_load %arg6[%get3A_435, %get3A_436] {strides = array<i32>} : memref<16x512xi32, #tpu.memory_space<vmem>>, vector<16xi32>,
        %get3A_438 = arith.index_cast %scan3A_171 : i32 to index
        %get3A_439 = arith.constant 144 : index
        %get3A_440 = tpu.vector_load %arg5[%get3A_438, %get3A_439] {strides = array<i32>} : memref<16x512xf32, #tpu.memory_space<vmem>>, vector<16xf32>,
        %get3A_441 = arith.index_cast %scan3A_171 : i32 to index
        %get3A_442 = arith.constant 144 : index
        %get3A_443 = tpu.vector_load %arg6[%get3A_441, %get3A_442] {strides = array<i32>} : memref<16x512xi32, #tpu.memory_space<vmem>>, vector<16xi32>,
        %get3A_444 = arith.index_cast %scan3A_171 : i32 to index
        %get3A_445 = arith.constant 160 : index
        %get3A_446 = tpu.vector_load %arg5[%get3A_444, %get3A_445] {strides = array<i32>} : memref<16x512xf32, #tpu.memory_space<vmem>>, vector<16xf32>,
        %get3A_447 = arith.index_cast %scan3A_171 : i32 to index
        %get3A_448 = arith.constant 160 : index
        %get3A_449 = tpu.vector_load %arg6[%get3A_447, %get3A_448] {strides = array<i32>} : memref<16x512xi32, #tpu.memory_space<vmem>>, vector<16xi32>,
        %get3A_450 = arith.index_cast %scan3A_171 : i32 to index
        %get3A_451 = arith.constant 176 : index
        %get3A_452 = tpu.vector_load %arg5[%get3A_450, %get3A_451] {strides = array<i32>} : memref<16x512xf32, #tpu.memory_space<vmem>>, vector<16xf32>,
        %get3A_453 = arith.index_cast %scan3A_171 : i32 to index
        %get3A_454 = arith.constant 176 : index
        %get3A_455 = tpu.vector_load %arg6[%get3A_453, %get3A_454] {strides = array<i32>} : memref<16x512xi32, #tpu.memory_space<vmem>>, vector<16xi32>,
        %get3A_456 = arith.index_cast %scan3A_171 : i32 to index
        %get3A_457 = arith.constant 192 : index
        %get3A_458 = tpu.vector_load %arg5[%get3A_456, %get3A_457] {strides = array<i32>} : memref<16x512xf32, #tpu.memory_space<vmem>>, vector<16xf32>,
        %get3A_459 = arith.index_cast %scan3A_171 : i32 to index
        %get3A_460 = arith.constant 192 : index
        %get3A_461 = tpu.vector_load %arg6[%get3A_459, %get3A_460] {strides = array<i32>} : memref<16x512xi32, #tpu.memory_space<vmem>>, vector<16xi32>,
        %get3A_462 = arith.index_cast %scan3A_171 : i32 to index
        %get3A_463 = arith.constant 208 : index
        %get3A_464 = tpu.vector_load %arg5[%get3A_462, %get3A_463] {strides = array<i32>} : memref<16x512xf32, #tpu.memory_space<vmem>>, vector<16xf32>,
        %get3A_465 = arith.index_cast %scan3A_171 : i32 to index
        %get3A_466 = arith.constant 208 : index
        %get3A_467 = tpu.vector_load %arg6[%get3A_465, %get3A_466] {strides = array<i32>} : memref<16x512xi32, #tpu.memory_space<vmem>>, vector<16xi32>,
        %get3A_468 = arith.index_cast %scan3A_171 : i32 to index
        %get3A_469 = arith.constant 224 : index
        %get3A_470 = tpu.vector_load %arg5[%get3A_468, %get3A_469] {strides = array<i32>} : memref<16x512xf32, #tpu.memory_space<vmem>>, vector<16xf32>,
        %get3A_471 = arith.index_cast %scan3A_171 : i32 to index
        %get3A_472 = arith.constant 224 : index
        %get3A_473 = tpu.vector_load %arg6[%get3A_471, %get3A_472] {strides = array<i32>} : memref<16x512xi32, #tpu.memory_space<vmem>>, vector<16xi32>,
        %get3A_474 = arith.index_cast %scan3A_171 : i32 to index
        %get3A_475 = arith.constant 240 : index
        %get3A_476 = tpu.vector_load %arg5[%get3A_474, %get3A_475] {strides = array<i32>} : memref<16x512xf32, #tpu.memory_space<vmem>>, vector<16xf32>,
        %get3A_477 = arith.index_cast %scan3A_171 : i32 to index
        %get3A_478 = arith.constant 240 : index
        %get3A_479 = tpu.vector_load %arg6[%get3A_477, %get3A_478] {strides = array<i32>} : memref<16x512xi32, #tpu.memory_space<vmem>>, vector<16xi32>,
        %mul3A_480 = arith.constant -5.120000e+02 : f32
        %mul3A_481 = vector.broadcast %mul3A_480 : f32 to vector<16xf32>
        %mul3A_482 = arith.mulf %get3A_434, %mul3A_481 : vector<16xf32>
        %bitcast_convert_type3A_483 = tpu.bitcast %mul3A_482 : vector<16xf32> -> vector<16xi32>
        %shift_left3A_484 = arith.constant 31 : i32
        %shift_left3A_485 = vector.broadcast %shift_left3A_484 : i32 to vector<16xi32>
        %shift_left3A_486 = arith.shli %get3A_437, %shift_left3A_485 : vector<16xi32>
        %xor3A_487 = arith.xori %bitcast_convert_type3A_483, %shift_left3A_486 : vector<16xi32>
        %bitcast_convert_type3A_488 = tpu.bitcast %xor3A_487 : vector<16xi32> -> vector<16xf32>
        %add3A_489 = arith.constant 3.584000e+03 : f32
        %add3A_490 = vector.broadcast %add3A_489 : f32 to vector<16xf32>
        %add3A_491 = arith.addf %add3A_490, %bitcast_convert_type3A_488 : vector<16xf32>
        %lt3A_492 = arith.constant 4.096000e+03 : f32
        %lt3A_493 = vector.broadcast %lt3A_492 : f32 to vector<16xf32>
        %lt3A_494 = arith.cmpf olt, %add3A_491, %lt3A_493 : vector<16xf32>
        %max3A_495 = arith.constant 0.000000e+00 : f32
        %max3A_496 = vector.broadcast %max3A_495 : f32 to vector<16xf32>
        %max3A_497 = arith.maximumf %add3A_491, %max3A_496 : vector<16xf32>
        %min3A_498 = arith.constant 4.095000e+03 : f32
        %min3A_499 = vector.broadcast %min3A_498 : f32 to vector<16xf32>
        %min3A_500 = arith.minimumf %max3A_497, %min3A_499 : vector<16xf32>
        %convert_element_type3A_501 = arith.fptosi %min3A_500 : vector<16xf32> to vector<16xi32>
        %shift_left3A_502 = arith.constant 12 : i32
        %shift_left3A_503 = vector.broadcast %shift_left3A_502 : i32 to vector<16xi32>
        %shift_left3A_504 = arith.shli %get3A_437, %shift_left3A_503 : vector<16xi32>
        %add3A_505 = arith.addi %convert_element_type3A_501, %shift_left3A_504 : vector<16xi32>
        %mul3A_506 = arith.constant -5.120000e+02 : f32
        %mul3A_507 = vector.broadcast %mul3A_506 : f32 to vector<16xf32>
        %mul3A_508 = arith.mulf %get3A_440, %mul3A_507 : vector<16xf32>
        %bitcast_convert_type3A_509 = tpu.bitcast %mul3A_508 : vector<16xf32> -> vector<16xi32>
        %shift_left3A_510 = arith.constant 31 : i32
        %shift_left3A_511 = vector.broadcast %shift_left3A_510 : i32 to vector<16xi32>
        %shift_left3A_512 = arith.shli %get3A_443, %shift_left3A_511 : vector<16xi32>
        %xor3A_513 = arith.xori %bitcast_convert_type3A_509, %shift_left3A_512 : vector<16xi32>
        %bitcast_convert_type3A_514 = tpu.bitcast %xor3A_513 : vector<16xi32> -> vector<16xf32>
        %add3A_515 = arith.constant 3.584000e+03 : f32
        %add3A_516 = vector.broadcast %add3A_515 : f32 to vector<16xf32>
        %add3A_517 = arith.addf %add3A_516, %bitcast_convert_type3A_514 : vector<16xf32>
        %lt3A_518 = arith.constant 4.096000e+03 : f32
        %lt3A_519 = vector.broadcast %lt3A_518 : f32 to vector<16xf32>
        %lt3A_520 = arith.cmpf olt, %add3A_517, %lt3A_519 : vector<16xf32>
        %max3A_521 = arith.constant 0.000000e+00 : f32
        %max3A_522 = vector.broadcast %max3A_521 : f32 to vector<16xf32>
        %max3A_523 = arith.maximumf %add3A_517, %max3A_522 : vector<16xf32>
        %min3A_524 = arith.constant 4.095000e+03 : f32
        %min3A_525 = vector.broadcast %min3A_524 : f32 to vector<16xf32>
        %min3A_526 = arith.minimumf %max3A_523, %min3A_525 : vector<16xf32>
        %convert_element_type3A_527 = arith.fptosi %min3A_526 : vector<16xf32> to vector<16xi32>
        %shift_left3A_528 = arith.constant 12 : i32
        %shift_left3A_529 = vector.broadcast %shift_left3A_528 : i32 to vector<16xi32>
        %shift_left3A_530 = arith.shli %get3A_443, %shift_left3A_529 : vector<16xi32>
        %add3A_531 = arith.addi %convert_element_type3A_527, %shift_left3A_530 : vector<16xi32>
        %mul3A_532 = arith.constant -5.120000e+02 : f32
        %mul3A_533 = vector.broadcast %mul3A_532 : f32 to vector<16xf32>
        %mul3A_534 = arith.mulf %get3A_446, %mul3A_533 : vector<16xf32>
        %bitcast_convert_type3A_535 = tpu.bitcast %mul3A_534 : vector<16xf32> -> vector<16xi32>
        %shift_left3A_536 = arith.constant 31 : i32
        %shift_left3A_537 = vector.broadcast %shift_left3A_536 : i32 to vector<16xi32>
        %shift_left3A_538 = arith.shli %get3A_449, %shift_left3A_537 : vector<16xi32>
        %xor3A_539 = arith.xori %bitcast_convert_type3A_535, %shift_left3A_538 : vector<16xi32>
        %bitcast_convert_type3A_540 = tpu.bitcast %xor3A_539 : vector<16xi32> -> vector<16xf32>
        %add3A_541 = arith.constant 3.584000e+03 : f32
        %add3A_542 = vector.broadcast %add3A_541 : f32 to vector<16xf32>
        %add3A_543 = arith.addf %add3A_542, %bitcast_convert_type3A_540 : vector<16xf32>
        %lt3A_544 = arith.constant 4.096000e+03 : f32
        %lt3A_545 = vector.broadcast %lt3A_544 : f32 to vector<16xf32>
        %lt3A_546 = arith.cmpf olt, %add3A_543, %lt3A_545 : vector<16xf32>
        %max3A_547 = arith.constant 0.000000e+00 : f32
        %max3A_548 = vector.broadcast %max3A_547 : f32 to vector<16xf32>
        %max3A_549 = arith.maximumf %add3A_543, %max3A_548 : vector<16xf32>
        %min3A_550 = arith.constant 4.095000e+03 : f32
        %min3A_551 = vector.broadcast %min3A_550 : f32 to vector<16xf32>
        %min3A_552 = arith.minimumf %max3A_549, %min3A_551 : vector<16xf32>
        %convert_element_type3A_553 = arith.fptosi %min3A_552 : vector<16xf32> to vector<16xi32>
        %shift_left3A_554 = arith.constant 12 : i32
        %shift_left3A_555 = vector.broadcast %shift_left3A_554 : i32 to vector<16xi32>
        %shift_left3A_556 = arith.shli %get3A_449, %shift_left3A_555 : vector<16xi32>
        %add3A_557 = arith.addi %convert_element_type3A_553, %shift_left3A_556 : vector<16xi32>
        %mul3A_558 = arith.constant -5.120000e+02 : f32
        %mul3A_559 = vector.broadcast %mul3A_558 : f32 to vector<16xf32>
        %mul3A_560 = arith.mulf %get3A_452, %mul3A_559 : vector<16xf32>
        %bitcast_convert_type3A_561 = tpu.bitcast %mul3A_560 : vector<16xf32> -> vector<16xi32>
        %shift_left3A_562 = arith.constant 31 : i32
        %shift_left3A_563 = vector.broadcast %shift_left3A_562 : i32 to vector<16xi32>
        %shift_left3A_564 = arith.shli %get3A_455, %shift_left3A_563 : vector<16xi32>
        %xor3A_565 = arith.xori %bitcast_convert_type3A_561, %shift_left3A_564 : vector<16xi32>
        %bitcast_convert_type3A_566 = tpu.bitcast %xor3A_565 : vector<16xi32> -> vector<16xf32>
        %add3A_567 = arith.constant 3.584000e+03 : f32
        %add3A_568 = vector.broadcast %add3A_567 : f32 to vector<16xf32>
        %add3A_569 = arith.addf %add3A_568, %bitcast_convert_type3A_566 : vector<16xf32>
        %lt3A_570 = arith.constant 4.096000e+03 : f32
        %lt3A_571 = vector.broadcast %lt3A_570 : f32 to vector<16xf32>
        %lt3A_572 = arith.cmpf olt, %add3A_569, %lt3A_571 : vector<16xf32>
        %max3A_573 = arith.constant 0.000000e+00 : f32
        %max3A_574 = vector.broadcast %max3A_573 : f32 to vector<16xf32>
        %max3A_575 = arith.maximumf %add3A_569, %max3A_574 : vector<16xf32>
        %min3A_576 = arith.constant 4.095000e+03 : f32
        %min3A_577 = vector.broadcast %min3A_576 : f32 to vector<16xf32>
        %min3A_578 = arith.minimumf %max3A_575, %min3A_577 : vector<16xf32>
        %convert_element_type3A_579 = arith.fptosi %min3A_578 : vector<16xf32> to vector<16xi32>
        %shift_left3A_580 = arith.constant 12 : i32
        %shift_left3A_581 = vector.broadcast %shift_left3A_580 : i32 to vector<16xi32>
        %shift_left3A_582 = arith.shli %get3A_455, %shift_left3A_581 : vector<16xi32>
        %add3A_583 = arith.addi %convert_element_type3A_579, %shift_left3A_582 : vector<16xi32>
        %mul3A_584 = arith.constant -5.120000e+02 : f32
        %mul3A_585 = vector.broadcast %mul3A_584 : f32 to vector<16xf32>
        %mul3A_586 = arith.mulf %get3A_458, %mul3A_585 : vector<16xf32>
        %bitcast_convert_type3A_587 = tpu.bitcast %mul3A_586 : vector<16xf32> -> vector<16xi32>
        %shift_left3A_588 = arith.constant 31 : i32
        %shift_left3A_589 = vector.broadcast %shift_left3A_588 : i32 to vector<16xi32>
        %shift_left3A_590 = arith.shli %get3A_461, %shift_left3A_589 : vector<16xi32>
        %xor3A_591 = arith.xori %bitcast_convert_type3A_587, %shift_left3A_590 : vector<16xi32>
        %bitcast_convert_type3A_592 = tpu.bitcast %xor3A_591 : vector<16xi32> -> vector<16xf32>
        %add3A_593 = arith.constant 3.584000e+03 : f32
        %add3A_594 = vector.broadcast %add3A_593 : f32 to vector<16xf32>
        %add3A_595 = arith.addf %add3A_594, %bitcast_convert_type3A_592 : vector<16xf32>
        %lt3A_596 = arith.constant 4.096000e+03 : f32
        %lt3A_597 = vector.broadcast %lt3A_596 : f32 to vector<16xf32>
        %lt3A_598 = arith.cmpf olt, %add3A_595, %lt3A_597 : vector<16xf32>
        %max3A_599 = arith.constant 0.000000e+00 : f32
        %max3A_600 = vector.broadcast %max3A_599 : f32 to vector<16xf32>
        %max3A_601 = arith.maximumf %add3A_595, %max3A_600 : vector<16xf32>
        %min3A_602 = arith.constant 4.095000e+03 : f32
        %min3A_603 = vector.broadcast %min3A_602 : f32 to vector<16xf32>
        %min3A_604 = arith.minimumf %max3A_601, %min3A_603 : vector<16xf32>
        %convert_element_type3A_605 = arith.fptosi %min3A_604 : vector<16xf32> to vector<16xi32>
        %shift_left3A_606 = arith.constant 12 : i32
        %shift_left3A_607 = vector.broadcast %shift_left3A_606 : i32 to vector<16xi32>
        %shift_left3A_608 = arith.shli %get3A_461, %shift_left3A_607 : vector<16xi32>
        %add3A_609 = arith.addi %convert_element_type3A_605, %shift_left3A_608 : vector<16xi32>
        %mul3A_610 = arith.constant -5.120000e+02 : f32
        %mul3A_611 = vector.broadcast %mul3A_610 : f32 to vector<16xf32>
        %mul3A_612 = arith.mulf %get3A_464, %mul3A_611 : vector<16xf32>
        %bitcast_convert_type3A_613 = tpu.bitcast %mul3A_612 : vector<16xf32> -> vector<16xi32>
        %shift_left3A_614 = arith.constant 31 : i32
        %shift_left3A_615 = vector.broadcast %shift_left3A_614 : i32 to vector<16xi32>
        %shift_left3A_616 = arith.shli %get3A_467, %shift_left3A_615 : vector<16xi32>
        %xor3A_617 = arith.xori %bitcast_convert_type3A_613, %shift_left3A_616 : vector<16xi32>
        %bitcast_convert_type3A_618 = tpu.bitcast %xor3A_617 : vector<16xi32> -> vector<16xf32>
        %add3A_619 = arith.constant 3.584000e+03 : f32
        %add3A_620 = vector.broadcast %add3A_619 : f32 to vector<16xf32>
        %add3A_621 = arith.addf %add3A_620, %bitcast_convert_type3A_618 : vector<16xf32>
        %lt3A_622 = arith.constant 4.096000e+03 : f32
        %lt3A_623 = vector.broadcast %lt3A_622 : f32 to vector<16xf32>
        %lt3A_624 = arith.cmpf olt, %add3A_621, %lt3A_623 : vector<16xf32>
        %max3A_625 = arith.constant 0.000000e+00 : f32
        %max3A_626 = vector.broadcast %max3A_625 : f32 to vector<16xf32>
        %max3A_627 = arith.maximumf %add3A_621, %max3A_626 : vector<16xf32>
        %min3A_628 = arith.constant 4.095000e+03 : f32
        %min3A_629 = vector.broadcast %min3A_628 : f32 to vector<16xf32>
        %min3A_630 = arith.minimumf %max3A_627, %min3A_629 : vector<16xf32>
        %convert_element_type3A_631 = arith.fptosi %min3A_630 : vector<16xf32> to vector<16xi32>
        %shift_left3A_632 = arith.constant 12 : i32
        %shift_left3A_633 = vector.broadcast %shift_left3A_632 : i32 to vector<16xi32>
        %shift_left3A_634 = arith.shli %get3A_467, %shift_left3A_633 : vector<16xi32>
        %add3A_635 = arith.addi %convert_element_type3A_631, %shift_left3A_634 : vector<16xi32>
        %mul3A_636 = arith.constant -5.120000e+02 : f32
        %mul3A_637 = vector.broadcast %mul3A_636 : f32 to vector<16xf32>
        %mul3A_638 = arith.mulf %get3A_470, %mul3A_637 : vector<16xf32>
        %bitcast_convert_type3A_639 = tpu.bitcast %mul3A_638 : vector<16xf32> -> vector<16xi32>
        %shift_left3A_640 = arith.constant 31 : i32
        %shift_left3A_641 = vector.broadcast %shift_left3A_640 : i32 to vector<16xi32>
        %shift_left3A_642 = arith.shli %get3A_473, %shift_left3A_641 : vector<16xi32>
        %xor3A_643 = arith.xori %bitcast_convert_type3A_639, %shift_left3A_642 : vector<16xi32>
        %bitcast_convert_type3A_644 = tpu.bitcast %xor3A_643 : vector<16xi32> -> vector<16xf32>
        %add3A_645 = arith.constant 3.584000e+03 : f32
        %add3A_646 = vector.broadcast %add3A_645 : f32 to vector<16xf32>
        %add3A_647 = arith.addf %add3A_646, %bitcast_convert_type3A_644 : vector<16xf32>
        %lt3A_648 = arith.constant 4.096000e+03 : f32
        %lt3A_649 = vector.broadcast %lt3A_648 : f32 to vector<16xf32>
        %lt3A_650 = arith.cmpf olt, %add3A_647, %lt3A_649 : vector<16xf32>
        %max3A_651 = arith.constant 0.000000e+00 : f32
        %max3A_652 = vector.broadcast %max3A_651 : f32 to vector<16xf32>
        %max3A_653 = arith.maximumf %add3A_647, %max3A_652 : vector<16xf32>
        %min3A_654 = arith.constant 4.095000e+03 : f32
        %min3A_655 = vector.broadcast %min3A_654 : f32 to vector<16xf32>
        %min3A_656 = arith.minimumf %max3A_653, %min3A_655 : vector<16xf32>
        %convert_element_type3A_657 = arith.fptosi %min3A_656 : vector<16xf32> to vector<16xi32>
        %shift_left3A_658 = arith.constant 12 : i32
        %shift_left3A_659 = vector.broadcast %shift_left3A_658 : i32 to vector<16xi32>
        %shift_left3A_660 = arith.shli %get3A_473, %shift_left3A_659 : vector<16xi32>
        %add3A_661 = arith.addi %convert_element_type3A_657, %shift_left3A_660 : vector<16xi32>
        %mul3A_662 = arith.constant -5.120000e+02 : f32
        %mul3A_663 = vector.broadcast %mul3A_662 : f32 to vector<16xf32>
        %mul3A_664 = arith.mulf %get3A_476, %mul3A_663 : vector<16xf32>
        %bitcast_convert_type3A_665 = tpu.bitcast %mul3A_664 : vector<16xf32> -> vector<16xi32>
        %shift_left3A_666 = arith.constant 31 : i32
        %shift_left3A_667 = vector.broadcast %shift_left3A_666 : i32 to vector<16xi32>
        %shift_left3A_668 = arith.shli %get3A_479, %shift_left3A_667 : vector<16xi32>
        %xor3A_669 = arith.xori %bitcast_convert_type3A_665, %shift_left3A_668 : vector<16xi32>
        %bitcast_convert_type3A_670 = tpu.bitcast %xor3A_669 : vector<16xi32> -> vector<16xf32>
        %add3A_671 = arith.constant 3.584000e+03 : f32
        %add3A_672 = vector.broadcast %add3A_671 : f32 to vector<16xf32>
        %add3A_673 = arith.addf %add3A_672, %bitcast_convert_type3A_670 : vector<16xf32>
        %lt3A_674 = arith.constant 4.096000e+03 : f32
        %lt3A_675 = vector.broadcast %lt3A_674 : f32 to vector<16xf32>
        %lt3A_676 = arith.cmpf olt, %add3A_673, %lt3A_675 : vector<16xf32>
        %max3A_677 = arith.constant 0.000000e+00 : f32
        %max3A_678 = vector.broadcast %max3A_677 : f32 to vector<16xf32>
        %max3A_679 = arith.maximumf %add3A_673, %max3A_678 : vector<16xf32>
        %min3A_680 = arith.constant 4.095000e+03 : f32
        %min3A_681 = vector.broadcast %min3A_680 : f32 to vector<16xf32>
        %min3A_682 = arith.minimumf %max3A_679, %min3A_681 : vector<16xf32>
        %convert_element_type3A_683 = arith.fptosi %min3A_682 : vector<16xf32> to vector<16xi32>
        %shift_left3A_684 = arith.constant 12 : i32
        %shift_left3A_685 = vector.broadcast %shift_left3A_684 : i32 to vector<16xi32>
        %shift_left3A_686 = arith.shli %get3A_479, %shift_left3A_685 : vector<16xi32>
        %add3A_687 = arith.addi %convert_element_type3A_683, %shift_left3A_686 : vector<16xi32>
        %add3A_688 = arith.addi %get3A_437, %get3A_443 : vector<16xi32>
        %add3A_689 = arith.addi %get3A_449, %get3A_455 : vector<16xi32>
        %add3A_690 = arith.addi %get3A_461, %get3A_467 : vector<16xi32>
        %add3A_691 = arith.addi %get3A_473, %get3A_479 : vector<16xi32>
        %add3A_692 = arith.addi %add3A_688, %add3A_689 : vector<16xi32>
        %add3A_693 = arith.addi %add3A_690, %add3A_691 : vector<16xi32>
        %add3A_694 = arith.addi %add3A_692, %add3A_693 : vector<16xi32>
        %add3A_695 = arith.addi %add3A_431, %add3A_694 : vector<16xi32>
        tpu.vector_store_idx %arg9[%add3A_241], %broadcast_in_dim3A_33 masked %lt3A_231 {add = true} : memref<8208xf32, #tpu.memory_space<vmem>>[vector<16xi32>], vector<16xf32>, vector<16xi1>
        tpu.vector_store_idx %arg9[%add3A_267], %broadcast_in_dim3A_33 masked %lt3A_256 {add = true} : memref<8208xf32, #tpu.memory_space<vmem>>[vector<16xi32>], vector<16xf32>, vector<16xi1>
        tpu.vector_store_idx %arg9[%add3A_293], %broadcast_in_dim3A_33 masked %lt3A_282 {add = true} : memref<8208xf32, #tpu.memory_space<vmem>>[vector<16xi32>], vector<16xf32>, vector<16xi1>
        tpu.vector_store_idx %arg9[%add3A_319], %broadcast_in_dim3A_33 masked %lt3A_308 {add = true} : memref<8208xf32, #tpu.memory_space<vmem>>[vector<16xi32>], vector<16xf32>, vector<16xi1>
        tpu.vector_store_idx %arg9[%add3A_345], %broadcast_in_dim3A_33 masked %lt3A_334 {add = true} : memref<8208xf32, #tpu.memory_space<vmem>>[vector<16xi32>], vector<16xf32>, vector<16xi1>
        tpu.vector_store_idx %arg9[%add3A_371], %broadcast_in_dim3A_33 masked %lt3A_360 {add = true} : memref<8208xf32, #tpu.memory_space<vmem>>[vector<16xi32>], vector<16xf32>, vector<16xi1>
        tpu.vector_store_idx %arg9[%add3A_397], %broadcast_in_dim3A_33 masked %lt3A_386 {add = true} : memref<8208xf32, #tpu.memory_space<vmem>>[vector<16xi32>], vector<16xf32>, vector<16xi1>
        tpu.vector_store_idx %arg9[%add3A_423], %broadcast_in_dim3A_33 masked %lt3A_412 {add = true} : memref<8208xf32, #tpu.memory_space<vmem>>[vector<16xi32>], vector<16xf32>, vector<16xi1>
        %get3A_696 = arith.index_cast %scan3A_171 : i32 to index
        %get3A_697 = arith.constant 256 : index
        %get3A_698 = tpu.vector_load %arg5[%get3A_696, %get3A_697] {strides = array<i32>} : memref<16x512xf32, #tpu.memory_space<vmem>>, vector<16xf32>,
        %get3A_699 = arith.index_cast %scan3A_171 : i32 to index
        %get3A_700 = arith.constant 256 : index
        %get3A_701 = tpu.vector_load %arg6[%get3A_699, %get3A_700] {strides = array<i32>} : memref<16x512xi32, #tpu.memory_space<vmem>>, vector<16xi32>,
        %get3A_702 = arith.index_cast %scan3A_171 : i32 to index
        %get3A_703 = arith.constant 272 : index
        %get3A_704 = tpu.vector_load %arg5[%get3A_702, %get3A_703] {strides = array<i32>} : memref<16x512xf32, #tpu.memory_space<vmem>>, vector<16xf32>,
        %get3A_705 = arith.index_cast %scan3A_171 : i32 to index
        %get3A_706 = arith.constant 272 : index
        %get3A_707 = tpu.vector_load %arg6[%get3A_705, %get3A_706] {strides = array<i32>} : memref<16x512xi32, #tpu.memory_space<vmem>>, vector<16xi32>,
        %get3A_708 = arith.index_cast %scan3A_171 : i32 to index
        %get3A_709 = arith.constant 288 : index
        %get3A_710 = tpu.vector_load %arg5[%get3A_708, %get3A_709] {strides = array<i32>} : memref<16x512xf32, #tpu.memory_space<vmem>>, vector<16xf32>,
        %get3A_711 = arith.index_cast %scan3A_171 : i32 to index
        %get3A_712 = arith.constant 288 : index
        %get3A_713 = tpu.vector_load %arg6[%get3A_711, %get3A_712] {strides = array<i32>} : memref<16x512xi32, #tpu.memory_space<vmem>>, vector<16xi32>,
        %get3A_714 = arith.index_cast %scan3A_171 : i32 to index
        %get3A_715 = arith.constant 304 : index
        %get3A_716 = tpu.vector_load %arg5[%get3A_714, %get3A_715] {strides = array<i32>} : memref<16x512xf32, #tpu.memory_space<vmem>>, vector<16xf32>,
        %get3A_717 = arith.index_cast %scan3A_171 : i32 to index
        %get3A_718 = arith.constant 304 : index
        %get3A_719 = tpu.vector_load %arg6[%get3A_717, %get3A_718] {strides = array<i32>} : memref<16x512xi32, #tpu.memory_space<vmem>>, vector<16xi32>,
        %get3A_720 = arith.index_cast %scan3A_171 : i32 to index
        %get3A_721 = arith.constant 320 : index
        %get3A_722 = tpu.vector_load %arg5[%get3A_720, %get3A_721] {strides = array<i32>} : memref<16x512xf32, #tpu.memory_space<vmem>>, vector<16xf32>,
        %get3A_723 = arith.index_cast %scan3A_171 : i32 to index
        %get3A_724 = arith.constant 320 : index
        %get3A_725 = tpu.vector_load %arg6[%get3A_723, %get3A_724] {strides = array<i32>} : memref<16x512xi32, #tpu.memory_space<vmem>>, vector<16xi32>,
        %get3A_726 = arith.index_cast %scan3A_171 : i32 to index
        %get3A_727 = arith.constant 336 : index
        %get3A_728 = tpu.vector_load %arg5[%get3A_726, %get3A_727] {strides = array<i32>} : memref<16x512xf32, #tpu.memory_space<vmem>>, vector<16xf32>,
        %get3A_729 = arith.index_cast %scan3A_171 : i32 to index
        %get3A_730 = arith.constant 336 : index
        %get3A_731 = tpu.vector_load %arg6[%get3A_729, %get3A_730] {strides = array<i32>} : memref<16x512xi32, #tpu.memory_space<vmem>>, vector<16xi32>,
        %get3A_732 = arith.index_cast %scan3A_171 : i32 to index
        %get3A_733 = arith.constant 352 : index
        %get3A_734 = tpu.vector_load %arg5[%get3A_732, %get3A_733] {strides = array<i32>} : memref<16x512xf32, #tpu.memory_space<vmem>>, vector<16xf32>,
        %get3A_735 = arith.index_cast %scan3A_171 : i32 to index
        %get3A_736 = arith.constant 352 : index
        %get3A_737 = tpu.vector_load %arg6[%get3A_735, %get3A_736] {strides = array<i32>} : memref<16x512xi32, #tpu.memory_space<vmem>>, vector<16xi32>,
        %get3A_738 = arith.index_cast %scan3A_171 : i32 to index
        %get3A_739 = arith.constant 368 : index
        %get3A_740 = tpu.vector_load %arg5[%get3A_738, %get3A_739] {strides = array<i32>} : memref<16x512xf32, #tpu.memory_space<vmem>>, vector<16xf32>,
        %get3A_741 = arith.index_cast %scan3A_171 : i32 to index
        %get3A_742 = arith.constant 368 : index
        %get3A_743 = tpu.vector_load %arg6[%get3A_741, %get3A_742] {strides = array<i32>} : memref<16x512xi32, #tpu.memory_space<vmem>>, vector<16xi32>,
        %mul3A_744 = arith.constant -5.120000e+02 : f32
        %mul3A_745 = vector.broadcast %mul3A_744 : f32 to vector<16xf32>
        %mul3A_746 = arith.mulf %get3A_698, %mul3A_745 : vector<16xf32>
        %bitcast_convert_type3A_747 = tpu.bitcast %mul3A_746 : vector<16xf32> -> vector<16xi32>
        %shift_left3A_748 = arith.constant 31 : i32
        %shift_left3A_749 = vector.broadcast %shift_left3A_748 : i32 to vector<16xi32>
        %shift_left3A_750 = arith.shli %get3A_701, %shift_left3A_749 : vector<16xi32>
        %xor3A_751 = arith.xori %bitcast_convert_type3A_747, %shift_left3A_750 : vector<16xi32>
        %bitcast_convert_type3A_752 = tpu.bitcast %xor3A_751 : vector<16xi32> -> vector<16xf32>
        %add3A_753 = arith.constant 3.584000e+03 : f32
        %add3A_754 = vector.broadcast %add3A_753 : f32 to vector<16xf32>
        %add3A_755 = arith.addf %add3A_754, %bitcast_convert_type3A_752 : vector<16xf32>
        %lt3A_756 = arith.constant 4.096000e+03 : f32
        %lt3A_757 = vector.broadcast %lt3A_756 : f32 to vector<16xf32>
        %lt3A_758 = arith.cmpf olt, %add3A_755, %lt3A_757 : vector<16xf32>
        %max3A_759 = arith.constant 0.000000e+00 : f32
        %max3A_760 = vector.broadcast %max3A_759 : f32 to vector<16xf32>
        %max3A_761 = arith.maximumf %add3A_755, %max3A_760 : vector<16xf32>
        %min3A_762 = arith.constant 4.095000e+03 : f32
        %min3A_763 = vector.broadcast %min3A_762 : f32 to vector<16xf32>
        %min3A_764 = arith.minimumf %max3A_761, %min3A_763 : vector<16xf32>
        %convert_element_type3A_765 = arith.fptosi %min3A_764 : vector<16xf32> to vector<16xi32>
        %shift_left3A_766 = arith.constant 12 : i32
        %shift_left3A_767 = vector.broadcast %shift_left3A_766 : i32 to vector<16xi32>
        %shift_left3A_768 = arith.shli %get3A_701, %shift_left3A_767 : vector<16xi32>
        %add3A_769 = arith.addi %convert_element_type3A_765, %shift_left3A_768 : vector<16xi32>
        %mul3A_770 = arith.constant -5.120000e+02 : f32
        %mul3A_771 = vector.broadcast %mul3A_770 : f32 to vector<16xf32>
        %mul3A_772 = arith.mulf %get3A_704, %mul3A_771 : vector<16xf32>
        %bitcast_convert_type3A_773 = tpu.bitcast %mul3A_772 : vector<16xf32> -> vector<16xi32>
        %shift_left3A_774 = arith.constant 31 : i32
        %shift_left3A_775 = vector.broadcast %shift_left3A_774 : i32 to vector<16xi32>
        %shift_left3A_776 = arith.shli %get3A_707, %shift_left3A_775 : vector<16xi32>
        %xor3A_777 = arith.xori %bitcast_convert_type3A_773, %shift_left3A_776 : vector<16xi32>
        %bitcast_convert_type3A_778 = tpu.bitcast %xor3A_777 : vector<16xi32> -> vector<16xf32>
        %add3A_779 = arith.constant 3.584000e+03 : f32
        %add3A_780 = vector.broadcast %add3A_779 : f32 to vector<16xf32>
        %add3A_781 = arith.addf %add3A_780, %bitcast_convert_type3A_778 : vector<16xf32>
        %lt3A_782 = arith.constant 4.096000e+03 : f32
        %lt3A_783 = vector.broadcast %lt3A_782 : f32 to vector<16xf32>
        %lt3A_784 = arith.cmpf olt, %add3A_781, %lt3A_783 : vector<16xf32>
        %max3A_785 = arith.constant 0.000000e+00 : f32
        %max3A_786 = vector.broadcast %max3A_785 : f32 to vector<16xf32>
        %max3A_787 = arith.maximumf %add3A_781, %max3A_786 : vector<16xf32>
        %min3A_788 = arith.constant 4.095000e+03 : f32
        %min3A_789 = vector.broadcast %min3A_788 : f32 to vector<16xf32>
        %min3A_790 = arith.minimumf %max3A_787, %min3A_789 : vector<16xf32>
        %convert_element_type3A_791 = arith.fptosi %min3A_790 : vector<16xf32> to vector<16xi32>
        %shift_left3A_792 = arith.constant 12 : i32
        %shift_left3A_793 = vector.broadcast %shift_left3A_792 : i32 to vector<16xi32>
        %shift_left3A_794 = arith.shli %get3A_707, %shift_left3A_793 : vector<16xi32>
        %add3A_795 = arith.addi %convert_element_type3A_791, %shift_left3A_794 : vector<16xi32>
        %mul3A_796 = arith.constant -5.120000e+02 : f32
        %mul3A_797 = vector.broadcast %mul3A_796 : f32 to vector<16xf32>
        %mul3A_798 = arith.mulf %get3A_710, %mul3A_797 : vector<16xf32>
        %bitcast_convert_type3A_799 = tpu.bitcast %mul3A_798 : vector<16xf32> -> vector<16xi32>
        %shift_left3A_800 = arith.constant 31 : i32
        %shift_left3A_801 = vector.broadcast %shift_left3A_800 : i32 to vector<16xi32>
        %shift_left3A_802 = arith.shli %get3A_713, %shift_left3A_801 : vector<16xi32>
        %xor3A_803 = arith.xori %bitcast_convert_type3A_799, %shift_left3A_802 : vector<16xi32>
        %bitcast_convert_type3A_804 = tpu.bitcast %xor3A_803 : vector<16xi32> -> vector<16xf32>
        %add3A_805 = arith.constant 3.584000e+03 : f32
        %add3A_806 = vector.broadcast %add3A_805 : f32 to vector<16xf32>
        %add3A_807 = arith.addf %add3A_806, %bitcast_convert_type3A_804 : vector<16xf32>
        %lt3A_808 = arith.constant 4.096000e+03 : f32
        %lt3A_809 = vector.broadcast %lt3A_808 : f32 to vector<16xf32>
        %lt3A_810 = arith.cmpf olt, %add3A_807, %lt3A_809 : vector<16xf32>
        %max3A_811 = arith.constant 0.000000e+00 : f32
        %max3A_812 = vector.broadcast %max3A_811 : f32 to vector<16xf32>
        %max3A_813 = arith.maximumf %add3A_807, %max3A_812 : vector<16xf32>
        %min3A_814 = arith.constant 4.095000e+03 : f32
        %min3A_815 = vector.broadcast %min3A_814 : f32 to vector<16xf32>
        %min3A_816 = arith.minimumf %max3A_813, %min3A_815 : vector<16xf32>
        %convert_element_type3A_817 = arith.fptosi %min3A_816 : vector<16xf32> to vector<16xi32>
        %shift_left3A_818 = arith.constant 12 : i32
        %shift_left3A_819 = vector.broadcast %shift_left3A_818 : i32 to vector<16xi32>
        %shift_left3A_820 = arith.shli %get3A_713, %shift_left3A_819 : vector<16xi32>
        %add3A_821 = arith.addi %convert_element_type3A_817, %shift_left3A_820 : vector<16xi32>
        %mul3A_822 = arith.constant -5.120000e+02 : f32
        %mul3A_823 = vector.broadcast %mul3A_822 : f32 to vector<16xf32>
        %mul3A_824 = arith.mulf %get3A_716, %mul3A_823 : vector<16xf32>
        %bitcast_convert_type3A_825 = tpu.bitcast %mul3A_824 : vector<16xf32> -> vector<16xi32>
        %shift_left3A_826 = arith.constant 31 : i32
        %shift_left3A_827 = vector.broadcast %shift_left3A_826 : i32 to vector<16xi32>
        %shift_left3A_828 = arith.shli %get3A_719, %shift_left3A_827 : vector<16xi32>
        %xor3A_829 = arith.xori %bitcast_convert_type3A_825, %shift_left3A_828 : vector<16xi32>
        %bitcast_convert_type3A_830 = tpu.bitcast %xor3A_829 : vector<16xi32> -> vector<16xf32>
        %add3A_831 = arith.constant 3.584000e+03 : f32
        %add3A_832 = vector.broadcast %add3A_831 : f32 to vector<16xf32>
        %add3A_833 = arith.addf %add3A_832, %bitcast_convert_type3A_830 : vector<16xf32>
        %lt3A_834 = arith.constant 4.096000e+03 : f32
        %lt3A_835 = vector.broadcast %lt3A_834 : f32 to vector<16xf32>
        %lt3A_836 = arith.cmpf olt, %add3A_833, %lt3A_835 : vector<16xf32>
        %max3A_837 = arith.constant 0.000000e+00 : f32
        %max3A_838 = vector.broadcast %max3A_837 : f32 to vector<16xf32>
        %max3A_839 = arith.maximumf %add3A_833, %max3A_838 : vector<16xf32>
        %min3A_840 = arith.constant 4.095000e+03 : f32
        %min3A_841 = vector.broadcast %min3A_840 : f32 to vector<16xf32>
        %min3A_842 = arith.minimumf %max3A_839, %min3A_841 : vector<16xf32>
        %convert_element_type3A_843 = arith.fptosi %min3A_842 : vector<16xf32> to vector<16xi32>
        %shift_left3A_844 = arith.constant 12 : i32
        %shift_left3A_845 = vector.broadcast %shift_left3A_844 : i32 to vector<16xi32>
        %shift_left3A_846 = arith.shli %get3A_719, %shift_left3A_845 : vector<16xi32>
        %add3A_847 = arith.addi %convert_element_type3A_843, %shift_left3A_846 : vector<16xi32>
        %mul3A_848 = arith.constant -5.120000e+02 : f32
        %mul3A_849 = vector.broadcast %mul3A_848 : f32 to vector<16xf32>
        %mul3A_850 = arith.mulf %get3A_722, %mul3A_849 : vector<16xf32>
        %bitcast_convert_type3A_851 = tpu.bitcast %mul3A_850 : vector<16xf32> -> vector<16xi32>
        %shift_left3A_852 = arith.constant 31 : i32
        %shift_left3A_853 = vector.broadcast %shift_left3A_852 : i32 to vector<16xi32>
        %shift_left3A_854 = arith.shli %get3A_725, %shift_left3A_853 : vector<16xi32>
        %xor3A_855 = arith.xori %bitcast_convert_type3A_851, %shift_left3A_854 : vector<16xi32>
        %bitcast_convert_type3A_856 = tpu.bitcast %xor3A_855 : vector<16xi32> -> vector<16xf32>
        %add3A_857 = arith.constant 3.584000e+03 : f32
        %add3A_858 = vector.broadcast %add3A_857 : f32 to vector<16xf32>
        %add3A_859 = arith.addf %add3A_858, %bitcast_convert_type3A_856 : vector<16xf32>
        %lt3A_860 = arith.constant 4.096000e+03 : f32
        %lt3A_861 = vector.broadcast %lt3A_860 : f32 to vector<16xf32>
        %lt3A_862 = arith.cmpf olt, %add3A_859, %lt3A_861 : vector<16xf32>
        %max3A_863 = arith.constant 0.000000e+00 : f32
        %max3A_864 = vector.broadcast %max3A_863 : f32 to vector<16xf32>
        %max3A_865 = arith.maximumf %add3A_859, %max3A_864 : vector<16xf32>
        %min3A_866 = arith.constant 4.095000e+03 : f32
        %min3A_867 = vector.broadcast %min3A_866 : f32 to vector<16xf32>
        %min3A_868 = arith.minimumf %max3A_865, %min3A_867 : vector<16xf32>
        %convert_element_type3A_869 = arith.fptosi %min3A_868 : vector<16xf32> to vector<16xi32>
        %shift_left3A_870 = arith.constant 12 : i32
        %shift_left3A_871 = vector.broadcast %shift_left3A_870 : i32 to vector<16xi32>
        %shift_left3A_872 = arith.shli %get3A_725, %shift_left3A_871 : vector<16xi32>
        %add3A_873 = arith.addi %convert_element_type3A_869, %shift_left3A_872 : vector<16xi32>
        %mul3A_874 = arith.constant -5.120000e+02 : f32
        %mul3A_875 = vector.broadcast %mul3A_874 : f32 to vector<16xf32>
        %mul3A_876 = arith.mulf %get3A_728, %mul3A_875 : vector<16xf32>
        %bitcast_convert_type3A_877 = tpu.bitcast %mul3A_876 : vector<16xf32> -> vector<16xi32>
        %shift_left3A_878 = arith.constant 31 : i32
        %shift_left3A_879 = vector.broadcast %shift_left3A_878 : i32 to vector<16xi32>
        %shift_left3A_880 = arith.shli %get3A_731, %shift_left3A_879 : vector<16xi32>
        %xor3A_881 = arith.xori %bitcast_convert_type3A_877, %shift_left3A_880 : vector<16xi32>
        %bitcast_convert_type3A_882 = tpu.bitcast %xor3A_881 : vector<16xi32> -> vector<16xf32>
        %add3A_883 = arith.constant 3.584000e+03 : f32
        %add3A_884 = vector.broadcast %add3A_883 : f32 to vector<16xf32>
        %add3A_885 = arith.addf %add3A_884, %bitcast_convert_type3A_882 : vector<16xf32>
        %lt3A_886 = arith.constant 4.096000e+03 : f32
        %lt3A_887 = vector.broadcast %lt3A_886 : f32 to vector<16xf32>
        %lt3A_888 = arith.cmpf olt, %add3A_885, %lt3A_887 : vector<16xf32>
        %max3A_889 = arith.constant 0.000000e+00 : f32
        %max3A_890 = vector.broadcast %max3A_889 : f32 to vector<16xf32>
        %max3A_891 = arith.maximumf %add3A_885, %max3A_890 : vector<16xf32>
        %min3A_892 = arith.constant 4.095000e+03 : f32
        %min3A_893 = vector.broadcast %min3A_892 : f32 to vector<16xf32>
        %min3A_894 = arith.minimumf %max3A_891, %min3A_893 : vector<16xf32>
        %convert_element_type3A_895 = arith.fptosi %min3A_894 : vector<16xf32> to vector<16xi32>
        %shift_left3A_896 = arith.constant 12 : i32
        %shift_left3A_897 = vector.broadcast %shift_left3A_896 : i32 to vector<16xi32>
        %shift_left3A_898 = arith.shli %get3A_731, %shift_left3A_897 : vector<16xi32>
        %add3A_899 = arith.addi %convert_element_type3A_895, %shift_left3A_898 : vector<16xi32>
        %mul3A_900 = arith.constant -5.120000e+02 : f32
        %mul3A_901 = vector.broadcast %mul3A_900 : f32 to vector<16xf32>
        %mul3A_902 = arith.mulf %get3A_734, %mul3A_901 : vector<16xf32>
        %bitcast_convert_type3A_903 = tpu.bitcast %mul3A_902 : vector<16xf32> -> vector<16xi32>
        %shift_left3A_904 = arith.constant 31 : i32
        %shift_left3A_905 = vector.broadcast %shift_left3A_904 : i32 to vector<16xi32>
        %shift_left3A_906 = arith.shli %get3A_737, %shift_left3A_905 : vector<16xi32>
        %xor3A_907 = arith.xori %bitcast_convert_type3A_903, %shift_left3A_906 : vector<16xi32>
        %bitcast_convert_type3A_908 = tpu.bitcast %xor3A_907 : vector<16xi32> -> vector<16xf32>
        %add3A_909 = arith.constant 3.584000e+03 : f32
        %add3A_910 = vector.broadcast %add3A_909 : f32 to vector<16xf32>
        %add3A_911 = arith.addf %add3A_910, %bitcast_convert_type3A_908 : vector<16xf32>
        %lt3A_912 = arith.constant 4.096000e+03 : f32
        %lt3A_913 = vector.broadcast %lt3A_912 : f32 to vector<16xf32>
        %lt3A_914 = arith.cmpf olt, %add3A_911, %lt3A_913 : vector<16xf32>
        %max3A_915 = arith.constant 0.000000e+00 : f32
        %max3A_916 = vector.broadcast %max3A_915 : f32 to vector<16xf32>
        %max3A_917 = arith.maximumf %add3A_911, %max3A_916 : vector<16xf32>
        %min3A_918 = arith.constant 4.095000e+03 : f32
        %min3A_919 = vector.broadcast %min3A_918 : f32 to vector<16xf32>
        %min3A_920 = arith.minimumf %max3A_917, %min3A_919 : vector<16xf32>
        %convert_element_type3A_921 = arith.fptosi %min3A_920 : vector<16xf32> to vector<16xi32>
        %shift_left3A_922 = arith.constant 12 : i32
        %shift_left3A_923 = vector.broadcast %shift_left3A_922 : i32 to vector<16xi32>
        %shift_left3A_924 = arith.shli %get3A_737, %shift_left3A_923 : vector<16xi32>
        %add3A_925 = arith.addi %convert_element_type3A_921, %shift_left3A_924 : vector<16xi32>
        %mul3A_926 = arith.constant -5.120000e+02 : f32
        %mul3A_927 = vector.broadcast %mul3A_926 : f32 to vector<16xf32>
        %mul3A_928 = arith.mulf %get3A_740, %mul3A_927 : vector<16xf32>
        %bitcast_convert_type3A_929 = tpu.bitcast %mul3A_928 : vector<16xf32> -> vector<16xi32>
        %shift_left3A_930 = arith.constant 31 : i32
        %shift_left3A_931 = vector.broadcast %shift_left3A_930 : i32 to vector<16xi32>
        %shift_left3A_932 = arith.shli %get3A_743, %shift_left3A_931 : vector<16xi32>
        %xor3A_933 = arith.xori %bitcast_convert_type3A_929, %shift_left3A_932 : vector<16xi32>
        %bitcast_convert_type3A_934 = tpu.bitcast %xor3A_933 : vector<16xi32> -> vector<16xf32>
        %add3A_935 = arith.constant 3.584000e+03 : f32
        %add3A_936 = vector.broadcast %add3A_935 : f32 to vector<16xf32>
        %add3A_937 = arith.addf %add3A_936, %bitcast_convert_type3A_934 : vector<16xf32>
        %lt3A_938 = arith.constant 4.096000e+03 : f32
        %lt3A_939 = vector.broadcast %lt3A_938 : f32 to vector<16xf32>
        %lt3A_940 = arith.cmpf olt, %add3A_937, %lt3A_939 : vector<16xf32>
        %max3A_941 = arith.constant 0.000000e+00 : f32
        %max3A_942 = vector.broadcast %max3A_941 : f32 to vector<16xf32>
        %max3A_943 = arith.maximumf %add3A_937, %max3A_942 : vector<16xf32>
        %min3A_944 = arith.constant 4.095000e+03 : f32
        %min3A_945 = vector.broadcast %min3A_944 : f32 to vector<16xf32>
        %min3A_946 = arith.minimumf %max3A_943, %min3A_945 : vector<16xf32>
        %convert_element_type3A_947 = arith.fptosi %min3A_946 : vector<16xf32> to vector<16xi32>
        %shift_left3A_948 = arith.constant 12 : i32
        %shift_left3A_949 = vector.broadcast %shift_left3A_948 : i32 to vector<16xi32>
        %shift_left3A_950 = arith.shli %get3A_743, %shift_left3A_949 : vector<16xi32>
        %add3A_951 = arith.addi %convert_element_type3A_947, %shift_left3A_950 : vector<16xi32>
        %add3A_952 = arith.addi %get3A_701, %get3A_707 : vector<16xi32>
        %add3A_953 = arith.addi %get3A_713, %get3A_719 : vector<16xi32>
        %add3A_954 = arith.addi %get3A_725, %get3A_731 : vector<16xi32>
        %add3A_955 = arith.addi %get3A_737, %get3A_743 : vector<16xi32>
        %add3A_956 = arith.addi %add3A_952, %add3A_953 : vector<16xi32>
        %add3A_957 = arith.addi %add3A_954, %add3A_955 : vector<16xi32>
        %add3A_958 = arith.addi %add3A_956, %add3A_957 : vector<16xi32>
        %add3A_959 = arith.addi %add3A_695, %add3A_958 : vector<16xi32>
        tpu.vector_store_idx %arg9[%add3A_505], %broadcast_in_dim3A_33 masked %lt3A_494 {add = true} : memref<8208xf32, #tpu.memory_space<vmem>>[vector<16xi32>], vector<16xf32>, vector<16xi1>
        tpu.vector_store_idx %arg9[%add3A_531], %broadcast_in_dim3A_33 masked %lt3A_520 {add = true} : memref<8208xf32, #tpu.memory_space<vmem>>[vector<16xi32>], vector<16xf32>, vector<16xi1>
        tpu.vector_store_idx %arg9[%add3A_557], %broadcast_in_dim3A_33 masked %lt3A_546 {add = true} : memref<8208xf32, #tpu.memory_space<vmem>>[vector<16xi32>], vector<16xf32>, vector<16xi1>
        tpu.vector_store_idx %arg9[%add3A_583], %broadcast_in_dim3A_33 masked %lt3A_572 {add = true} : memref<8208xf32, #tpu.memory_space<vmem>>[vector<16xi32>], vector<16xf32>, vector<16xi1>
        tpu.vector_store_idx %arg9[%add3A_609], %broadcast_in_dim3A_33 masked %lt3A_598 {add = true} : memref<8208xf32, #tpu.memory_space<vmem>>[vector<16xi32>], vector<16xf32>, vector<16xi1>
        tpu.vector_store_idx %arg9[%add3A_635], %broadcast_in_dim3A_33 masked %lt3A_624 {add = true} : memref<8208xf32, #tpu.memory_space<vmem>>[vector<16xi32>], vector<16xf32>, vector<16xi1>
        tpu.vector_store_idx %arg9[%add3A_661], %broadcast_in_dim3A_33 masked %lt3A_650 {add = true} : memref<8208xf32, #tpu.memory_space<vmem>>[vector<16xi32>], vector<16xf32>, vector<16xi1>
        tpu.vector_store_idx %arg9[%add3A_687], %broadcast_in_dim3A_33 masked %lt3A_676 {add = true} : memref<8208xf32, #tpu.memory_space<vmem>>[vector<16xi32>], vector<16xf32>, vector<16xi1>
        %get3A_960 = arith.index_cast %scan3A_171 : i32 to index
        %get3A_961 = arith.constant 384 : index
        %get3A_962 = tpu.vector_load %arg5[%get3A_960, %get3A_961] {strides = array<i32>} : memref<16x512xf32, #tpu.memory_space<vmem>>, vector<16xf32>,
        %get3A_963 = arith.index_cast %scan3A_171 : i32 to index
        %get3A_964 = arith.constant 384 : index
        %get3A_965 = tpu.vector_load %arg6[%get3A_963, %get3A_964] {strides = array<i32>} : memref<16x512xi32, #tpu.memory_space<vmem>>, vector<16xi32>,
        %get3A_966 = arith.index_cast %scan3A_171 : i32 to index
        %get3A_967 = arith.constant 400 : index
        %get3A_968 = tpu.vector_load %arg5[%get3A_966, %get3A_967] {strides = array<i32>} : memref<16x512xf32, #tpu.memory_space<vmem>>, vector<16xf32>,
        %get3A_969 = arith.index_cast %scan3A_171 : i32 to index
        %get3A_970 = arith.constant 400 : index
        %get3A_971 = tpu.vector_load %arg6[%get3A_969, %get3A_970] {strides = array<i32>} : memref<16x512xi32, #tpu.memory_space<vmem>>, vector<16xi32>,
        %get3A_972 = arith.index_cast %scan3A_171 : i32 to index
        %get3A_973 = arith.constant 416 : index
        %get3A_974 = tpu.vector_load %arg5[%get3A_972, %get3A_973] {strides = array<i32>} : memref<16x512xf32, #tpu.memory_space<vmem>>, vector<16xf32>,
        %get3A_975 = arith.index_cast %scan3A_171 : i32 to index
        %get3A_976 = arith.constant 416 : index
        %get3A_977 = tpu.vector_load %arg6[%get3A_975, %get3A_976] {strides = array<i32>} : memref<16x512xi32, #tpu.memory_space<vmem>>, vector<16xi32>,
        %get3A_978 = arith.index_cast %scan3A_171 : i32 to index
        %get3A_979 = arith.constant 432 : index
        %get3A_980 = tpu.vector_load %arg5[%get3A_978, %get3A_979] {strides = array<i32>} : memref<16x512xf32, #tpu.memory_space<vmem>>, vector<16xf32>,
        %get3A_981 = arith.index_cast %scan3A_171 : i32 to index
        %get3A_982 = arith.constant 432 : index
        %get3A_983 = tpu.vector_load %arg6[%get3A_981, %get3A_982] {strides = array<i32>} : memref<16x512xi32, #tpu.memory_space<vmem>>, vector<16xi32>,
        %get3A_984 = arith.index_cast %scan3A_171 : i32 to index
        %get3A_985 = arith.constant 448 : index
        %get3A_986 = tpu.vector_load %arg5[%get3A_984, %get3A_985] {strides = array<i32>} : memref<16x512xf32, #tpu.memory_space<vmem>>, vector<16xf32>,
        %get3A_987 = arith.index_cast %scan3A_171 : i32 to index
        %get3A_988 = arith.constant 448 : index
        %get3A_989 = tpu.vector_load %arg6[%get3A_987, %get3A_988] {strides = array<i32>} : memref<16x512xi32, #tpu.memory_space<vmem>>, vector<16xi32>,
        %get3A_990 = arith.index_cast %scan3A_171 : i32 to index
        %get3A_991 = arith.constant 464 : index
        %get3A_992 = tpu.vector_load %arg5[%get3A_990, %get3A_991] {strides = array<i32>} : memref<16x512xf32, #tpu.memory_space<vmem>>, vector<16xf32>,
        %get3A_993 = arith.index_cast %scan3A_171 : i32 to index
        %get3A_994 = arith.constant 464 : index
        %get3A_995 = tpu.vector_load %arg6[%get3A_993, %get3A_994] {strides = array<i32>} : memref<16x512xi32, #tpu.memory_space<vmem>>, vector<16xi32>,
        %get3A_996 = arith.index_cast %scan3A_171 : i32 to index
        %get3A_997 = arith.constant 480 : index
        %get3A_998 = tpu.vector_load %arg5[%get3A_996, %get3A_997] {strides = array<i32>} : memref<16x512xf32, #tpu.memory_space<vmem>>, vector<16xf32>,
        %get3A_999 = arith.index_cast %scan3A_171 : i32 to index
        %get3A_1000 = arith.constant 480 : index
        %get3A_1001 = tpu.vector_load %arg6[%get3A_999, %get3A_1000] {strides = array<i32>} : memref<16x512xi32, #tpu.memory_space<vmem>>, vector<16xi32>,
        %get3A_1002 = arith.index_cast %scan3A_171 : i32 to index
        %get3A_1003 = arith.constant 496 : index
        %get3A_1004 = tpu.vector_load %arg5[%get3A_1002, %get3A_1003] {strides = array<i32>} : memref<16x512xf32, #tpu.memory_space<vmem>>, vector<16xf32>,
        %get3A_1005 = arith.index_cast %scan3A_171 : i32 to index
        %get3A_1006 = arith.constant 496 : index
        %get3A_1007 = tpu.vector_load %arg6[%get3A_1005, %get3A_1006] {strides = array<i32>} : memref<16x512xi32, #tpu.memory_space<vmem>>, vector<16xi32>,
        %mul3A_1008 = arith.constant -5.120000e+02 : f32
        %mul3A_1009 = vector.broadcast %mul3A_1008 : f32 to vector<16xf32>
        %mul3A_1010 = arith.mulf %get3A_962, %mul3A_1009 : vector<16xf32>
        %bitcast_convert_type3A_1011 = tpu.bitcast %mul3A_1010 : vector<16xf32> -> vector<16xi32>
        %shift_left3A_1012 = arith.constant 31 : i32
        %shift_left3A_1013 = vector.broadcast %shift_left3A_1012 : i32 to vector<16xi32>
        %shift_left3A_1014 = arith.shli %get3A_965, %shift_left3A_1013 : vector<16xi32>
        %xor3A_1015 = arith.xori %bitcast_convert_type3A_1011, %shift_left3A_1014 : vector<16xi32>
        %bitcast_convert_type3A_1016 = tpu.bitcast %xor3A_1015 : vector<16xi32> -> vector<16xf32>
        %add3A_1017 = arith.constant 3.584000e+03 : f32
        %add3A_1018 = vector.broadcast %add3A_1017 : f32 to vector<16xf32>
        %add3A_1019 = arith.addf %add3A_1018, %bitcast_convert_type3A_1016 : vector<16xf32>
        %lt3A_1020 = arith.constant 4.096000e+03 : f32
        %lt3A_1021 = vector.broadcast %lt3A_1020 : f32 to vector<16xf32>
        %lt3A_1022 = arith.cmpf olt, %add3A_1019, %lt3A_1021 : vector<16xf32>
        %max3A_1023 = arith.constant 0.000000e+00 : f32
        %max3A_1024 = vector.broadcast %max3A_1023 : f32 to vector<16xf32>
        %max3A_1025 = arith.maximumf %add3A_1019, %max3A_1024 : vector<16xf32>
        %min3A_1026 = arith.constant 4.095000e+03 : f32
        %min3A_1027 = vector.broadcast %min3A_1026 : f32 to vector<16xf32>
        %min3A_1028 = arith.minimumf %max3A_1025, %min3A_1027 : vector<16xf32>
        %convert_element_type3A_1029 = arith.fptosi %min3A_1028 : vector<16xf32> to vector<16xi32>
        %shift_left3A_1030 = arith.constant 12 : i32
        %shift_left3A_1031 = vector.broadcast %shift_left3A_1030 : i32 to vector<16xi32>
        %shift_left3A_1032 = arith.shli %get3A_965, %shift_left3A_1031 : vector<16xi32>
        %add3A_1033 = arith.addi %convert_element_type3A_1029, %shift_left3A_1032 : vector<16xi32>
        %mul3A_1034 = arith.constant -5.120000e+02 : f32
        %mul3A_1035 = vector.broadcast %mul3A_1034 : f32 to vector<16xf32>
        %mul3A_1036 = arith.mulf %get3A_968, %mul3A_1035 : vector<16xf32>
        %bitcast_convert_type3A_1037 = tpu.bitcast %mul3A_1036 : vector<16xf32> -> vector<16xi32>
        %shift_left3A_1038 = arith.constant 31 : i32
        %shift_left3A_1039 = vector.broadcast %shift_left3A_1038 : i32 to vector<16xi32>
        %shift_left3A_1040 = arith.shli %get3A_971, %shift_left3A_1039 : vector<16xi32>
        %xor3A_1041 = arith.xori %bitcast_convert_type3A_1037, %shift_left3A_1040 : vector<16xi32>
        %bitcast_convert_type3A_1042 = tpu.bitcast %xor3A_1041 : vector<16xi32> -> vector<16xf32>
        %add3A_1043 = arith.constant 3.584000e+03 : f32
        %add3A_1044 = vector.broadcast %add3A_1043 : f32 to vector<16xf32>
        %add3A_1045 = arith.addf %add3A_1044, %bitcast_convert_type3A_1042 : vector<16xf32>
        %lt3A_1046 = arith.constant 4.096000e+03 : f32
        %lt3A_1047 = vector.broadcast %lt3A_1046 : f32 to vector<16xf32>
        %lt3A_1048 = arith.cmpf olt, %add3A_1045, %lt3A_1047 : vector<16xf32>
        %max3A_1049 = arith.constant 0.000000e+00 : f32
        %max3A_1050 = vector.broadcast %max3A_1049 : f32 to vector<16xf32>
        %max3A_1051 = arith.maximumf %add3A_1045, %max3A_1050 : vector<16xf32>
        %min3A_1052 = arith.constant 4.095000e+03 : f32
        %min3A_1053 = vector.broadcast %min3A_1052 : f32 to vector<16xf32>
        %min3A_1054 = arith.minimumf %max3A_1051, %min3A_1053 : vector<16xf32>
        %convert_element_type3A_1055 = arith.fptosi %min3A_1054 : vector<16xf32> to vector<16xi32>
        %shift_left3A_1056 = arith.constant 12 : i32
        %shift_left3A_1057 = vector.broadcast %shift_left3A_1056 : i32 to vector<16xi32>
        %shift_left3A_1058 = arith.shli %get3A_971, %shift_left3A_1057 : vector<16xi32>
        %add3A_1059 = arith.addi %convert_element_type3A_1055, %shift_left3A_1058 : vector<16xi32>
        %mul3A_1060 = arith.constant -5.120000e+02 : f32
        %mul3A_1061 = vector.broadcast %mul3A_1060 : f32 to vector<16xf32>
        %mul3A_1062 = arith.mulf %get3A_974, %mul3A_1061 : vector<16xf32>
        %bitcast_convert_type3A_1063 = tpu.bitcast %mul3A_1062 : vector<16xf32> -> vector<16xi32>
        %shift_left3A_1064 = arith.constant 31 : i32
        %shift_left3A_1065 = vector.broadcast %shift_left3A_1064 : i32 to vector<16xi32>
        %shift_left3A_1066 = arith.shli %get3A_977, %shift_left3A_1065 : vector<16xi32>
        %xor3A_1067 = arith.xori %bitcast_convert_type3A_1063, %shift_left3A_1066 : vector<16xi32>
        %bitcast_convert_type3A_1068 = tpu.bitcast %xor3A_1067 : vector<16xi32> -> vector<16xf32>
        %add3A_1069 = arith.constant 3.584000e+03 : f32
        %add3A_1070 = vector.broadcast %add3A_1069 : f32 to vector<16xf32>
        %add3A_1071 = arith.addf %add3A_1070, %bitcast_convert_type3A_1068 : vector<16xf32>
        %lt3A_1072 = arith.constant 4.096000e+03 : f32
        %lt3A_1073 = vector.broadcast %lt3A_1072 : f32 to vector<16xf32>
        %lt3A_1074 = arith.cmpf olt, %add3A_1071, %lt3A_1073 : vector<16xf32>
        %max3A_1075 = arith.constant 0.000000e+00 : f32
        %max3A_1076 = vector.broadcast %max3A_1075 : f32 to vector<16xf32>
        %max3A_1077 = arith.maximumf %add3A_1071, %max3A_1076 : vector<16xf32>
        %min3A_1078 = arith.constant 4.095000e+03 : f32
        %min3A_1079 = vector.broadcast %min3A_1078 : f32 to vector<16xf32>
        %min3A_1080 = arith.minimumf %max3A_1077, %min3A_1079 : vector<16xf32>
        %convert_element_type3A_1081 = arith.fptosi %min3A_1080 : vector<16xf32> to vector<16xi32>
        %shift_left3A_1082 = arith.constant 12 : i32
        %shift_left3A_1083 = vector.broadcast %shift_left3A_1082 : i32 to vector<16xi32>
        %shift_left3A_1084 = arith.shli %get3A_977, %shift_left3A_1083 : vector<16xi32>
        %add3A_1085 = arith.addi %convert_element_type3A_1081, %shift_left3A_1084 : vector<16xi32>
        %mul3A_1086 = arith.constant -5.120000e+02 : f32
        %mul3A_1087 = vector.broadcast %mul3A_1086 : f32 to vector<16xf32>
        %mul3A_1088 = arith.mulf %get3A_980, %mul3A_1087 : vector<16xf32>
        %bitcast_convert_type3A_1089 = tpu.bitcast %mul3A_1088 : vector<16xf32> -> vector<16xi32>
        %shift_left3A_1090 = arith.constant 31 : i32
        %shift_left3A_1091 = vector.broadcast %shift_left3A_1090 : i32 to vector<16xi32>
        %shift_left3A_1092 = arith.shli %get3A_983, %shift_left3A_1091 : vector<16xi32>
        %xor3A_1093 = arith.xori %bitcast_convert_type3A_1089, %shift_left3A_1092 : vector<16xi32>
        %bitcast_convert_type3A_1094 = tpu.bitcast %xor3A_1093 : vector<16xi32> -> vector<16xf32>
        %add3A_1095 = arith.constant 3.584000e+03 : f32
        %add3A_1096 = vector.broadcast %add3A_1095 : f32 to vector<16xf32>
        %add3A_1097 = arith.addf %add3A_1096, %bitcast_convert_type3A_1094 : vector<16xf32>
        %lt3A_1098 = arith.constant 4.096000e+03 : f32
        %lt3A_1099 = vector.broadcast %lt3A_1098 : f32 to vector<16xf32>
        %lt3A_1100 = arith.cmpf olt, %add3A_1097, %lt3A_1099 : vector<16xf32>
        %max3A_1101 = arith.constant 0.000000e+00 : f32
        %max3A_1102 = vector.broadcast %max3A_1101 : f32 to vector<16xf32>
        %max3A_1103 = arith.maximumf %add3A_1097, %max3A_1102 : vector<16xf32>
        %min3A_1104 = arith.constant 4.095000e+03 : f32
        %min3A_1105 = vector.broadcast %min3A_1104 : f32 to vector<16xf32>
        %min3A_1106 = arith.minimumf %max3A_1103, %min3A_1105 : vector<16xf32>
        %convert_element_type3A_1107 = arith.fptosi %min3A_1106 : vector<16xf32> to vector<16xi32>
        %shift_left3A_1108 = arith.constant 12 : i32
        %shift_left3A_1109 = vector.broadcast %shift_left3A_1108 : i32 to vector<16xi32>
        %shift_left3A_1110 = arith.shli %get3A_983, %shift_left3A_1109 : vector<16xi32>
        %add3A_1111 = arith.addi %convert_element_type3A_1107, %shift_left3A_1110 : vector<16xi32>
        %mul3A_1112 = arith.constant -5.120000e+02 : f32
        %mul3A_1113 = vector.broadcast %mul3A_1112 : f32 to vector<16xf32>
        %mul3A_1114 = arith.mulf %get3A_986, %mul3A_1113 : vector<16xf32>
        %bitcast_convert_type3A_1115 = tpu.bitcast %mul3A_1114 : vector<16xf32> -> vector<16xi32>
        %shift_left3A_1116 = arith.constant 31 : i32
        %shift_left3A_1117 = vector.broadcast %shift_left3A_1116 : i32 to vector<16xi32>
        %shift_left3A_1118 = arith.shli %get3A_989, %shift_left3A_1117 : vector<16xi32>
        %xor3A_1119 = arith.xori %bitcast_convert_type3A_1115, %shift_left3A_1118 : vector<16xi32>
        %bitcast_convert_type3A_1120 = tpu.bitcast %xor3A_1119 : vector<16xi32> -> vector<16xf32>
        %add3A_1121 = arith.constant 3.584000e+03 : f32
        %add3A_1122 = vector.broadcast %add3A_1121 : f32 to vector<16xf32>
        %add3A_1123 = arith.addf %add3A_1122, %bitcast_convert_type3A_1120 : vector<16xf32>
        %lt3A_1124 = arith.constant 4.096000e+03 : f32
        %lt3A_1125 = vector.broadcast %lt3A_1124 : f32 to vector<16xf32>
        %lt3A_1126 = arith.cmpf olt, %add3A_1123, %lt3A_1125 : vector<16xf32>
        %max3A_1127 = arith.constant 0.000000e+00 : f32
        %max3A_1128 = vector.broadcast %max3A_1127 : f32 to vector<16xf32>
        %max3A_1129 = arith.maximumf %add3A_1123, %max3A_1128 : vector<16xf32>
        %min3A_1130 = arith.constant 4.095000e+03 : f32
        %min3A_1131 = vector.broadcast %min3A_1130 : f32 to vector<16xf32>
        %min3A_1132 = arith.minimumf %max3A_1129, %min3A_1131 : vector<16xf32>
        %convert_element_type3A_1133 = arith.fptosi %min3A_1132 : vector<16xf32> to vector<16xi32>
        %shift_left3A_1134 = arith.constant 12 : i32
        %shift_left3A_1135 = vector.broadcast %shift_left3A_1134 : i32 to vector<16xi32>
        %shift_left3A_1136 = arith.shli %get3A_989, %shift_left3A_1135 : vector<16xi32>
        %add3A_1137 = arith.addi %convert_element_type3A_1133, %shift_left3A_1136 : vector<16xi32>
        %mul3A_1138 = arith.constant -5.120000e+02 : f32
        %mul3A_1139 = vector.broadcast %mul3A_1138 : f32 to vector<16xf32>
        %mul3A_1140 = arith.mulf %get3A_992, %mul3A_1139 : vector<16xf32>
        %bitcast_convert_type3A_1141 = tpu.bitcast %mul3A_1140 : vector<16xf32> -> vector<16xi32>
        %shift_left3A_1142 = arith.constant 31 : i32
        %shift_left3A_1143 = vector.broadcast %shift_left3A_1142 : i32 to vector<16xi32>
        %shift_left3A_1144 = arith.shli %get3A_995, %shift_left3A_1143 : vector<16xi32>
        %xor3A_1145 = arith.xori %bitcast_convert_type3A_1141, %shift_left3A_1144 : vector<16xi32>
        %bitcast_convert_type3A_1146 = tpu.bitcast %xor3A_1145 : vector<16xi32> -> vector<16xf32>
        %add3A_1147 = arith.constant 3.584000e+03 : f32
        %add3A_1148 = vector.broadcast %add3A_1147 : f32 to vector<16xf32>
        %add3A_1149 = arith.addf %add3A_1148, %bitcast_convert_type3A_1146 : vector<16xf32>
        %lt3A_1150 = arith.constant 4.096000e+03 : f32
        %lt3A_1151 = vector.broadcast %lt3A_1150 : f32 to vector<16xf32>
        %lt3A_1152 = arith.cmpf olt, %add3A_1149, %lt3A_1151 : vector<16xf32>
        %max3A_1153 = arith.constant 0.000000e+00 : f32
        %max3A_1154 = vector.broadcast %max3A_1153 : f32 to vector<16xf32>
        %max3A_1155 = arith.maximumf %add3A_1149, %max3A_1154 : vector<16xf32>
        %min3A_1156 = arith.constant 4.095000e+03 : f32
        %min3A_1157 = vector.broadcast %min3A_1156 : f32 to vector<16xf32>
        %min3A_1158 = arith.minimumf %max3A_1155, %min3A_1157 : vector<16xf32>
        %convert_element_type3A_1159 = arith.fptosi %min3A_1158 : vector<16xf32> to vector<16xi32>
        %shift_left3A_1160 = arith.constant 12 : i32
        %shift_left3A_1161 = vector.broadcast %shift_left3A_1160 : i32 to vector<16xi32>
        %shift_left3A_1162 = arith.shli %get3A_995, %shift_left3A_1161 : vector<16xi32>
        %add3A_1163 = arith.addi %convert_element_type3A_1159, %shift_left3A_1162 : vector<16xi32>
        %mul3A_1164 = arith.constant -5.120000e+02 : f32
        %mul3A_1165 = vector.broadcast %mul3A_1164 : f32 to vector<16xf32>
        %mul3A_1166 = arith.mulf %get3A_998, %mul3A_1165 : vector<16xf32>
        %bitcast_convert_type3A_1167 = tpu.bitcast %mul3A_1166 : vector<16xf32> -> vector<16xi32>
        %shift_left3A_1168 = arith.constant 31 : i32
        %shift_left3A_1169 = vector.broadcast %shift_left3A_1168 : i32 to vector<16xi32>
        %shift_left3A_1170 = arith.shli %get3A_1001, %shift_left3A_1169 : vector<16xi32>
        %xor3A_1171 = arith.xori %bitcast_convert_type3A_1167, %shift_left3A_1170 : vector<16xi32>
        %bitcast_convert_type3A_1172 = tpu.bitcast %xor3A_1171 : vector<16xi32> -> vector<16xf32>
        %add3A_1173 = arith.constant 3.584000e+03 : f32
        %add3A_1174 = vector.broadcast %add3A_1173 : f32 to vector<16xf32>
        %add3A_1175 = arith.addf %add3A_1174, %bitcast_convert_type3A_1172 : vector<16xf32>
        %lt3A_1176 = arith.constant 4.096000e+03 : f32
        %lt3A_1177 = vector.broadcast %lt3A_1176 : f32 to vector<16xf32>
        %lt3A_1178 = arith.cmpf olt, %add3A_1175, %lt3A_1177 : vector<16xf32>
        %max3A_1179 = arith.constant 0.000000e+00 : f32
        %max3A_1180 = vector.broadcast %max3A_1179 : f32 to vector<16xf32>
        %max3A_1181 = arith.maximumf %add3A_1175, %max3A_1180 : vector<16xf32>
        %min3A_1182 = arith.constant 4.095000e+03 : f32
        %min3A_1183 = vector.broadcast %min3A_1182 : f32 to vector<16xf32>
        %min3A_1184 = arith.minimumf %max3A_1181, %min3A_1183 : vector<16xf32>
        %convert_element_type3A_1185 = arith.fptosi %min3A_1184 : vector<16xf32> to vector<16xi32>
        %shift_left3A_1186 = arith.constant 12 : i32
        %shift_left3A_1187 = vector.broadcast %shift_left3A_1186 : i32 to vector<16xi32>
        %shift_left3A_1188 = arith.shli %get3A_1001, %shift_left3A_1187 : vector<16xi32>
        %add3A_1189 = arith.addi %convert_element_type3A_1185, %shift_left3A_1188 : vector<16xi32>
        %mul3A_1190 = arith.constant -5.120000e+02 : f32
        %mul3A_1191 = vector.broadcast %mul3A_1190 : f32 to vector<16xf32>
        %mul3A_1192 = arith.mulf %get3A_1004, %mul3A_1191 : vector<16xf32>
        %bitcast_convert_type3A_1193 = tpu.bitcast %mul3A_1192 : vector<16xf32> -> vector<16xi32>
        %shift_left3A_1194 = arith.constant 31 : i32
        %shift_left3A_1195 = vector.broadcast %shift_left3A_1194 : i32 to vector<16xi32>
        %shift_left3A_1196 = arith.shli %get3A_1007, %shift_left3A_1195 : vector<16xi32>
        %xor3A_1197 = arith.xori %bitcast_convert_type3A_1193, %shift_left3A_1196 : vector<16xi32>
        %bitcast_convert_type3A_1198 = tpu.bitcast %xor3A_1197 : vector<16xi32> -> vector<16xf32>
        %add3A_1199 = arith.constant 3.584000e+03 : f32
        %add3A_1200 = vector.broadcast %add3A_1199 : f32 to vector<16xf32>
        %add3A_1201 = arith.addf %add3A_1200, %bitcast_convert_type3A_1198 : vector<16xf32>
        %lt3A_1202 = arith.constant 4.096000e+03 : f32
        %lt3A_1203 = vector.broadcast %lt3A_1202 : f32 to vector<16xf32>
        %lt3A_1204 = arith.cmpf olt, %add3A_1201, %lt3A_1203 : vector<16xf32>
        %max3A_1205 = arith.constant 0.000000e+00 : f32
        %max3A_1206 = vector.broadcast %max3A_1205 : f32 to vector<16xf32>
        %max3A_1207 = arith.maximumf %add3A_1201, %max3A_1206 : vector<16xf32>
        %min3A_1208 = arith.constant 4.095000e+03 : f32
        %min3A_1209 = vector.broadcast %min3A_1208 : f32 to vector<16xf32>
        %min3A_1210 = arith.minimumf %max3A_1207, %min3A_1209 : vector<16xf32>
        %convert_element_type3A_1211 = arith.fptosi %min3A_1210 : vector<16xf32> to vector<16xi32>
        %shift_left3A_1212 = arith.constant 12 : i32
        %shift_left3A_1213 = vector.broadcast %shift_left3A_1212 : i32 to vector<16xi32>
        %shift_left3A_1214 = arith.shli %get3A_1007, %shift_left3A_1213 : vector<16xi32>
        %add3A_1215 = arith.addi %convert_element_type3A_1211, %shift_left3A_1214 : vector<16xi32>
        %add3A_1216 = arith.addi %get3A_965, %get3A_971 : vector<16xi32>
        %add3A_1217 = arith.addi %get3A_977, %get3A_983 : vector<16xi32>
        %add3A_1218 = arith.addi %get3A_989, %get3A_995 : vector<16xi32>
        %add3A_1219 = arith.addi %get3A_1001, %get3A_1007 : vector<16xi32>
        %add3A_1220 = arith.addi %add3A_1216, %add3A_1217 : vector<16xi32>
        %add3A_1221 = arith.addi %add3A_1218, %add3A_1219 : vector<16xi32>
        %add3A_1222 = arith.addi %add3A_1220, %add3A_1221 : vector<16xi32>
        %add3A_1223 = arith.addi %add3A_959, %add3A_1222 : vector<16xi32>
        tpu.vector_store_idx %arg9[%add3A_769], %broadcast_in_dim3A_33 masked %lt3A_758 {add = true} : memref<8208xf32, #tpu.memory_space<vmem>>[vector<16xi32>], vector<16xf32>, vector<16xi1>
        tpu.vector_store_idx %arg9[%add3A_795], %broadcast_in_dim3A_33 masked %lt3A_784 {add = true} : memref<8208xf32, #tpu.memory_space<vmem>>[vector<16xi32>], vector<16xf32>, vector<16xi1>
        tpu.vector_store_idx %arg9[%add3A_821], %broadcast_in_dim3A_33 masked %lt3A_810 {add = true} : memref<8208xf32, #tpu.memory_space<vmem>>[vector<16xi32>], vector<16xf32>, vector<16xi1>
        tpu.vector_store_idx %arg9[%add3A_847], %broadcast_in_dim3A_33 masked %lt3A_836 {add = true} : memref<8208xf32, #tpu.memory_space<vmem>>[vector<16xi32>], vector<16xf32>, vector<16xi1>
        tpu.vector_store_idx %arg9[%add3A_873], %broadcast_in_dim3A_33 masked %lt3A_862 {add = true} : memref<8208xf32, #tpu.memory_space<vmem>>[vector<16xi32>], vector<16xf32>, vector<16xi1>
        tpu.vector_store_idx %arg9[%add3A_899], %broadcast_in_dim3A_33 masked %lt3A_888 {add = true} : memref<8208xf32, #tpu.memory_space<vmem>>[vector<16xi32>], vector<16xf32>, vector<16xi1>
        tpu.vector_store_idx %arg9[%add3A_925], %broadcast_in_dim3A_33 masked %lt3A_914 {add = true} : memref<8208xf32, #tpu.memory_space<vmem>>[vector<16xi32>], vector<16xf32>, vector<16xi1>
        tpu.vector_store_idx %arg9[%add3A_951], %broadcast_in_dim3A_33 masked %lt3A_940 {add = true} : memref<8208xf32, #tpu.memory_space<vmem>>[vector<16xi32>], vector<16xf32>, vector<16xi1>
        tpu.vector_store_idx %arg9[%add3A_1033], %broadcast_in_dim3A_33 masked %lt3A_1022 {add = true} : memref<8208xf32, #tpu.memory_space<vmem>>[vector<16xi32>], vector<16xf32>, vector<16xi1>
        tpu.vector_store_idx %arg9[%add3A_1059], %broadcast_in_dim3A_33 masked %lt3A_1048 {add = true} : memref<8208xf32, #tpu.memory_space<vmem>>[vector<16xi32>], vector<16xf32>, vector<16xi1>
        tpu.vector_store_idx %arg9[%add3A_1085], %broadcast_in_dim3A_33 masked %lt3A_1074 {add = true} : memref<8208xf32, #tpu.memory_space<vmem>>[vector<16xi32>], vector<16xf32>, vector<16xi1>
        tpu.vector_store_idx %arg9[%add3A_1111], %broadcast_in_dim3A_33 masked %lt3A_1100 {add = true} : memref<8208xf32, #tpu.memory_space<vmem>>[vector<16xi32>], vector<16xf32>, vector<16xi1>
        tpu.vector_store_idx %arg9[%add3A_1137], %broadcast_in_dim3A_33 masked %lt3A_1126 {add = true} : memref<8208xf32, #tpu.memory_space<vmem>>[vector<16xi32>], vector<16xf32>, vector<16xi1>
        tpu.vector_store_idx %arg9[%add3A_1163], %broadcast_in_dim3A_33 masked %lt3A_1152 {add = true} : memref<8208xf32, #tpu.memory_space<vmem>>[vector<16xi32>], vector<16xf32>, vector<16xi1>
        tpu.vector_store_idx %arg9[%add3A_1189], %broadcast_in_dim3A_33 masked %lt3A_1178 {add = true} : memref<8208xf32, #tpu.memory_space<vmem>>[vector<16xi32>], vector<16xf32>, vector<16xi1>
        tpu.vector_store_idx %arg9[%add3A_1215], %broadcast_in_dim3A_33 masked %lt3A_1204 {add = true} : memref<8208xf32, #tpu.memory_space<vmem>>[vector<16xi32>], vector<16xf32>, vector<16xi1>
        scf.yield %add3A_1223 : vector<16xi32>
      }
      %scan3A_129 = arith.constant 16 : i32
      %add3A_130 = arith.constant 2 : i32
      %add3A_131 = arith.addi %mul3A_88, %add3A_130 : i32
      %min3A_132 = arith.constant 15 : i32
      %min3A_133 = arith.minsi %add3A_131, %min3A_132 : i32
      %mul3A_134 = arith.constant 16 : i32
      %mul3A_135 = arith.muli %min3A_133, %mul3A_134 : i32
      %add3A_136 = arith.addi %mul3A_35, %mul3A_135 : i32
      %dma_start3A_137 = arith.constant 0 : i32
      %dma_start3A_138 = tpu.memref_slice %arg2[%add3A, %add3A_136, %dma_start3A_137] : memref<16x512x512xf32, #tpu.memory_space<hbm>> -> memref<1x16x512xf32, #tpu.memory_space<hbm>>
      %dma_start3A_139 = tpu.memref_squeeze %dma_start3A_138 : memref<1x16x512xf32, #tpu.memory_space<hbm>> -> memref<16x512xf32, #tpu.memory_space<hbm>>
      %dma_start3A_140 = arith.constant 0 : i32
      %dma_start3A_141 = tpu.memref_slice %arg2[%add3A, %add3A_136, %dma_start3A_140] : memref<16x512x512xf32, #tpu.memory_space<hbm>> -> memref<1x16x512xf32, #tpu.memory_space<hbm>>
      %dma_start3A_142 = tpu.memref_squeeze %dma_start3A_141 : memref<1x16x512xf32, #tpu.memory_space<hbm>> -> memref<16x512xf32, #tpu.memory_space<hbm>>
      tpu.enqueue_dma source(%dma_start3A_142 : memref<16x512xf32, #tpu.memory_space<hbm>>) target(%arg5 : memref<16x512xf32, #tpu.memory_space<vmem>>) target_semaphore(%arg13 : memref<!tpu.dma_semaphore, #tpu.memory_space<semaphore_mem>>)
      %dma_start3A_143 = arith.constant 0 : i32
      %dma_start3A_144 = tpu.memref_slice %arg3[%add3A, %add3A_136, %dma_start3A_143] : memref<16x512x512xi32, #tpu.memory_space<hbm>> -> memref<1x16x512xi32, #tpu.memory_space<hbm>>
      %dma_start3A_145 = tpu.memref_squeeze %dma_start3A_144 : memref<1x16x512xi32, #tpu.memory_space<hbm>> -> memref<16x512xi32, #tpu.memory_space<hbm>>
      %dma_start3A_146 = arith.constant 0 : i32
      %dma_start3A_147 = tpu.memref_slice %arg3[%add3A, %add3A_136, %dma_start3A_146] : memref<16x512x512xi32, #tpu.memory_space<hbm>> -> memref<1x16x512xi32, #tpu.memory_space<hbm>>
      %dma_start3A_148 = tpu.memref_squeeze %dma_start3A_147 : memref<1x16x512xi32, #tpu.memory_space<hbm>> -> memref<16x512xi32, #tpu.memory_space<hbm>>
      tpu.enqueue_dma source(%dma_start3A_148 : memref<16x512xi32, #tpu.memory_space<hbm>>) target(%arg6 : memref<16x512xi32, #tpu.memory_space<vmem>>) target_semaphore(%arg14 : memref<!tpu.dma_semaphore, #tpu.memory_space<semaphore_mem>>)
      %dma_wait3A_149 = arith.constant 0 : i32
      %dma_wait3A_150 = arith.constant 0 : i32
      %dma_wait3A_151 = tpu.memref_slice %arg2[%add3A, %dma_wait3A_149, %dma_wait3A_150] : memref<16x512x512xf32, #tpu.memory_space<hbm>> -> memref<1x16x512xf32, #tpu.memory_space<hbm>>
      %dma_wait3A_152 = tpu.memref_squeeze %dma_wait3A_151 : memref<1x16x512xf32, #tpu.memory_space<hbm>> -> memref<16x512xf32, #tpu.memory_space<hbm>>
      %dma_wait3A_153 = arith.constant 0 : i32
      %dma_wait3A_154 = arith.constant 0 : i32
      %dma_wait3A_155 = tpu.memref_slice %arg2[%add3A, %dma_wait3A_153, %dma_wait3A_154] : memref<16x512x512xf32, #tpu.memory_space<hbm>> -> memref<1x16x512xf32, #tpu.memory_space<hbm>>
      %dma_wait3A_156 = tpu.memref_squeeze %dma_wait3A_155 : memref<1x16x512xf32, #tpu.memory_space<hbm>> -> memref<16x512xf32, #tpu.memory_space<hbm>>
      tpu.wait_dma2 semaphore(%arg15 : memref<!tpu.dma_semaphore, #tpu.memory_space<semaphore_mem>>) src(%dma_wait3A_156 : memref<16x512xf32, #tpu.memory_space<hbm>>) dst(%arg7 : memref<16x512xf32, #tpu.memory_space<vmem>>)
      %dma_wait3A_157 = arith.constant 0 : i32
      %dma_wait3A_158 = arith.constant 0 : i32
      %dma_wait3A_159 = tpu.memref_slice %arg3[%add3A, %dma_wait3A_157, %dma_wait3A_158] : memref<16x512x512xi32, #tpu.memory_space<hbm>> -> memref<1x16x512xi32, #tpu.memory_space<hbm>>
      %dma_wait3A_160 = tpu.memref_squeeze %dma_wait3A_159 : memref<1x16x512xi32, #tpu.memory_space<hbm>> -> memref<16x512xi32, #tpu.memory_space<hbm>>
      %dma_wait3A_161 = arith.constant 0 : i32
      %dma_wait3A_162 = arith.constant 0 : i32
      %dma_wait3A_163 = tpu.memref_slice %arg3[%add3A, %dma_wait3A_161, %dma_wait3A_162] : memref<16x512x512xi32, #tpu.memory_space<hbm>> -> memref<1x16x512xi32, #tpu.memory_space<hbm>>
      %dma_wait3A_164 = tpu.memref_squeeze %dma_wait3A_163 : memref<1x16x512xi32, #tpu.memory_space<hbm>> -> memref<16x512xi32, #tpu.memory_space<hbm>>
      tpu.wait_dma2 semaphore(%arg16 : memref<!tpu.dma_semaphore, #tpu.memory_space<semaphore_mem>>) src(%dma_wait3A_164 : memref<16x512xi32, #tpu.memory_space<hbm>>) dst(%arg8 : memref<16x512xi32, #tpu.memory_space<vmem>>)
      %scan3A_165 = arith.constant 0 : i32
      %scan3A_166 = arith.constant 16 : i32
      %scan3A_167 = arith.addi %scan3A_165, %scan3A_166 : i32
      %scan3A_168 = arith.constant 1 : i32
      %scan3A_169 = scf.for %scan3A_171 = %scan3A_165 to %scan3A_167 step %scan3A_168 iter_args(%scan3A_172 = %scan3A_128) -> (vector<16xi32>)  : i32 {
        %get3A = arith.index_cast %scan3A_171 : i32 to index
        %get3A_173 = arith.constant 0 : index
        %get3A_174 = tpu.vector_load %arg7[%get3A, %get3A_173] {strides = array<i32>} : memref<16x512xf32, #tpu.memory_space<vmem>>, vector<16xf32>,
        %get3A_175 = arith.index_cast %scan3A_171 : i32 to index
        %get3A_176 = arith.constant 0 : index
        %get3A_177 = tpu.vector_load %arg8[%get3A_175, %get3A_176] {strides = array<i32>} : memref<16x512xi32, #tpu.memory_space<vmem>>, vector<16xi32>,
        %get3A_178 = arith.index_cast %scan3A_171 : i32 to index
        %get3A_179 = arith.constant 16 : index
        %get3A_180 = tpu.vector_load %arg7[%get3A_178, %get3A_179] {strides = array<i32>} : memref<16x512xf32, #tpu.memory_space<vmem>>, vector<16xf32>,
        %get3A_181 = arith.index_cast %scan3A_171 : i32 to index
        %get3A_182 = arith.constant 16 : index
        %get3A_183 = tpu.vector_load %arg8[%get3A_181, %get3A_182] {strides = array<i32>} : memref<16x512xi32, #tpu.memory_space<vmem>>, vector<16xi32>,
        %get3A_184 = arith.index_cast %scan3A_171 : i32 to index
        %get3A_185 = arith.constant 32 : index
        %get3A_186 = tpu.vector_load %arg7[%get3A_184, %get3A_185] {strides = array<i32>} : memref<16x512xf32, #tpu.memory_space<vmem>>, vector<16xf32>,
        %get3A_187 = arith.index_cast %scan3A_171 : i32 to index
        %get3A_188 = arith.constant 32 : index
        %get3A_189 = tpu.vector_load %arg8[%get3A_187, %get3A_188] {strides = array<i32>} : memref<16x512xi32, #tpu.memory_space<vmem>>, vector<16xi32>,
        %get3A_190 = arith.index_cast %scan3A_171 : i32 to index
        %get3A_191 = arith.constant 48 : index
        %get3A_192 = tpu.vector_load %arg7[%get3A_190, %get3A_191] {strides = array<i32>} : memref<16x512xf32, #tpu.memory_space<vmem>>, vector<16xf32>,
        %get3A_193 = arith.index_cast %scan3A_171 : i32 to index
        %get3A_194 = arith.constant 48 : index
        %get3A_195 = tpu.vector_load %arg8[%get3A_193, %get3A_194] {strides = array<i32>} : memref<16x512xi32, #tpu.memory_space<vmem>>, vector<16xi32>,
        %get3A_196 = arith.index_cast %scan3A_171 : i32 to index
        %get3A_197 = arith.constant 64 : index
        %get3A_198 = tpu.vector_load %arg7[%get3A_196, %get3A_197] {strides = array<i32>} : memref<16x512xf32, #tpu.memory_space<vmem>>, vector<16xf32>,
        %get3A_199 = arith.index_cast %scan3A_171 : i32 to index
        %get3A_200 = arith.constant 64 : index
        %get3A_201 = tpu.vector_load %arg8[%get3A_199, %get3A_200] {strides = array<i32>} : memref<16x512xi32, #tpu.memory_space<vmem>>, vector<16xi32>,
        %get3A_202 = arith.index_cast %scan3A_171 : i32 to index
        %get3A_203 = arith.constant 80 : index
        %get3A_204 = tpu.vector_load %arg7[%get3A_202, %get3A_203] {strides = array<i32>} : memref<16x512xf32, #tpu.memory_space<vmem>>, vector<16xf32>,
        %get3A_205 = arith.index_cast %scan3A_171 : i32 to index
        %get3A_206 = arith.constant 80 : index
        %get3A_207 = tpu.vector_load %arg8[%get3A_205, %get3A_206] {strides = array<i32>} : memref<16x512xi32, #tpu.memory_space<vmem>>, vector<16xi32>,
        %get3A_208 = arith.index_cast %scan3A_171 : i32 to index
        %get3A_209 = arith.constant 96 : index
        %get3A_210 = tpu.vector_load %arg7[%get3A_208, %get3A_209] {strides = array<i32>} : memref<16x512xf32, #tpu.memory_space<vmem>>, vector<16xf32>,
        %get3A_211 = arith.index_cast %scan3A_171 : i32 to index
        %get3A_212 = arith.constant 96 : index
        %get3A_213 = tpu.vector_load %arg8[%get3A_211, %get3A_212] {strides = array<i32>} : memref<16x512xi32, #tpu.memory_space<vmem>>, vector<16xi32>,
        %get3A_214 = arith.index_cast %scan3A_171 : i32 to index
        %get3A_215 = arith.constant 112 : index
        %get3A_216 = tpu.vector_load %arg7[%get3A_214, %get3A_215] {strides = array<i32>} : memref<16x512xf32, #tpu.memory_space<vmem>>, vector<16xf32>,
        %get3A_217 = arith.index_cast %scan3A_171 : i32 to index
        %get3A_218 = arith.constant 112 : index
        %get3A_219 = tpu.vector_load %arg8[%get3A_217, %get3A_218] {strides = array<i32>} : memref<16x512xi32, #tpu.memory_space<vmem>>, vector<16xi32>,
        %mul3A_220 = arith.constant -5.120000e+02 : f32
        %mul3A_221 = vector.broadcast %mul3A_220 : f32 to vector<16xf32>
        %mul3A_222 = arith.mulf %get3A_174, %mul3A_221 : vector<16xf32>
        %bitcast_convert_type3A = tpu.bitcast %mul3A_222 : vector<16xf32> -> vector<16xi32>
        %shift_left3A = arith.constant 31 : i32
        %shift_left3A_223 = vector.broadcast %shift_left3A : i32 to vector<16xi32>
        %shift_left3A_224 = arith.shli %get3A_177, %shift_left3A_223 : vector<16xi32>
        %xor3A = arith.xori %bitcast_convert_type3A, %shift_left3A_224 : vector<16xi32>
        %bitcast_convert_type3A_225 = tpu.bitcast %xor3A : vector<16xi32> -> vector<16xf32>
        %add3A_226 = arith.constant 3.584000e+03 : f32
        %add3A_227 = vector.broadcast %add3A_226 : f32 to vector<16xf32>
        %add3A_228 = arith.addf %add3A_227, %bitcast_convert_type3A_225 : vector<16xf32>
        %lt3A_229 = arith.constant 4.096000e+03 : f32
        %lt3A_230 = vector.broadcast %lt3A_229 : f32 to vector<16xf32>
        %lt3A_231 = arith.cmpf olt, %add3A_228, %lt3A_230 : vector<16xf32>
        %max3A = arith.constant 0.000000e+00 : f32
        %max3A_232 = vector.broadcast %max3A : f32 to vector<16xf32>
        %max3A_233 = arith.maximumf %add3A_228, %max3A_232 : vector<16xf32>
        %min3A_234 = arith.constant 4.095000e+03 : f32
        %min3A_235 = vector.broadcast %min3A_234 : f32 to vector<16xf32>
        %min3A_236 = arith.minimumf %max3A_233, %min3A_235 : vector<16xf32>
        %convert_element_type3A_237 = arith.fptosi %min3A_236 : vector<16xf32> to vector<16xi32>
        %shift_left3A_238 = arith.constant 12 : i32
        %shift_left3A_239 = vector.broadcast %shift_left3A_238 : i32 to vector<16xi32>
        %shift_left3A_240 = arith.shli %get3A_177, %shift_left3A_239 : vector<16xi32>
        %add3A_241 = arith.addi %convert_element_type3A_237, %shift_left3A_240 : vector<16xi32>
        %mul3A_242 = arith.constant -5.120000e+02 : f32
        %mul3A_243 = vector.broadcast %mul3A_242 : f32 to vector<16xf32>
        %mul3A_244 = arith.mulf %get3A_180, %mul3A_243 : vector<16xf32>
        %bitcast_convert_type3A_245 = tpu.bitcast %mul3A_244 : vector<16xf32> -> vector<16xi32>
        %shift_left3A_246 = arith.constant 31 : i32
        %shift_left3A_247 = vector.broadcast %shift_left3A_246 : i32 to vector<16xi32>
        %shift_left3A_248 = arith.shli %get3A_183, %shift_left3A_247 : vector<16xi32>
        %xor3A_249 = arith.xori %bitcast_convert_type3A_245, %shift_left3A_248 : vector<16xi32>
        %bitcast_convert_type3A_250 = tpu.bitcast %xor3A_249 : vector<16xi32> -> vector<16xf32>
        %add3A_251 = arith.constant 3.584000e+03 : f32
        %add3A_252 = vector.broadcast %add3A_251 : f32 to vector<16xf32>
        %add3A_253 = arith.addf %add3A_252, %bitcast_convert_type3A_250 : vector<16xf32>
        %lt3A_254 = arith.constant 4.096000e+03 : f32
        %lt3A_255 = vector.broadcast %lt3A_254 : f32 to vector<16xf32>
        %lt3A_256 = arith.cmpf olt, %add3A_253, %lt3A_255 : vector<16xf32>
        %max3A_257 = arith.constant 0.000000e+00 : f32
        %max3A_258 = vector.broadcast %max3A_257 : f32 to vector<16xf32>
        %max3A_259 = arith.maximumf %add3A_253, %max3A_258 : vector<16xf32>
        %min3A_260 = arith.constant 4.095000e+03 : f32
        %min3A_261 = vector.broadcast %min3A_260 : f32 to vector<16xf32>
        %min3A_262 = arith.minimumf %max3A_259, %min3A_261 : vector<16xf32>
        %convert_element_type3A_263 = arith.fptosi %min3A_262 : vector<16xf32> to vector<16xi32>
        %shift_left3A_264 = arith.constant 12 : i32
        %shift_left3A_265 = vector.broadcast %shift_left3A_264 : i32 to vector<16xi32>
        %shift_left3A_266 = arith.shli %get3A_183, %shift_left3A_265 : vector<16xi32>
        %add3A_267 = arith.addi %convert_element_type3A_263, %shift_left3A_266 : vector<16xi32>
        %mul3A_268 = arith.constant -5.120000e+02 : f32
        %mul3A_269 = vector.broadcast %mul3A_268 : f32 to vector<16xf32>
        %mul3A_270 = arith.mulf %get3A_186, %mul3A_269 : vector<16xf32>
        %bitcast_convert_type3A_271 = tpu.bitcast %mul3A_270 : vector<16xf32> -> vector<16xi32>
        %shift_left3A_272 = arith.constant 31 : i32
        %shift_left3A_273 = vector.broadcast %shift_left3A_272 : i32 to vector<16xi32>
        %shift_left3A_274 = arith.shli %get3A_189, %shift_left3A_273 : vector<16xi32>
        %xor3A_275 = arith.xori %bitcast_convert_type3A_271, %shift_left3A_274 : vector<16xi32>
        %bitcast_convert_type3A_276 = tpu.bitcast %xor3A_275 : vector<16xi32> -> vector<16xf32>
        %add3A_277 = arith.constant 3.584000e+03 : f32
        %add3A_278 = vector.broadcast %add3A_277 : f32 to vector<16xf32>
        %add3A_279 = arith.addf %add3A_278, %bitcast_convert_type3A_276 : vector<16xf32>
        %lt3A_280 = arith.constant 4.096000e+03 : f32
        %lt3A_281 = vector.broadcast %lt3A_280 : f32 to vector<16xf32>
        %lt3A_282 = arith.cmpf olt, %add3A_279, %lt3A_281 : vector<16xf32>
        %max3A_283 = arith.constant 0.000000e+00 : f32
        %max3A_284 = vector.broadcast %max3A_283 : f32 to vector<16xf32>
        %max3A_285 = arith.maximumf %add3A_279, %max3A_284 : vector<16xf32>
        %min3A_286 = arith.constant 4.095000e+03 : f32
        %min3A_287 = vector.broadcast %min3A_286 : f32 to vector<16xf32>
        %min3A_288 = arith.minimumf %max3A_285, %min3A_287 : vector<16xf32>
        %convert_element_type3A_289 = arith.fptosi %min3A_288 : vector<16xf32> to vector<16xi32>
        %shift_left3A_290 = arith.constant 12 : i32
        %shift_left3A_291 = vector.broadcast %shift_left3A_290 : i32 to vector<16xi32>
        %shift_left3A_292 = arith.shli %get3A_189, %shift_left3A_291 : vector<16xi32>
        %add3A_293 = arith.addi %convert_element_type3A_289, %shift_left3A_292 : vector<16xi32>
        %mul3A_294 = arith.constant -5.120000e+02 : f32
        %mul3A_295 = vector.broadcast %mul3A_294 : f32 to vector<16xf32>
        %mul3A_296 = arith.mulf %get3A_192, %mul3A_295 : vector<16xf32>
        %bitcast_convert_type3A_297 = tpu.bitcast %mul3A_296 : vector<16xf32> -> vector<16xi32>
        %shift_left3A_298 = arith.constant 31 : i32
        %shift_left3A_299 = vector.broadcast %shift_left3A_298 : i32 to vector<16xi32>
        %shift_left3A_300 = arith.shli %get3A_195, %shift_left3A_299 : vector<16xi32>
        %xor3A_301 = arith.xori %bitcast_convert_type3A_297, %shift_left3A_300 : vector<16xi32>
        %bitcast_convert_type3A_302 = tpu.bitcast %xor3A_301 : vector<16xi32> -> vector<16xf32>
        %add3A_303 = arith.constant 3.584000e+03 : f32
        %add3A_304 = vector.broadcast %add3A_303 : f32 to vector<16xf32>
        %add3A_305 = arith.addf %add3A_304, %bitcast_convert_type3A_302 : vector<16xf32>
        %lt3A_306 = arith.constant 4.096000e+03 : f32
        %lt3A_307 = vector.broadcast %lt3A_306 : f32 to vector<16xf32>
        %lt3A_308 = arith.cmpf olt, %add3A_305, %lt3A_307 : vector<16xf32>
        %max3A_309 = arith.constant 0.000000e+00 : f32
        %max3A_310 = vector.broadcast %max3A_309 : f32 to vector<16xf32>
        %max3A_311 = arith.maximumf %add3A_305, %max3A_310 : vector<16xf32>
        %min3A_312 = arith.constant 4.095000e+03 : f32
        %min3A_313 = vector.broadcast %min3A_312 : f32 to vector<16xf32>
        %min3A_314 = arith.minimumf %max3A_311, %min3A_313 : vector<16xf32>
        %convert_element_type3A_315 = arith.fptosi %min3A_314 : vector<16xf32> to vector<16xi32>
        %shift_left3A_316 = arith.constant 12 : i32
        %shift_left3A_317 = vector.broadcast %shift_left3A_316 : i32 to vector<16xi32>
        %shift_left3A_318 = arith.shli %get3A_195, %shift_left3A_317 : vector<16xi32>
        %add3A_319 = arith.addi %convert_element_type3A_315, %shift_left3A_318 : vector<16xi32>
        %mul3A_320 = arith.constant -5.120000e+02 : f32
        %mul3A_321 = vector.broadcast %mul3A_320 : f32 to vector<16xf32>
        %mul3A_322 = arith.mulf %get3A_198, %mul3A_321 : vector<16xf32>
        %bitcast_convert_type3A_323 = tpu.bitcast %mul3A_322 : vector<16xf32> -> vector<16xi32>
        %shift_left3A_324 = arith.constant 31 : i32
        %shift_left3A_325 = vector.broadcast %shift_left3A_324 : i32 to vector<16xi32>
        %shift_left3A_326 = arith.shli %get3A_201, %shift_left3A_325 : vector<16xi32>
        %xor3A_327 = arith.xori %bitcast_convert_type3A_323, %shift_left3A_326 : vector<16xi32>
        %bitcast_convert_type3A_328 = tpu.bitcast %xor3A_327 : vector<16xi32> -> vector<16xf32>
        %add3A_329 = arith.constant 3.584000e+03 : f32
        %add3A_330 = vector.broadcast %add3A_329 : f32 to vector<16xf32>
        %add3A_331 = arith.addf %add3A_330, %bitcast_convert_type3A_328 : vector<16xf32>
        %lt3A_332 = arith.constant 4.096000e+03 : f32
        %lt3A_333 = vector.broadcast %lt3A_332 : f32 to vector<16xf32>
        %lt3A_334 = arith.cmpf olt, %add3A_331, %lt3A_333 : vector<16xf32>
        %max3A_335 = arith.constant 0.000000e+00 : f32
        %max3A_336 = vector.broadcast %max3A_335 : f32 to vector<16xf32>
        %max3A_337 = arith.maximumf %add3A_331, %max3A_336 : vector<16xf32>
        %min3A_338 = arith.constant 4.095000e+03 : f32
        %min3A_339 = vector.broadcast %min3A_338 : f32 to vector<16xf32>
        %min3A_340 = arith.minimumf %max3A_337, %min3A_339 : vector<16xf32>
        %convert_element_type3A_341 = arith.fptosi %min3A_340 : vector<16xf32> to vector<16xi32>
        %shift_left3A_342 = arith.constant 12 : i32
        %shift_left3A_343 = vector.broadcast %shift_left3A_342 : i32 to vector<16xi32>
        %shift_left3A_344 = arith.shli %get3A_201, %shift_left3A_343 : vector<16xi32>
        %add3A_345 = arith.addi %convert_element_type3A_341, %shift_left3A_344 : vector<16xi32>
        %mul3A_346 = arith.constant -5.120000e+02 : f32
        %mul3A_347 = vector.broadcast %mul3A_346 : f32 to vector<16xf32>
        %mul3A_348 = arith.mulf %get3A_204, %mul3A_347 : vector<16xf32>
        %bitcast_convert_type3A_349 = tpu.bitcast %mul3A_348 : vector<16xf32> -> vector<16xi32>
        %shift_left3A_350 = arith.constant 31 : i32
        %shift_left3A_351 = vector.broadcast %shift_left3A_350 : i32 to vector<16xi32>
        %shift_left3A_352 = arith.shli %get3A_207, %shift_left3A_351 : vector<16xi32>
        %xor3A_353 = arith.xori %bitcast_convert_type3A_349, %shift_left3A_352 : vector<16xi32>
        %bitcast_convert_type3A_354 = tpu.bitcast %xor3A_353 : vector<16xi32> -> vector<16xf32>
        %add3A_355 = arith.constant 3.584000e+03 : f32
        %add3A_356 = vector.broadcast %add3A_355 : f32 to vector<16xf32>
        %add3A_357 = arith.addf %add3A_356, %bitcast_convert_type3A_354 : vector<16xf32>
        %lt3A_358 = arith.constant 4.096000e+03 : f32
        %lt3A_359 = vector.broadcast %lt3A_358 : f32 to vector<16xf32>
        %lt3A_360 = arith.cmpf olt, %add3A_357, %lt3A_359 : vector<16xf32>
        %max3A_361 = arith.constant 0.000000e+00 : f32
        %max3A_362 = vector.broadcast %max3A_361 : f32 to vector<16xf32>
        %max3A_363 = arith.maximumf %add3A_357, %max3A_362 : vector<16xf32>
        %min3A_364 = arith.constant 4.095000e+03 : f32
        %min3A_365 = vector.broadcast %min3A_364 : f32 to vector<16xf32>
        %min3A_366 = arith.minimumf %max3A_363, %min3A_365 : vector<16xf32>
        %convert_element_type3A_367 = arith.fptosi %min3A_366 : vector<16xf32> to vector<16xi32>
        %shift_left3A_368 = arith.constant 12 : i32
        %shift_left3A_369 = vector.broadcast %shift_left3A_368 : i32 to vector<16xi32>
        %shift_left3A_370 = arith.shli %get3A_207, %shift_left3A_369 : vector<16xi32>
        %add3A_371 = arith.addi %convert_element_type3A_367, %shift_left3A_370 : vector<16xi32>
        %mul3A_372 = arith.constant -5.120000e+02 : f32
        %mul3A_373 = vector.broadcast %mul3A_372 : f32 to vector<16xf32>
        %mul3A_374 = arith.mulf %get3A_210, %mul3A_373 : vector<16xf32>
        %bitcast_convert_type3A_375 = tpu.bitcast %mul3A_374 : vector<16xf32> -> vector<16xi32>
        %shift_left3A_376 = arith.constant 31 : i32
        %shift_left3A_377 = vector.broadcast %shift_left3A_376 : i32 to vector<16xi32>
        %shift_left3A_378 = arith.shli %get3A_213, %shift_left3A_377 : vector<16xi32>
        %xor3A_379 = arith.xori %bitcast_convert_type3A_375, %shift_left3A_378 : vector<16xi32>
        %bitcast_convert_type3A_380 = tpu.bitcast %xor3A_379 : vector<16xi32> -> vector<16xf32>
        %add3A_381 = arith.constant 3.584000e+03 : f32
        %add3A_382 = vector.broadcast %add3A_381 : f32 to vector<16xf32>
        %add3A_383 = arith.addf %add3A_382, %bitcast_convert_type3A_380 : vector<16xf32>
        %lt3A_384 = arith.constant 4.096000e+03 : f32
        %lt3A_385 = vector.broadcast %lt3A_384 : f32 to vector<16xf32>
        %lt3A_386 = arith.cmpf olt, %add3A_383, %lt3A_385 : vector<16xf32>
        %max3A_387 = arith.constant 0.000000e+00 : f32
        %max3A_388 = vector.broadcast %max3A_387 : f32 to vector<16xf32>
        %max3A_389 = arith.maximumf %add3A_383, %max3A_388 : vector<16xf32>
        %min3A_390 = arith.constant 4.095000e+03 : f32
        %min3A_391 = vector.broadcast %min3A_390 : f32 to vector<16xf32>
        %min3A_392 = arith.minimumf %max3A_389, %min3A_391 : vector<16xf32>
        %convert_element_type3A_393 = arith.fptosi %min3A_392 : vector<16xf32> to vector<16xi32>
        %shift_left3A_394 = arith.constant 12 : i32
        %shift_left3A_395 = vector.broadcast %shift_left3A_394 : i32 to vector<16xi32>
        %shift_left3A_396 = arith.shli %get3A_213, %shift_left3A_395 : vector<16xi32>
        %add3A_397 = arith.addi %convert_element_type3A_393, %shift_left3A_396 : vector<16xi32>
        %mul3A_398 = arith.constant -5.120000e+02 : f32
        %mul3A_399 = vector.broadcast %mul3A_398 : f32 to vector<16xf32>
        %mul3A_400 = arith.mulf %get3A_216, %mul3A_399 : vector<16xf32>
        %bitcast_convert_type3A_401 = tpu.bitcast %mul3A_400 : vector<16xf32> -> vector<16xi32>
        %shift_left3A_402 = arith.constant 31 : i32
        %shift_left3A_403 = vector.broadcast %shift_left3A_402 : i32 to vector<16xi32>
        %shift_left3A_404 = arith.shli %get3A_219, %shift_left3A_403 : vector<16xi32>
        %xor3A_405 = arith.xori %bitcast_convert_type3A_401, %shift_left3A_404 : vector<16xi32>
        %bitcast_convert_type3A_406 = tpu.bitcast %xor3A_405 : vector<16xi32> -> vector<16xf32>
        %add3A_407 = arith.constant 3.584000e+03 : f32
        %add3A_408 = vector.broadcast %add3A_407 : f32 to vector<16xf32>
        %add3A_409 = arith.addf %add3A_408, %bitcast_convert_type3A_406 : vector<16xf32>
        %lt3A_410 = arith.constant 4.096000e+03 : f32
        %lt3A_411 = vector.broadcast %lt3A_410 : f32 to vector<16xf32>
        %lt3A_412 = arith.cmpf olt, %add3A_409, %lt3A_411 : vector<16xf32>
        %max3A_413 = arith.constant 0.000000e+00 : f32
        %max3A_414 = vector.broadcast %max3A_413 : f32 to vector<16xf32>
        %max3A_415 = arith.maximumf %add3A_409, %max3A_414 : vector<16xf32>
        %min3A_416 = arith.constant 4.095000e+03 : f32
        %min3A_417 = vector.broadcast %min3A_416 : f32 to vector<16xf32>
        %min3A_418 = arith.minimumf %max3A_415, %min3A_417 : vector<16xf32>
        %convert_element_type3A_419 = arith.fptosi %min3A_418 : vector<16xf32> to vector<16xi32>
        %shift_left3A_420 = arith.constant 12 : i32
        %shift_left3A_421 = vector.broadcast %shift_left3A_420 : i32 to vector<16xi32>
        %shift_left3A_422 = arith.shli %get3A_219, %shift_left3A_421 : vector<16xi32>
        %add3A_423 = arith.addi %convert_element_type3A_419, %shift_left3A_422 : vector<16xi32>
        %add3A_424 = arith.addi %get3A_177, %get3A_183 : vector<16xi32>
        %add3A_425 = arith.addi %get3A_189, %get3A_195 : vector<16xi32>
        %add3A_426 = arith.addi %get3A_201, %get3A_207 : vector<16xi32>
        %add3A_427 = arith.addi %get3A_213, %get3A_219 : vector<16xi32>
        %add3A_428 = arith.addi %add3A_424, %add3A_425 : vector<16xi32>
        %add3A_429 = arith.addi %add3A_426, %add3A_427 : vector<16xi32>
        %add3A_430 = arith.addi %add3A_428, %add3A_429 : vector<16xi32>
        %add3A_431 = arith.addi %scan3A_172, %add3A_430 : vector<16xi32>
        %get3A_432 = arith.index_cast %scan3A_171 : i32 to index
        %get3A_433 = arith.constant 128 : index
        %get3A_434 = tpu.vector_load %arg7[%get3A_432, %get3A_433] {strides = array<i32>} : memref<16x512xf32, #tpu.memory_space<vmem>>, vector<16xf32>,
        %get3A_435 = arith.index_cast %scan3A_171 : i32 to index
        %get3A_436 = arith.constant 128 : index
        %get3A_437 = tpu.vector_load %arg8[%get3A_435, %get3A_436] {strides = array<i32>} : memref<16x512xi32, #tpu.memory_space<vmem>>, vector<16xi32>,
        %get3A_438 = arith.index_cast %scan3A_171 : i32 to index
        %get3A_439 = arith.constant 144 : index
        %get3A_440 = tpu.vector_load %arg7[%get3A_438, %get3A_439] {strides = array<i32>} : memref<16x512xf32, #tpu.memory_space<vmem>>, vector<16xf32>,
        %get3A_441 = arith.index_cast %scan3A_171 : i32 to index
        %get3A_442 = arith.constant 144 : index
        %get3A_443 = tpu.vector_load %arg8[%get3A_441, %get3A_442] {strides = array<i32>} : memref<16x512xi32, #tpu.memory_space<vmem>>, vector<16xi32>,
        %get3A_444 = arith.index_cast %scan3A_171 : i32 to index
        %get3A_445 = arith.constant 160 : index
        %get3A_446 = tpu.vector_load %arg7[%get3A_444, %get3A_445] {strides = array<i32>} : memref<16x512xf32, #tpu.memory_space<vmem>>, vector<16xf32>,
        %get3A_447 = arith.index_cast %scan3A_171 : i32 to index
        %get3A_448 = arith.constant 160 : index
        %get3A_449 = tpu.vector_load %arg8[%get3A_447, %get3A_448] {strides = array<i32>} : memref<16x512xi32, #tpu.memory_space<vmem>>, vector<16xi32>,
        %get3A_450 = arith.index_cast %scan3A_171 : i32 to index
        %get3A_451 = arith.constant 176 : index
        %get3A_452 = tpu.vector_load %arg7[%get3A_450, %get3A_451] {strides = array<i32>} : memref<16x512xf32, #tpu.memory_space<vmem>>, vector<16xf32>,
        %get3A_453 = arith.index_cast %scan3A_171 : i32 to index
        %get3A_454 = arith.constant 176 : index
        %get3A_455 = tpu.vector_load %arg8[%get3A_453, %get3A_454] {strides = array<i32>} : memref<16x512xi32, #tpu.memory_space<vmem>>, vector<16xi32>,
        %get3A_456 = arith.index_cast %scan3A_171 : i32 to index
        %get3A_457 = arith.constant 192 : index
        %get3A_458 = tpu.vector_load %arg7[%get3A_456, %get3A_457] {strides = array<i32>} : memref<16x512xf32, #tpu.memory_space<vmem>>, vector<16xf32>,
        %get3A_459 = arith.index_cast %scan3A_171 : i32 to index
        %get3A_460 = arith.constant 192 : index
        %get3A_461 = tpu.vector_load %arg8[%get3A_459, %get3A_460] {strides = array<i32>} : memref<16x512xi32, #tpu.memory_space<vmem>>, vector<16xi32>,
        %get3A_462 = arith.index_cast %scan3A_171 : i32 to index
        %get3A_463 = arith.constant 208 : index
        %get3A_464 = tpu.vector_load %arg7[%get3A_462, %get3A_463] {strides = array<i32>} : memref<16x512xf32, #tpu.memory_space<vmem>>, vector<16xf32>,
        %get3A_465 = arith.index_cast %scan3A_171 : i32 to index
        %get3A_466 = arith.constant 208 : index
        %get3A_467 = tpu.vector_load %arg8[%get3A_465, %get3A_466] {strides = array<i32>} : memref<16x512xi32, #tpu.memory_space<vmem>>, vector<16xi32>,
        %get3A_468 = arith.index_cast %scan3A_171 : i32 to index
        %get3A_469 = arith.constant 224 : index
        %get3A_470 = tpu.vector_load %arg7[%get3A_468, %get3A_469] {strides = array<i32>} : memref<16x512xf32, #tpu.memory_space<vmem>>, vector<16xf32>,
        %get3A_471 = arith.index_cast %scan3A_171 : i32 to index
        %get3A_472 = arith.constant 224 : index
        %get3A_473 = tpu.vector_load %arg8[%get3A_471, %get3A_472] {strides = array<i32>} : memref<16x512xi32, #tpu.memory_space<vmem>>, vector<16xi32>,
        %get3A_474 = arith.index_cast %scan3A_171 : i32 to index
        %get3A_475 = arith.constant 240 : index
        %get3A_476 = tpu.vector_load %arg7[%get3A_474, %get3A_475] {strides = array<i32>} : memref<16x512xf32, #tpu.memory_space<vmem>>, vector<16xf32>,
        %get3A_477 = arith.index_cast %scan3A_171 : i32 to index
        %get3A_478 = arith.constant 240 : index
        %get3A_479 = tpu.vector_load %arg8[%get3A_477, %get3A_478] {strides = array<i32>} : memref<16x512xi32, #tpu.memory_space<vmem>>, vector<16xi32>,
        %mul3A_480 = arith.constant -5.120000e+02 : f32
        %mul3A_481 = vector.broadcast %mul3A_480 : f32 to vector<16xf32>
        %mul3A_482 = arith.mulf %get3A_434, %mul3A_481 : vector<16xf32>
        %bitcast_convert_type3A_483 = tpu.bitcast %mul3A_482 : vector<16xf32> -> vector<16xi32>
        %shift_left3A_484 = arith.constant 31 : i32
        %shift_left3A_485 = vector.broadcast %shift_left3A_484 : i32 to vector<16xi32>
        %shift_left3A_486 = arith.shli %get3A_437, %shift_left3A_485 : vector<16xi32>
        %xor3A_487 = arith.xori %bitcast_convert_type3A_483, %shift_left3A_486 : vector<16xi32>
        %bitcast_convert_type3A_488 = tpu.bitcast %xor3A_487 : vector<16xi32> -> vector<16xf32>
        %add3A_489 = arith.constant 3.584000e+03 : f32
        %add3A_490 = vector.broadcast %add3A_489 : f32 to vector<16xf32>
        %add3A_491 = arith.addf %add3A_490, %bitcast_convert_type3A_488 : vector<16xf32>
        %lt3A_492 = arith.constant 4.096000e+03 : f32
        %lt3A_493 = vector.broadcast %lt3A_492 : f32 to vector<16xf32>
        %lt3A_494 = arith.cmpf olt, %add3A_491, %lt3A_493 : vector<16xf32>
        %max3A_495 = arith.constant 0.000000e+00 : f32
        %max3A_496 = vector.broadcast %max3A_495 : f32 to vector<16xf32>
        %max3A_497 = arith.maximumf %add3A_491, %max3A_496 : vector<16xf32>
        %min3A_498 = arith.constant 4.095000e+03 : f32
        %min3A_499 = vector.broadcast %min3A_498 : f32 to vector<16xf32>
        %min3A_500 = arith.minimumf %max3A_497, %min3A_499 : vector<16xf32>
        %convert_element_type3A_501 = arith.fptosi %min3A_500 : vector<16xf32> to vector<16xi32>
        %shift_left3A_502 = arith.constant 12 : i32
        %shift_left3A_503 = vector.broadcast %shift_left3A_502 : i32 to vector<16xi32>
        %shift_left3A_504 = arith.shli %get3A_437, %shift_left3A_503 : vector<16xi32>
        %add3A_505 = arith.addi %convert_element_type3A_501, %shift_left3A_504 : vector<16xi32>
        %mul3A_506 = arith.constant -5.120000e+02 : f32
        %mul3A_507 = vector.broadcast %mul3A_506 : f32 to vector<16xf32>
        %mul3A_508 = arith.mulf %get3A_440, %mul3A_507 : vector<16xf32>
        %bitcast_convert_type3A_509 = tpu.bitcast %mul3A_508 : vector<16xf32> -> vector<16xi32>
        %shift_left3A_510 = arith.constant 31 : i32
        %shift_left3A_511 = vector.broadcast %shift_left3A_510 : i32 to vector<16xi32>
        %shift_left3A_512 = arith.shli %get3A_443, %shift_left3A_511 : vector<16xi32>
        %xor3A_513 = arith.xori %bitcast_convert_type3A_509, %shift_left3A_512 : vector<16xi32>
        %bitcast_convert_type3A_514 = tpu.bitcast %xor3A_513 : vector<16xi32> -> vector<16xf32>
        %add3A_515 = arith.constant 3.584000e+03 : f32
        %add3A_516 = vector.broadcast %add3A_515 : f32 to vector<16xf32>
        %add3A_517 = arith.addf %add3A_516, %bitcast_convert_type3A_514 : vector<16xf32>
        %lt3A_518 = arith.constant 4.096000e+03 : f32
        %lt3A_519 = vector.broadcast %lt3A_518 : f32 to vector<16xf32>
        %lt3A_520 = arith.cmpf olt, %add3A_517, %lt3A_519 : vector<16xf32>
        %max3A_521 = arith.constant 0.000000e+00 : f32
        %max3A_522 = vector.broadcast %max3A_521 : f32 to vector<16xf32>
        %max3A_523 = arith.maximumf %add3A_517, %max3A_522 : vector<16xf32>
        %min3A_524 = arith.constant 4.095000e+03 : f32
        %min3A_525 = vector.broadcast %min3A_524 : f32 to vector<16xf32>
        %min3A_526 = arith.minimumf %max3A_523, %min3A_525 : vector<16xf32>
        %convert_element_type3A_527 = arith.fptosi %min3A_526 : vector<16xf32> to vector<16xi32>
        %shift_left3A_528 = arith.constant 12 : i32
        %shift_left3A_529 = vector.broadcast %shift_left3A_528 : i32 to vector<16xi32>
        %shift_left3A_530 = arith.shli %get3A_443, %shift_left3A_529 : vector<16xi32>
        %add3A_531 = arith.addi %convert_element_type3A_527, %shift_left3A_530 : vector<16xi32>
        %mul3A_532 = arith.constant -5.120000e+02 : f32
        %mul3A_533 = vector.broadcast %mul3A_532 : f32 to vector<16xf32>
        %mul3A_534 = arith.mulf %get3A_446, %mul3A_533 : vector<16xf32>
        %bitcast_convert_type3A_535 = tpu.bitcast %mul3A_534 : vector<16xf32> -> vector<16xi32>
        %shift_left3A_536 = arith.constant 31 : i32
        %shift_left3A_537 = vector.broadcast %shift_left3A_536 : i32 to vector<16xi32>
        %shift_left3A_538 = arith.shli %get3A_449, %shift_left3A_537 : vector<16xi32>
        %xor3A_539 = arith.xori %bitcast_convert_type3A_535, %shift_left3A_538 : vector<16xi32>
        %bitcast_convert_type3A_540 = tpu.bitcast %xor3A_539 : vector<16xi32> -> vector<16xf32>
        %add3A_541 = arith.constant 3.584000e+03 : f32
        %add3A_542 = vector.broadcast %add3A_541 : f32 to vector<16xf32>
        %add3A_543 = arith.addf %add3A_542, %bitcast_convert_type3A_540 : vector<16xf32>
        %lt3A_544 = arith.constant 4.096000e+03 : f32
        %lt3A_545 = vector.broadcast %lt3A_544 : f32 to vector<16xf32>
        %lt3A_546 = arith.cmpf olt, %add3A_543, %lt3A_545 : vector<16xf32>
        %max3A_547 = arith.constant 0.000000e+00 : f32
        %max3A_548 = vector.broadcast %max3A_547 : f32 to vector<16xf32>
        %max3A_549 = arith.maximumf %add3A_543, %max3A_548 : vector<16xf32>
        %min3A_550 = arith.constant 4.095000e+03 : f32
        %min3A_551 = vector.broadcast %min3A_550 : f32 to vector<16xf32>
        %min3A_552 = arith.minimumf %max3A_549, %min3A_551 : vector<16xf32>
        %convert_element_type3A_553 = arith.fptosi %min3A_552 : vector<16xf32> to vector<16xi32>
        %shift_left3A_554 = arith.constant 12 : i32
        %shift_left3A_555 = vector.broadcast %shift_left3A_554 : i32 to vector<16xi32>
        %shift_left3A_556 = arith.shli %get3A_449, %shift_left3A_555 : vector<16xi32>
        %add3A_557 = arith.addi %convert_element_type3A_553, %shift_left3A_556 : vector<16xi32>
        %mul3A_558 = arith.constant -5.120000e+02 : f32
        %mul3A_559 = vector.broadcast %mul3A_558 : f32 to vector<16xf32>
        %mul3A_560 = arith.mulf %get3A_452, %mul3A_559 : vector<16xf32>
        %bitcast_convert_type3A_561 = tpu.bitcast %mul3A_560 : vector<16xf32> -> vector<16xi32>
        %shift_left3A_562 = arith.constant 31 : i32
        %shift_left3A_563 = vector.broadcast %shift_left3A_562 : i32 to vector<16xi32>
        %shift_left3A_564 = arith.shli %get3A_455, %shift_left3A_563 : vector<16xi32>
        %xor3A_565 = arith.xori %bitcast_convert_type3A_561, %shift_left3A_564 : vector<16xi32>
        %bitcast_convert_type3A_566 = tpu.bitcast %xor3A_565 : vector<16xi32> -> vector<16xf32>
        %add3A_567 = arith.constant 3.584000e+03 : f32
        %add3A_568 = vector.broadcast %add3A_567 : f32 to vector<16xf32>
        %add3A_569 = arith.addf %add3A_568, %bitcast_convert_type3A_566 : vector<16xf32>
        %lt3A_570 = arith.constant 4.096000e+03 : f32
        %lt3A_571 = vector.broadcast %lt3A_570 : f32 to vector<16xf32>
        %lt3A_572 = arith.cmpf olt, %add3A_569, %lt3A_571 : vector<16xf32>
        %max3A_573 = arith.constant 0.000000e+00 : f32
        %max3A_574 = vector.broadcast %max3A_573 : f32 to vector<16xf32>
        %max3A_575 = arith.maximumf %add3A_569, %max3A_574 : vector<16xf32>
        %min3A_576 = arith.constant 4.095000e+03 : f32
        %min3A_577 = vector.broadcast %min3A_576 : f32 to vector<16xf32>
        %min3A_578 = arith.minimumf %max3A_575, %min3A_577 : vector<16xf32>
        %convert_element_type3A_579 = arith.fptosi %min3A_578 : vector<16xf32> to vector<16xi32>
        %shift_left3A_580 = arith.constant 12 : i32
        %shift_left3A_581 = vector.broadcast %shift_left3A_580 : i32 to vector<16xi32>
        %shift_left3A_582 = arith.shli %get3A_455, %shift_left3A_581 : vector<16xi32>
        %add3A_583 = arith.addi %convert_element_type3A_579, %shift_left3A_582 : vector<16xi32>
        %mul3A_584 = arith.constant -5.120000e+02 : f32
        %mul3A_585 = vector.broadcast %mul3A_584 : f32 to vector<16xf32>
        %mul3A_586 = arith.mulf %get3A_458, %mul3A_585 : vector<16xf32>
        %bitcast_convert_type3A_587 = tpu.bitcast %mul3A_586 : vector<16xf32> -> vector<16xi32>
        %shift_left3A_588 = arith.constant 31 : i32
        %shift_left3A_589 = vector.broadcast %shift_left3A_588 : i32 to vector<16xi32>
        %shift_left3A_590 = arith.shli %get3A_461, %shift_left3A_589 : vector<16xi32>
        %xor3A_591 = arith.xori %bitcast_convert_type3A_587, %shift_left3A_590 : vector<16xi32>
        %bitcast_convert_type3A_592 = tpu.bitcast %xor3A_591 : vector<16xi32> -> vector<16xf32>
        %add3A_593 = arith.constant 3.584000e+03 : f32
        %add3A_594 = vector.broadcast %add3A_593 : f32 to vector<16xf32>
        %add3A_595 = arith.addf %add3A_594, %bitcast_convert_type3A_592 : vector<16xf32>
        %lt3A_596 = arith.constant 4.096000e+03 : f32
        %lt3A_597 = vector.broadcast %lt3A_596 : f32 to vector<16xf32>
        %lt3A_598 = arith.cmpf olt, %add3A_595, %lt3A_597 : vector<16xf32>
        %max3A_599 = arith.constant 0.000000e+00 : f32
        %max3A_600 = vector.broadcast %max3A_599 : f32 to vector<16xf32>
        %max3A_601 = arith.maximumf %add3A_595, %max3A_600 : vector<16xf32>
        %min3A_602 = arith.constant 4.095000e+03 : f32
        %min3A_603 = vector.broadcast %min3A_602 : f32 to vector<16xf32>
        %min3A_604 = arith.minimumf %max3A_601, %min3A_603 : vector<16xf32>
        %convert_element_type3A_605 = arith.fptosi %min3A_604 : vector<16xf32> to vector<16xi32>
        %shift_left3A_606 = arith.constant 12 : i32
        %shift_left3A_607 = vector.broadcast %shift_left3A_606 : i32 to vector<16xi32>
        %shift_left3A_608 = arith.shli %get3A_461, %shift_left3A_607 : vector<16xi32>
        %add3A_609 = arith.addi %convert_element_type3A_605, %shift_left3A_608 : vector<16xi32>
        %mul3A_610 = arith.constant -5.120000e+02 : f32
        %mul3A_611 = vector.broadcast %mul3A_610 : f32 to vector<16xf32>
        %mul3A_612 = arith.mulf %get3A_464, %mul3A_611 : vector<16xf32>
        %bitcast_convert_type3A_613 = tpu.bitcast %mul3A_612 : vector<16xf32> -> vector<16xi32>
        %shift_left3A_614 = arith.constant 31 : i32
        %shift_left3A_615 = vector.broadcast %shift_left3A_614 : i32 to vector<16xi32>
        %shift_left3A_616 = arith.shli %get3A_467, %shift_left3A_615 : vector<16xi32>
        %xor3A_617 = arith.xori %bitcast_convert_type3A_613, %shift_left3A_616 : vector<16xi32>
        %bitcast_convert_type3A_618 = tpu.bitcast %xor3A_617 : vector<16xi32> -> vector<16xf32>
        %add3A_619 = arith.constant 3.584000e+03 : f32
        %add3A_620 = vector.broadcast %add3A_619 : f32 to vector<16xf32>
        %add3A_621 = arith.addf %add3A_620, %bitcast_convert_type3A_618 : vector<16xf32>
        %lt3A_622 = arith.constant 4.096000e+03 : f32
        %lt3A_623 = vector.broadcast %lt3A_622 : f32 to vector<16xf32>
        %lt3A_624 = arith.cmpf olt, %add3A_621, %lt3A_623 : vector<16xf32>
        %max3A_625 = arith.constant 0.000000e+00 : f32
        %max3A_626 = vector.broadcast %max3A_625 : f32 to vector<16xf32>
        %max3A_627 = arith.maximumf %add3A_621, %max3A_626 : vector<16xf32>
        %min3A_628 = arith.constant 4.095000e+03 : f32
        %min3A_629 = vector.broadcast %min3A_628 : f32 to vector<16xf32>
        %min3A_630 = arith.minimumf %max3A_627, %min3A_629 : vector<16xf32>
        %convert_element_type3A_631 = arith.fptosi %min3A_630 : vector<16xf32> to vector<16xi32>
        %shift_left3A_632 = arith.constant 12 : i32
        %shift_left3A_633 = vector.broadcast %shift_left3A_632 : i32 to vector<16xi32>
        %shift_left3A_634 = arith.shli %get3A_467, %shift_left3A_633 : vector<16xi32>
        %add3A_635 = arith.addi %convert_element_type3A_631, %shift_left3A_634 : vector<16xi32>
        %mul3A_636 = arith.constant -5.120000e+02 : f32
        %mul3A_637 = vector.broadcast %mul3A_636 : f32 to vector<16xf32>
        %mul3A_638 = arith.mulf %get3A_470, %mul3A_637 : vector<16xf32>
        %bitcast_convert_type3A_639 = tpu.bitcast %mul3A_638 : vector<16xf32> -> vector<16xi32>
        %shift_left3A_640 = arith.constant 31 : i32
        %shift_left3A_641 = vector.broadcast %shift_left3A_640 : i32 to vector<16xi32>
        %shift_left3A_642 = arith.shli %get3A_473, %shift_left3A_641 : vector<16xi32>
        %xor3A_643 = arith.xori %bitcast_convert_type3A_639, %shift_left3A_642 : vector<16xi32>
        %bitcast_convert_type3A_644 = tpu.bitcast %xor3A_643 : vector<16xi32> -> vector<16xf32>
        %add3A_645 = arith.constant 3.584000e+03 : f32
        %add3A_646 = vector.broadcast %add3A_645 : f32 to vector<16xf32>
        %add3A_647 = arith.addf %add3A_646, %bitcast_convert_type3A_644 : vector<16xf32>
        %lt3A_648 = arith.constant 4.096000e+03 : f32
        %lt3A_649 = vector.broadcast %lt3A_648 : f32 to vector<16xf32>
        %lt3A_650 = arith.cmpf olt, %add3A_647, %lt3A_649 : vector<16xf32>
        %max3A_651 = arith.constant 0.000000e+00 : f32
        %max3A_652 = vector.broadcast %max3A_651 : f32 to vector<16xf32>
        %max3A_653 = arith.maximumf %add3A_647, %max3A_652 : vector<16xf32>
        %min3A_654 = arith.constant 4.095000e+03 : f32
        %min3A_655 = vector.broadcast %min3A_654 : f32 to vector<16xf32>
        %min3A_656 = arith.minimumf %max3A_653, %min3A_655 : vector<16xf32>
        %convert_element_type3A_657 = arith.fptosi %min3A_656 : vector<16xf32> to vector<16xi32>
        %shift_left3A_658 = arith.constant 12 : i32
        %shift_left3A_659 = vector.broadcast %shift_left3A_658 : i32 to vector<16xi32>
        %shift_left3A_660 = arith.shli %get3A_473, %shift_left3A_659 : vector<16xi32>
        %add3A_661 = arith.addi %convert_element_type3A_657, %shift_left3A_660 : vector<16xi32>
        %mul3A_662 = arith.constant -5.120000e+02 : f32
        %mul3A_663 = vector.broadcast %mul3A_662 : f32 to vector<16xf32>
        %mul3A_664 = arith.mulf %get3A_476, %mul3A_663 : vector<16xf32>
        %bitcast_convert_type3A_665 = tpu.bitcast %mul3A_664 : vector<16xf32> -> vector<16xi32>
        %shift_left3A_666 = arith.constant 31 : i32
        %shift_left3A_667 = vector.broadcast %shift_left3A_666 : i32 to vector<16xi32>
        %shift_left3A_668 = arith.shli %get3A_479, %shift_left3A_667 : vector<16xi32>
        %xor3A_669 = arith.xori %bitcast_convert_type3A_665, %shift_left3A_668 : vector<16xi32>
        %bitcast_convert_type3A_670 = tpu.bitcast %xor3A_669 : vector<16xi32> -> vector<16xf32>
        %add3A_671 = arith.constant 3.584000e+03 : f32
        %add3A_672 = vector.broadcast %add3A_671 : f32 to vector<16xf32>
        %add3A_673 = arith.addf %add3A_672, %bitcast_convert_type3A_670 : vector<16xf32>
        %lt3A_674 = arith.constant 4.096000e+03 : f32
        %lt3A_675 = vector.broadcast %lt3A_674 : f32 to vector<16xf32>
        %lt3A_676 = arith.cmpf olt, %add3A_673, %lt3A_675 : vector<16xf32>
        %max3A_677 = arith.constant 0.000000e+00 : f32
        %max3A_678 = vector.broadcast %max3A_677 : f32 to vector<16xf32>
        %max3A_679 = arith.maximumf %add3A_673, %max3A_678 : vector<16xf32>
        %min3A_680 = arith.constant 4.095000e+03 : f32
        %min3A_681 = vector.broadcast %min3A_680 : f32 to vector<16xf32>
        %min3A_682 = arith.minimumf %max3A_679, %min3A_681 : vector<16xf32>
        %convert_element_type3A_683 = arith.fptosi %min3A_682 : vector<16xf32> to vector<16xi32>
        %shift_left3A_684 = arith.constant 12 : i32
        %shift_left3A_685 = vector.broadcast %shift_left3A_684 : i32 to vector<16xi32>
        %shift_left3A_686 = arith.shli %get3A_479, %shift_left3A_685 : vector<16xi32>
        %add3A_687 = arith.addi %convert_element_type3A_683, %shift_left3A_686 : vector<16xi32>
        %add3A_688 = arith.addi %get3A_437, %get3A_443 : vector<16xi32>
        %add3A_689 = arith.addi %get3A_449, %get3A_455 : vector<16xi32>
        %add3A_690 = arith.addi %get3A_461, %get3A_467 : vector<16xi32>
        %add3A_691 = arith.addi %get3A_473, %get3A_479 : vector<16xi32>
        %add3A_692 = arith.addi %add3A_688, %add3A_689 : vector<16xi32>
        %add3A_693 = arith.addi %add3A_690, %add3A_691 : vector<16xi32>
        %add3A_694 = arith.addi %add3A_692, %add3A_693 : vector<16xi32>
        %add3A_695 = arith.addi %add3A_431, %add3A_694 : vector<16xi32>
        tpu.vector_store_idx %arg9[%add3A_241], %broadcast_in_dim3A_33 masked %lt3A_231 {add = true} : memref<8208xf32, #tpu.memory_space<vmem>>[vector<16xi32>], vector<16xf32>, vector<16xi1>
        tpu.vector_store_idx %arg9[%add3A_267], %broadcast_in_dim3A_33 masked %lt3A_256 {add = true} : memref<8208xf32, #tpu.memory_space<vmem>>[vector<16xi32>], vector<16xf32>, vector<16xi1>
        tpu.vector_store_idx %arg9[%add3A_293], %broadcast_in_dim3A_33 masked %lt3A_282 {add = true} : memref<8208xf32, #tpu.memory_space<vmem>>[vector<16xi32>], vector<16xf32>, vector<16xi1>
        tpu.vector_store_idx %arg9[%add3A_319], %broadcast_in_dim3A_33 masked %lt3A_308 {add = true} : memref<8208xf32, #tpu.memory_space<vmem>>[vector<16xi32>], vector<16xf32>, vector<16xi1>
        tpu.vector_store_idx %arg9[%add3A_345], %broadcast_in_dim3A_33 masked %lt3A_334 {add = true} : memref<8208xf32, #tpu.memory_space<vmem>>[vector<16xi32>], vector<16xf32>, vector<16xi1>
        tpu.vector_store_idx %arg9[%add3A_371], %broadcast_in_dim3A_33 masked %lt3A_360 {add = true} : memref<8208xf32, #tpu.memory_space<vmem>>[vector<16xi32>], vector<16xf32>, vector<16xi1>
        tpu.vector_store_idx %arg9[%add3A_397], %broadcast_in_dim3A_33 masked %lt3A_386 {add = true} : memref<8208xf32, #tpu.memory_space<vmem>>[vector<16xi32>], vector<16xf32>, vector<16xi1>
        tpu.vector_store_idx %arg9[%add3A_423], %broadcast_in_dim3A_33 masked %lt3A_412 {add = true} : memref<8208xf32, #tpu.memory_space<vmem>>[vector<16xi32>], vector<16xf32>, vector<16xi1>
        %get3A_696 = arith.index_cast %scan3A_171 : i32 to index
        %get3A_697 = arith.constant 256 : index
        %get3A_698 = tpu.vector_load %arg7[%get3A_696, %get3A_697] {strides = array<i32>} : memref<16x512xf32, #tpu.memory_space<vmem>>, vector<16xf32>,
        %get3A_699 = arith.index_cast %scan3A_171 : i32 to index
        %get3A_700 = arith.constant 256 : index
        %get3A_701 = tpu.vector_load %arg8[%get3A_699, %get3A_700] {strides = array<i32>} : memref<16x512xi32, #tpu.memory_space<vmem>>, vector<16xi32>,
        %get3A_702 = arith.index_cast %scan3A_171 : i32 to index
        %get3A_703 = arith.constant 272 : index
        %get3A_704 = tpu.vector_load %arg7[%get3A_702, %get3A_703] {strides = array<i32>} : memref<16x512xf32, #tpu.memory_space<vmem>>, vector<16xf32>,
        %get3A_705 = arith.index_cast %scan3A_171 : i32 to index
        %get3A_706 = arith.constant 272 : index
        %get3A_707 = tpu.vector_load %arg8[%get3A_705, %get3A_706] {strides = array<i32>} : memref<16x512xi32, #tpu.memory_space<vmem>>, vector<16xi32>,
        %get3A_708 = arith.index_cast %scan3A_171 : i32 to index
        %get3A_709 = arith.constant 288 : index
        %get3A_710 = tpu.vector_load %arg7[%get3A_708, %get3A_709] {strides = array<i32>} : memref<16x512xf32, #tpu.memory_space<vmem>>, vector<16xf32>,
        %get3A_711 = arith.index_cast %scan3A_171 : i32 to index
        %get3A_712 = arith.constant 288 : index
        %get3A_713 = tpu.vector_load %arg8[%get3A_711, %get3A_712] {strides = array<i32>} : memref<16x512xi32, #tpu.memory_space<vmem>>, vector<16xi32>,
        %get3A_714 = arith.index_cast %scan3A_171 : i32 to index
        %get3A_715 = arith.constant 304 : index
        %get3A_716 = tpu.vector_load %arg7[%get3A_714, %get3A_715] {strides = array<i32>} : memref<16x512xf32, #tpu.memory_space<vmem>>, vector<16xf32>,
        %get3A_717 = arith.index_cast %scan3A_171 : i32 to index
        %get3A_718 = arith.constant 304 : index
        %get3A_719 = tpu.vector_load %arg8[%get3A_717, %get3A_718] {strides = array<i32>} : memref<16x512xi32, #tpu.memory_space<vmem>>, vector<16xi32>,
        %get3A_720 = arith.index_cast %scan3A_171 : i32 to index
        %get3A_721 = arith.constant 320 : index
        %get3A_722 = tpu.vector_load %arg7[%get3A_720, %get3A_721] {strides = array<i32>} : memref<16x512xf32, #tpu.memory_space<vmem>>, vector<16xf32>,
        %get3A_723 = arith.index_cast %scan3A_171 : i32 to index
        %get3A_724 = arith.constant 320 : index
        %get3A_725 = tpu.vector_load %arg8[%get3A_723, %get3A_724] {strides = array<i32>} : memref<16x512xi32, #tpu.memory_space<vmem>>, vector<16xi32>,
        %get3A_726 = arith.index_cast %scan3A_171 : i32 to index
        %get3A_727 = arith.constant 336 : index
        %get3A_728 = tpu.vector_load %arg7[%get3A_726, %get3A_727] {strides = array<i32>} : memref<16x512xf32, #tpu.memory_space<vmem>>, vector<16xf32>,
        %get3A_729 = arith.index_cast %scan3A_171 : i32 to index
        %get3A_730 = arith.constant 336 : index
        %get3A_731 = tpu.vector_load %arg8[%get3A_729, %get3A_730] {strides = array<i32>} : memref<16x512xi32, #tpu.memory_space<vmem>>, vector<16xi32>,
        %get3A_732 = arith.index_cast %scan3A_171 : i32 to index
        %get3A_733 = arith.constant 352 : index
        %get3A_734 = tpu.vector_load %arg7[%get3A_732, %get3A_733] {strides = array<i32>} : memref<16x512xf32, #tpu.memory_space<vmem>>, vector<16xf32>,
        %get3A_735 = arith.index_cast %scan3A_171 : i32 to index
        %get3A_736 = arith.constant 352 : index
        %get3A_737 = tpu.vector_load %arg8[%get3A_735, %get3A_736] {strides = array<i32>} : memref<16x512xi32, #tpu.memory_space<vmem>>, vector<16xi32>,
        %get3A_738 = arith.index_cast %scan3A_171 : i32 to index
        %get3A_739 = arith.constant 368 : index
        %get3A_740 = tpu.vector_load %arg7[%get3A_738, %get3A_739] {strides = array<i32>} : memref<16x512xf32, #tpu.memory_space<vmem>>, vector<16xf32>,
        %get3A_741 = arith.index_cast %scan3A_171 : i32 to index
        %get3A_742 = arith.constant 368 : index
        %get3A_743 = tpu.vector_load %arg8[%get3A_741, %get3A_742] {strides = array<i32>} : memref<16x512xi32, #tpu.memory_space<vmem>>, vector<16xi32>,
        %mul3A_744 = arith.constant -5.120000e+02 : f32
        %mul3A_745 = vector.broadcast %mul3A_744 : f32 to vector<16xf32>
        %mul3A_746 = arith.mulf %get3A_698, %mul3A_745 : vector<16xf32>
        %bitcast_convert_type3A_747 = tpu.bitcast %mul3A_746 : vector<16xf32> -> vector<16xi32>
        %shift_left3A_748 = arith.constant 31 : i32
        %shift_left3A_749 = vector.broadcast %shift_left3A_748 : i32 to vector<16xi32>
        %shift_left3A_750 = arith.shli %get3A_701, %shift_left3A_749 : vector<16xi32>
        %xor3A_751 = arith.xori %bitcast_convert_type3A_747, %shift_left3A_750 : vector<16xi32>
        %bitcast_convert_type3A_752 = tpu.bitcast %xor3A_751 : vector<16xi32> -> vector<16xf32>
        %add3A_753 = arith.constant 3.584000e+03 : f32
        %add3A_754 = vector.broadcast %add3A_753 : f32 to vector<16xf32>
        %add3A_755 = arith.addf %add3A_754, %bitcast_convert_type3A_752 : vector<16xf32>
        %lt3A_756 = arith.constant 4.096000e+03 : f32
        %lt3A_757 = vector.broadcast %lt3A_756 : f32 to vector<16xf32>
        %lt3A_758 = arith.cmpf olt, %add3A_755, %lt3A_757 : vector<16xf32>
        %max3A_759 = arith.constant 0.000000e+00 : f32
        %max3A_760 = vector.broadcast %max3A_759 : f32 to vector<16xf32>
        %max3A_761 = arith.maximumf %add3A_755, %max3A_760 : vector<16xf32>
        %min3A_762 = arith.constant 4.095000e+03 : f32
        %min3A_763 = vector.broadcast %min3A_762 : f32 to vector<16xf32>
        %min3A_764 = arith.minimumf %max3A_761, %min3A_763 : vector<16xf32>
        %convert_element_type3A_765 = arith.fptosi %min3A_764 : vector<16xf32> to vector<16xi32>
        %shift_left3A_766 = arith.constant 12 : i32
        %shift_left3A_767 = vector.broadcast %shift_left3A_766 : i32 to vector<16xi32>
        %shift_left3A_768 = arith.shli %get3A_701, %shift_left3A_767 : vector<16xi32>
        %add3A_769 = arith.addi %convert_element_type3A_765, %shift_left3A_768 : vector<16xi32>
        %mul3A_770 = arith.constant -5.120000e+02 : f32
        %mul3A_771 = vector.broadcast %mul3A_770 : f32 to vector<16xf32>
        %mul3A_772 = arith.mulf %get3A_704, %mul3A_771 : vector<16xf32>
        %bitcast_convert_type3A_773 = tpu.bitcast %mul3A_772 : vector<16xf32> -> vector<16xi32>
        %shift_left3A_774 = arith.constant 31 : i32
        %shift_left3A_775 = vector.broadcast %shift_left3A_774 : i32 to vector<16xi32>
        %shift_left3A_776 = arith.shli %get3A_707, %shift_left3A_775 : vector<16xi32>
        %xor3A_777 = arith.xori %bitcast_convert_type3A_773, %shift_left3A_776 : vector<16xi32>
        %bitcast_convert_type3A_778 = tpu.bitcast %xor3A_777 : vector<16xi32> -> vector<16xf32>
        %add3A_779 = arith.constant 3.584000e+03 : f32
        %add3A_780 = vector.broadcast %add3A_779 : f32 to vector<16xf32>
        %add3A_781 = arith.addf %add3A_780, %bitcast_convert_type3A_778 : vector<16xf32>
        %lt3A_782 = arith.constant 4.096000e+03 : f32
        %lt3A_783 = vector.broadcast %lt3A_782 : f32 to vector<16xf32>
        %lt3A_784 = arith.cmpf olt, %add3A_781, %lt3A_783 : vector<16xf32>
        %max3A_785 = arith.constant 0.000000e+00 : f32
        %max3A_786 = vector.broadcast %max3A_785 : f32 to vector<16xf32>
        %max3A_787 = arith.maximumf %add3A_781, %max3A_786 : vector<16xf32>
        %min3A_788 = arith.constant 4.095000e+03 : f32
        %min3A_789 = vector.broadcast %min3A_788 : f32 to vector<16xf32>
        %min3A_790 = arith.minimumf %max3A_787, %min3A_789 : vector<16xf32>
        %convert_element_type3A_791 = arith.fptosi %min3A_790 : vector<16xf32> to vector<16xi32>
        %shift_left3A_792 = arith.constant 12 : i32
        %shift_left3A_793 = vector.broadcast %shift_left3A_792 : i32 to vector<16xi32>
        %shift_left3A_794 = arith.shli %get3A_707, %shift_left3A_793 : vector<16xi32>
        %add3A_795 = arith.addi %convert_element_type3A_791, %shift_left3A_794 : vector<16xi32>
        %mul3A_796 = arith.constant -5.120000e+02 : f32
        %mul3A_797 = vector.broadcast %mul3A_796 : f32 to vector<16xf32>
        %mul3A_798 = arith.mulf %get3A_710, %mul3A_797 : vector<16xf32>
        %bitcast_convert_type3A_799 = tpu.bitcast %mul3A_798 : vector<16xf32> -> vector<16xi32>
        %shift_left3A_800 = arith.constant 31 : i32
        %shift_left3A_801 = vector.broadcast %shift_left3A_800 : i32 to vector<16xi32>
        %shift_left3A_802 = arith.shli %get3A_713, %shift_left3A_801 : vector<16xi32>
        %xor3A_803 = arith.xori %bitcast_convert_type3A_799, %shift_left3A_802 : vector<16xi32>
        %bitcast_convert_type3A_804 = tpu.bitcast %xor3A_803 : vector<16xi32> -> vector<16xf32>
        %add3A_805 = arith.constant 3.584000e+03 : f32
        %add3A_806 = vector.broadcast %add3A_805 : f32 to vector<16xf32>
        %add3A_807 = arith.addf %add3A_806, %bitcast_convert_type3A_804 : vector<16xf32>
        %lt3A_808 = arith.constant 4.096000e+03 : f32
        %lt3A_809 = vector.broadcast %lt3A_808 : f32 to vector<16xf32>
        %lt3A_810 = arith.cmpf olt, %add3A_807, %lt3A_809 : vector<16xf32>
        %max3A_811 = arith.constant 0.000000e+00 : f32
        %max3A_812 = vector.broadcast %max3A_811 : f32 to vector<16xf32>
        %max3A_813 = arith.maximumf %add3A_807, %max3A_812 : vector<16xf32>
        %min3A_814 = arith.constant 4.095000e+03 : f32
        %min3A_815 = vector.broadcast %min3A_814 : f32 to vector<16xf32>
        %min3A_816 = arith.minimumf %max3A_813, %min3A_815 : vector<16xf32>
        %convert_element_type3A_817 = arith.fptosi %min3A_816 : vector<16xf32> to vector<16xi32>
        %shift_left3A_818 = arith.constant 12 : i32
        %shift_left3A_819 = vector.broadcast %shift_left3A_818 : i32 to vector<16xi32>
        %shift_left3A_820 = arith.shli %get3A_713, %shift_left3A_819 : vector<16xi32>
        %add3A_821 = arith.addi %convert_element_type3A_817, %shift_left3A_820 : vector<16xi32>
        %mul3A_822 = arith.constant -5.120000e+02 : f32
        %mul3A_823 = vector.broadcast %mul3A_822 : f32 to vector<16xf32>
        %mul3A_824 = arith.mulf %get3A_716, %mul3A_823 : vector<16xf32>
        %bitcast_convert_type3A_825 = tpu.bitcast %mul3A_824 : vector<16xf32> -> vector<16xi32>
        %shift_left3A_826 = arith.constant 31 : i32
        %shift_left3A_827 = vector.broadcast %shift_left3A_826 : i32 to vector<16xi32>
        %shift_left3A_828 = arith.shli %get3A_719, %shift_left3A_827 : vector<16xi32>
        %xor3A_829 = arith.xori %bitcast_convert_type3A_825, %shift_left3A_828 : vector<16xi32>
        %bitcast_convert_type3A_830 = tpu.bitcast %xor3A_829 : vector<16xi32> -> vector<16xf32>
        %add3A_831 = arith.constant 3.584000e+03 : f32
        %add3A_832 = vector.broadcast %add3A_831 : f32 to vector<16xf32>
        %add3A_833 = arith.addf %add3A_832, %bitcast_convert_type3A_830 : vector<16xf32>
        %lt3A_834 = arith.constant 4.096000e+03 : f32
        %lt3A_835 = vector.broadcast %lt3A_834 : f32 to vector<16xf32>
        %lt3A_836 = arith.cmpf olt, %add3A_833, %lt3A_835 : vector<16xf32>
        %max3A_837 = arith.constant 0.000000e+00 : f32
        %max3A_838 = vector.broadcast %max3A_837 : f32 to vector<16xf32>
        %max3A_839 = arith.maximumf %add3A_833, %max3A_838 : vector<16xf32>
        %min3A_840 = arith.constant 4.095000e+03 : f32
        %min3A_841 = vector.broadcast %min3A_840 : f32 to vector<16xf32>
        %min3A_842 = arith.minimumf %max3A_839, %min3A_841 : vector<16xf32>
        %convert_element_type3A_843 = arith.fptosi %min3A_842 : vector<16xf32> to vector<16xi32>
        %shift_left3A_844 = arith.constant 12 : i32
        %shift_left3A_845 = vector.broadcast %shift_left3A_844 : i32 to vector<16xi32>
        %shift_left3A_846 = arith.shli %get3A_719, %shift_left3A_845 : vector<16xi32>
        %add3A_847 = arith.addi %convert_element_type3A_843, %shift_left3A_846 : vector<16xi32>
        %mul3A_848 = arith.constant -5.120000e+02 : f32
        %mul3A_849 = vector.broadcast %mul3A_848 : f32 to vector<16xf32>
        %mul3A_850 = arith.mulf %get3A_722, %mul3A_849 : vector<16xf32>
        %bitcast_convert_type3A_851 = tpu.bitcast %mul3A_850 : vector<16xf32> -> vector<16xi32>
        %shift_left3A_852 = arith.constant 31 : i32
        %shift_left3A_853 = vector.broadcast %shift_left3A_852 : i32 to vector<16xi32>
        %shift_left3A_854 = arith.shli %get3A_725, %shift_left3A_853 : vector<16xi32>
        %xor3A_855 = arith.xori %bitcast_convert_type3A_851, %shift_left3A_854 : vector<16xi32>
        %bitcast_convert_type3A_856 = tpu.bitcast %xor3A_855 : vector<16xi32> -> vector<16xf32>
        %add3A_857 = arith.constant 3.584000e+03 : f32
        %add3A_858 = vector.broadcast %add3A_857 : f32 to vector<16xf32>
        %add3A_859 = arith.addf %add3A_858, %bitcast_convert_type3A_856 : vector<16xf32>
        %lt3A_860 = arith.constant 4.096000e+03 : f32
        %lt3A_861 = vector.broadcast %lt3A_860 : f32 to vector<16xf32>
        %lt3A_862 = arith.cmpf olt, %add3A_859, %lt3A_861 : vector<16xf32>
        %max3A_863 = arith.constant 0.000000e+00 : f32
        %max3A_864 = vector.broadcast %max3A_863 : f32 to vector<16xf32>
        %max3A_865 = arith.maximumf %add3A_859, %max3A_864 : vector<16xf32>
        %min3A_866 = arith.constant 4.095000e+03 : f32
        %min3A_867 = vector.broadcast %min3A_866 : f32 to vector<16xf32>
        %min3A_868 = arith.minimumf %max3A_865, %min3A_867 : vector<16xf32>
        %convert_element_type3A_869 = arith.fptosi %min3A_868 : vector<16xf32> to vector<16xi32>
        %shift_left3A_870 = arith.constant 12 : i32
        %shift_left3A_871 = vector.broadcast %shift_left3A_870 : i32 to vector<16xi32>
        %shift_left3A_872 = arith.shli %get3A_725, %shift_left3A_871 : vector<16xi32>
        %add3A_873 = arith.addi %convert_element_type3A_869, %shift_left3A_872 : vector<16xi32>
        %mul3A_874 = arith.constant -5.120000e+02 : f32
        %mul3A_875 = vector.broadcast %mul3A_874 : f32 to vector<16xf32>
        %mul3A_876 = arith.mulf %get3A_728, %mul3A_875 : vector<16xf32>
        %bitcast_convert_type3A_877 = tpu.bitcast %mul3A_876 : vector<16xf32> -> vector<16xi32>
        %shift_left3A_878 = arith.constant 31 : i32
        %shift_left3A_879 = vector.broadcast %shift_left3A_878 : i32 to vector<16xi32>
        %shift_left3A_880 = arith.shli %get3A_731, %shift_left3A_879 : vector<16xi32>
        %xor3A_881 = arith.xori %bitcast_convert_type3A_877, %shift_left3A_880 : vector<16xi32>
        %bitcast_convert_type3A_882 = tpu.bitcast %xor3A_881 : vector<16xi32> -> vector<16xf32>
        %add3A_883 = arith.constant 3.584000e+03 : f32
        %add3A_884 = vector.broadcast %add3A_883 : f32 to vector<16xf32>
        %add3A_885 = arith.addf %add3A_884, %bitcast_convert_type3A_882 : vector<16xf32>
        %lt3A_886 = arith.constant 4.096000e+03 : f32
        %lt3A_887 = vector.broadcast %lt3A_886 : f32 to vector<16xf32>
        %lt3A_888 = arith.cmpf olt, %add3A_885, %lt3A_887 : vector<16xf32>
        %max3A_889 = arith.constant 0.000000e+00 : f32
        %max3A_890 = vector.broadcast %max3A_889 : f32 to vector<16xf32>
        %max3A_891 = arith.maximumf %add3A_885, %max3A_890 : vector<16xf32>
        %min3A_892 = arith.constant 4.095000e+03 : f32
        %min3A_893 = vector.broadcast %min3A_892 : f32 to vector<16xf32>
        %min3A_894 = arith.minimumf %max3A_891, %min3A_893 : vector<16xf32>
        %convert_element_type3A_895 = arith.fptosi %min3A_894 : vector<16xf32> to vector<16xi32>
        %shift_left3A_896 = arith.constant 12 : i32
        %shift_left3A_897 = vector.broadcast %shift_left3A_896 : i32 to vector<16xi32>
        %shift_left3A_898 = arith.shli %get3A_731, %shift_left3A_897 : vector<16xi32>
        %add3A_899 = arith.addi %convert_element_type3A_895, %shift_left3A_898 : vector<16xi32>
        %mul3A_900 = arith.constant -5.120000e+02 : f32
        %mul3A_901 = vector.broadcast %mul3A_900 : f32 to vector<16xf32>
        %mul3A_902 = arith.mulf %get3A_734, %mul3A_901 : vector<16xf32>
        %bitcast_convert_type3A_903 = tpu.bitcast %mul3A_902 : vector<16xf32> -> vector<16xi32>
        %shift_left3A_904 = arith.constant 31 : i32
        %shift_left3A_905 = vector.broadcast %shift_left3A_904 : i32 to vector<16xi32>
        %shift_left3A_906 = arith.shli %get3A_737, %shift_left3A_905 : vector<16xi32>
        %xor3A_907 = arith.xori %bitcast_convert_type3A_903, %shift_left3A_906 : vector<16xi32>
        %bitcast_convert_type3A_908 = tpu.bitcast %xor3A_907 : vector<16xi32> -> vector<16xf32>
        %add3A_909 = arith.constant 3.584000e+03 : f32
        %add3A_910 = vector.broadcast %add3A_909 : f32 to vector<16xf32>
        %add3A_911 = arith.addf %add3A_910, %bitcast_convert_type3A_908 : vector<16xf32>
        %lt3A_912 = arith.constant 4.096000e+03 : f32
        %lt3A_913 = vector.broadcast %lt3A_912 : f32 to vector<16xf32>
        %lt3A_914 = arith.cmpf olt, %add3A_911, %lt3A_913 : vector<16xf32>
        %max3A_915 = arith.constant 0.000000e+00 : f32
        %max3A_916 = vector.broadcast %max3A_915 : f32 to vector<16xf32>
        %max3A_917 = arith.maximumf %add3A_911, %max3A_916 : vector<16xf32>
        %min3A_918 = arith.constant 4.095000e+03 : f32
        %min3A_919 = vector.broadcast %min3A_918 : f32 to vector<16xf32>
        %min3A_920 = arith.minimumf %max3A_917, %min3A_919 : vector<16xf32>
        %convert_element_type3A_921 = arith.fptosi %min3A_920 : vector<16xf32> to vector<16xi32>
        %shift_left3A_922 = arith.constant 12 : i32
        %shift_left3A_923 = vector.broadcast %shift_left3A_922 : i32 to vector<16xi32>
        %shift_left3A_924 = arith.shli %get3A_737, %shift_left3A_923 : vector<16xi32>
        %add3A_925 = arith.addi %convert_element_type3A_921, %shift_left3A_924 : vector<16xi32>
        %mul3A_926 = arith.constant -5.120000e+02 : f32
        %mul3A_927 = vector.broadcast %mul3A_926 : f32 to vector<16xf32>
        %mul3A_928 = arith.mulf %get3A_740, %mul3A_927 : vector<16xf32>
        %bitcast_convert_type3A_929 = tpu.bitcast %mul3A_928 : vector<16xf32> -> vector<16xi32>
        %shift_left3A_930 = arith.constant 31 : i32
        %shift_left3A_931 = vector.broadcast %shift_left3A_930 : i32 to vector<16xi32>
        %shift_left3A_932 = arith.shli %get3A_743, %shift_left3A_931 : vector<16xi32>
        %xor3A_933 = arith.xori %bitcast_convert_type3A_929, %shift_left3A_932 : vector<16xi32>
        %bitcast_convert_type3A_934 = tpu.bitcast %xor3A_933 : vector<16xi32> -> vector<16xf32>
        %add3A_935 = arith.constant 3.584000e+03 : f32
        %add3A_936 = vector.broadcast %add3A_935 : f32 to vector<16xf32>
        %add3A_937 = arith.addf %add3A_936, %bitcast_convert_type3A_934 : vector<16xf32>
        %lt3A_938 = arith.constant 4.096000e+03 : f32
        %lt3A_939 = vector.broadcast %lt3A_938 : f32 to vector<16xf32>
        %lt3A_940 = arith.cmpf olt, %add3A_937, %lt3A_939 : vector<16xf32>
        %max3A_941 = arith.constant 0.000000e+00 : f32
        %max3A_942 = vector.broadcast %max3A_941 : f32 to vector<16xf32>
        %max3A_943 = arith.maximumf %add3A_937, %max3A_942 : vector<16xf32>
        %min3A_944 = arith.constant 4.095000e+03 : f32
        %min3A_945 = vector.broadcast %min3A_944 : f32 to vector<16xf32>
        %min3A_946 = arith.minimumf %max3A_943, %min3A_945 : vector<16xf32>
        %convert_element_type3A_947 = arith.fptosi %min3A_946 : vector<16xf32> to vector<16xi32>
        %shift_left3A_948 = arith.constant 12 : i32
        %shift_left3A_949 = vector.broadcast %shift_left3A_948 : i32 to vector<16xi32>
        %shift_left3A_950 = arith.shli %get3A_743, %shift_left3A_949 : vector<16xi32>
        %add3A_951 = arith.addi %convert_element_type3A_947, %shift_left3A_950 : vector<16xi32>
        %add3A_952 = arith.addi %get3A_701, %get3A_707 : vector<16xi32>
        %add3A_953 = arith.addi %get3A_713, %get3A_719 : vector<16xi32>
        %add3A_954 = arith.addi %get3A_725, %get3A_731 : vector<16xi32>
        %add3A_955 = arith.addi %get3A_737, %get3A_743 : vector<16xi32>
        %add3A_956 = arith.addi %add3A_952, %add3A_953 : vector<16xi32>
        %add3A_957 = arith.addi %add3A_954, %add3A_955 : vector<16xi32>
        %add3A_958 = arith.addi %add3A_956, %add3A_957 : vector<16xi32>
        %add3A_959 = arith.addi %add3A_695, %add3A_958 : vector<16xi32>
        tpu.vector_store_idx %arg9[%add3A_505], %broadcast_in_dim3A_33 masked %lt3A_494 {add = true} : memref<8208xf32, #tpu.memory_space<vmem>>[vector<16xi32>], vector<16xf32>, vector<16xi1>
        tpu.vector_store_idx %arg9[%add3A_531], %broadcast_in_dim3A_33 masked %lt3A_520 {add = true} : memref<8208xf32, #tpu.memory_space<vmem>>[vector<16xi32>], vector<16xf32>, vector<16xi1>
        tpu.vector_store_idx %arg9[%add3A_557], %broadcast_in_dim3A_33 masked %lt3A_546 {add = true} : memref<8208xf32, #tpu.memory_space<vmem>>[vector<16xi32>], vector<16xf32>, vector<16xi1>
        tpu.vector_store_idx %arg9[%add3A_583], %broadcast_in_dim3A_33 masked %lt3A_572 {add = true} : memref<8208xf32, #tpu.memory_space<vmem>>[vector<16xi32>], vector<16xf32>, vector<16xi1>
        tpu.vector_store_idx %arg9[%add3A_609], %broadcast_in_dim3A_33 masked %lt3A_598 {add = true} : memref<8208xf32, #tpu.memory_space<vmem>>[vector<16xi32>], vector<16xf32>, vector<16xi1>
        tpu.vector_store_idx %arg9[%add3A_635], %broadcast_in_dim3A_33 masked %lt3A_624 {add = true} : memref<8208xf32, #tpu.memory_space<vmem>>[vector<16xi32>], vector<16xf32>, vector<16xi1>
        tpu.vector_store_idx %arg9[%add3A_661], %broadcast_in_dim3A_33 masked %lt3A_650 {add = true} : memref<8208xf32, #tpu.memory_space<vmem>>[vector<16xi32>], vector<16xf32>, vector<16xi1>
        tpu.vector_store_idx %arg9[%add3A_687], %broadcast_in_dim3A_33 masked %lt3A_676 {add = true} : memref<8208xf32, #tpu.memory_space<vmem>>[vector<16xi32>], vector<16xf32>, vector<16xi1>
        %get3A_960 = arith.index_cast %scan3A_171 : i32 to index
        %get3A_961 = arith.constant 384 : index
        %get3A_962 = tpu.vector_load %arg7[%get3A_960, %get3A_961] {strides = array<i32>} : memref<16x512xf32, #tpu.memory_space<vmem>>, vector<16xf32>,
        %get3A_963 = arith.index_cast %scan3A_171 : i32 to index
        %get3A_964 = arith.constant 384 : index
        %get3A_965 = tpu.vector_load %arg8[%get3A_963, %get3A_964] {strides = array<i32>} : memref<16x512xi32, #tpu.memory_space<vmem>>, vector<16xi32>,
        %get3A_966 = arith.index_cast %scan3A_171 : i32 to index
        %get3A_967 = arith.constant 400 : index
        %get3A_968 = tpu.vector_load %arg7[%get3A_966, %get3A_967] {strides = array<i32>} : memref<16x512xf32, #tpu.memory_space<vmem>>, vector<16xf32>,
        %get3A_969 = arith.index_cast %scan3A_171 : i32 to index
        %get3A_970 = arith.constant 400 : index
        %get3A_971 = tpu.vector_load %arg8[%get3A_969, %get3A_970] {strides = array<i32>} : memref<16x512xi32, #tpu.memory_space<vmem>>, vector<16xi32>,
        %get3A_972 = arith.index_cast %scan3A_171 : i32 to index
        %get3A_973 = arith.constant 416 : index
        %get3A_974 = tpu.vector_load %arg7[%get3A_972, %get3A_973] {strides = array<i32>} : memref<16x512xf32, #tpu.memory_space<vmem>>, vector<16xf32>,
        %get3A_975 = arith.index_cast %scan3A_171 : i32 to index
        %get3A_976 = arith.constant 416 : index
        %get3A_977 = tpu.vector_load %arg8[%get3A_975, %get3A_976] {strides = array<i32>} : memref<16x512xi32, #tpu.memory_space<vmem>>, vector<16xi32>,
        %get3A_978 = arith.index_cast %scan3A_171 : i32 to index
        %get3A_979 = arith.constant 432 : index
        %get3A_980 = tpu.vector_load %arg7[%get3A_978, %get3A_979] {strides = array<i32>} : memref<16x512xf32, #tpu.memory_space<vmem>>, vector<16xf32>,
        %get3A_981 = arith.index_cast %scan3A_171 : i32 to index
        %get3A_982 = arith.constant 432 : index
        %get3A_983 = tpu.vector_load %arg8[%get3A_981, %get3A_982] {strides = array<i32>} : memref<16x512xi32, #tpu.memory_space<vmem>>, vector<16xi32>,
        %get3A_984 = arith.index_cast %scan3A_171 : i32 to index
        %get3A_985 = arith.constant 448 : index
        %get3A_986 = tpu.vector_load %arg7[%get3A_984, %get3A_985] {strides = array<i32>} : memref<16x512xf32, #tpu.memory_space<vmem>>, vector<16xf32>,
        %get3A_987 = arith.index_cast %scan3A_171 : i32 to index
        %get3A_988 = arith.constant 448 : index
        %get3A_989 = tpu.vector_load %arg8[%get3A_987, %get3A_988] {strides = array<i32>} : memref<16x512xi32, #tpu.memory_space<vmem>>, vector<16xi32>,
        %get3A_990 = arith.index_cast %scan3A_171 : i32 to index
        %get3A_991 = arith.constant 464 : index
        %get3A_992 = tpu.vector_load %arg7[%get3A_990, %get3A_991] {strides = array<i32>} : memref<16x512xf32, #tpu.memory_space<vmem>>, vector<16xf32>,
        %get3A_993 = arith.index_cast %scan3A_171 : i32 to index
        %get3A_994 = arith.constant 464 : index
        %get3A_995 = tpu.vector_load %arg8[%get3A_993, %get3A_994] {strides = array<i32>} : memref<16x512xi32, #tpu.memory_space<vmem>>, vector<16xi32>,
        %get3A_996 = arith.index_cast %scan3A_171 : i32 to index
        %get3A_997 = arith.constant 480 : index
        %get3A_998 = tpu.vector_load %arg7[%get3A_996, %get3A_997] {strides = array<i32>} : memref<16x512xf32, #tpu.memory_space<vmem>>, vector<16xf32>,
        %get3A_999 = arith.index_cast %scan3A_171 : i32 to index
        %get3A_1000 = arith.constant 480 : index
        %get3A_1001 = tpu.vector_load %arg8[%get3A_999, %get3A_1000] {strides = array<i32>} : memref<16x512xi32, #tpu.memory_space<vmem>>, vector<16xi32>,
        %get3A_1002 = arith.index_cast %scan3A_171 : i32 to index
        %get3A_1003 = arith.constant 496 : index
        %get3A_1004 = tpu.vector_load %arg7[%get3A_1002, %get3A_1003] {strides = array<i32>} : memref<16x512xf32, #tpu.memory_space<vmem>>, vector<16xf32>,
        %get3A_1005 = arith.index_cast %scan3A_171 : i32 to index
        %get3A_1006 = arith.constant 496 : index
        %get3A_1007 = tpu.vector_load %arg8[%get3A_1005, %get3A_1006] {strides = array<i32>} : memref<16x512xi32, #tpu.memory_space<vmem>>, vector<16xi32>,
        %mul3A_1008 = arith.constant -5.120000e+02 : f32
        %mul3A_1009 = vector.broadcast %mul3A_1008 : f32 to vector<16xf32>
        %mul3A_1010 = arith.mulf %get3A_962, %mul3A_1009 : vector<16xf32>
        %bitcast_convert_type3A_1011 = tpu.bitcast %mul3A_1010 : vector<16xf32> -> vector<16xi32>
        %shift_left3A_1012 = arith.constant 31 : i32
        %shift_left3A_1013 = vector.broadcast %shift_left3A_1012 : i32 to vector<16xi32>
        %shift_left3A_1014 = arith.shli %get3A_965, %shift_left3A_1013 : vector<16xi32>
        %xor3A_1015 = arith.xori %bitcast_convert_type3A_1011, %shift_left3A_1014 : vector<16xi32>
        %bitcast_convert_type3A_1016 = tpu.bitcast %xor3A_1015 : vector<16xi32> -> vector<16xf32>
        %add3A_1017 = arith.constant 3.584000e+03 : f32
        %add3A_1018 = vector.broadcast %add3A_1017 : f32 to vector<16xf32>
        %add3A_1019 = arith.addf %add3A_1018, %bitcast_convert_type3A_1016 : vector<16xf32>
        %lt3A_1020 = arith.constant 4.096000e+03 : f32
        %lt3A_1021 = vector.broadcast %lt3A_1020 : f32 to vector<16xf32>
        %lt3A_1022 = arith.cmpf olt, %add3A_1019, %lt3A_1021 : vector<16xf32>
        %max3A_1023 = arith.constant 0.000000e+00 : f32
        %max3A_1024 = vector.broadcast %max3A_1023 : f32 to vector<16xf32>
        %max3A_1025 = arith.maximumf %add3A_1019, %max3A_1024 : vector<16xf32>
        %min3A_1026 = arith.constant 4.095000e+03 : f32
        %min3A_1027 = vector.broadcast %min3A_1026 : f32 to vector<16xf32>
        %min3A_1028 = arith.minimumf %max3A_1025, %min3A_1027 : vector<16xf32>
        %convert_element_type3A_1029 = arith.fptosi %min3A_1028 : vector<16xf32> to vector<16xi32>
        %shift_left3A_1030 = arith.constant 12 : i32
        %shift_left3A_1031 = vector.broadcast %shift_left3A_1030 : i32 to vector<16xi32>
        %shift_left3A_1032 = arith.shli %get3A_965, %shift_left3A_1031 : vector<16xi32>
        %add3A_1033 = arith.addi %convert_element_type3A_1029, %shift_left3A_1032 : vector<16xi32>
        %mul3A_1034 = arith.constant -5.120000e+02 : f32
        %mul3A_1035 = vector.broadcast %mul3A_1034 : f32 to vector<16xf32>
        %mul3A_1036 = arith.mulf %get3A_968, %mul3A_1035 : vector<16xf32>
        %bitcast_convert_type3A_1037 = tpu.bitcast %mul3A_1036 : vector<16xf32> -> vector<16xi32>
        %shift_left3A_1038 = arith.constant 31 : i32
        %shift_left3A_1039 = vector.broadcast %shift_left3A_1038 : i32 to vector<16xi32>
        %shift_left3A_1040 = arith.shli %get3A_971, %shift_left3A_1039 : vector<16xi32>
        %xor3A_1041 = arith.xori %bitcast_convert_type3A_1037, %shift_left3A_1040 : vector<16xi32>
        %bitcast_convert_type3A_1042 = tpu.bitcast %xor3A_1041 : vector<16xi32> -> vector<16xf32>
        %add3A_1043 = arith.constant 3.584000e+03 : f32
        %add3A_1044 = vector.broadcast %add3A_1043 : f32 to vector<16xf32>
        %add3A_1045 = arith.addf %add3A_1044, %bitcast_convert_type3A_1042 : vector<16xf32>
        %lt3A_1046 = arith.constant 4.096000e+03 : f32
        %lt3A_1047 = vector.broadcast %lt3A_1046 : f32 to vector<16xf32>
        %lt3A_1048 = arith.cmpf olt, %add3A_1045, %lt3A_1047 : vector<16xf32>
        %max3A_1049 = arith.constant 0.000000e+00 : f32
        %max3A_1050 = vector.broadcast %max3A_1049 : f32 to vector<16xf32>
        %max3A_1051 = arith.maximumf %add3A_1045, %max3A_1050 : vector<16xf32>
        %min3A_1052 = arith.constant 4.095000e+03 : f32
        %min3A_1053 = vector.broadcast %min3A_1052 : f32 to vector<16xf32>
        %min3A_1054 = arith.minimumf %max3A_1051, %min3A_1053 : vector<16xf32>
        %convert_element_type3A_1055 = arith.fptosi %min3A_1054 : vector<16xf32> to vector<16xi32>
        %shift_left3A_1056 = arith.constant 12 : i32
        %shift_left3A_1057 = vector.broadcast %shift_left3A_1056 : i32 to vector<16xi32>
        %shift_left3A_1058 = arith.shli %get3A_971, %shift_left3A_1057 : vector<16xi32>
        %add3A_1059 = arith.addi %convert_element_type3A_1055, %shift_left3A_1058 : vector<16xi32>
        %mul3A_1060 = arith.constant -5.120000e+02 : f32
        %mul3A_1061 = vector.broadcast %mul3A_1060 : f32 to vector<16xf32>
        %mul3A_1062 = arith.mulf %get3A_974, %mul3A_1061 : vector<16xf32>
        %bitcast_convert_type3A_1063 = tpu.bitcast %mul3A_1062 : vector<16xf32> -> vector<16xi32>
        %shift_left3A_1064 = arith.constant 31 : i32
        %shift_left3A_1065 = vector.broadcast %shift_left3A_1064 : i32 to vector<16xi32>
        %shift_left3A_1066 = arith.shli %get3A_977, %shift_left3A_1065 : vector<16xi32>
        %xor3A_1067 = arith.xori %bitcast_convert_type3A_1063, %shift_left3A_1066 : vector<16xi32>
        %bitcast_convert_type3A_1068 = tpu.bitcast %xor3A_1067 : vector<16xi32> -> vector<16xf32>
        %add3A_1069 = arith.constant 3.584000e+03 : f32
        %add3A_1070 = vector.broadcast %add3A_1069 : f32 to vector<16xf32>
        %add3A_1071 = arith.addf %add3A_1070, %bitcast_convert_type3A_1068 : vector<16xf32>
        %lt3A_1072 = arith.constant 4.096000e+03 : f32
        %lt3A_1073 = vector.broadcast %lt3A_1072 : f32 to vector<16xf32>
        %lt3A_1074 = arith.cmpf olt, %add3A_1071, %lt3A_1073 : vector<16xf32>
        %max3A_1075 = arith.constant 0.000000e+00 : f32
        %max3A_1076 = vector.broadcast %max3A_1075 : f32 to vector<16xf32>
        %max3A_1077 = arith.maximumf %add3A_1071, %max3A_1076 : vector<16xf32>
        %min3A_1078 = arith.constant 4.095000e+03 : f32
        %min3A_1079 = vector.broadcast %min3A_1078 : f32 to vector<16xf32>
        %min3A_1080 = arith.minimumf %max3A_1077, %min3A_1079 : vector<16xf32>
        %convert_element_type3A_1081 = arith.fptosi %min3A_1080 : vector<16xf32> to vector<16xi32>
        %shift_left3A_1082 = arith.constant 12 : i32
        %shift_left3A_1083 = vector.broadcast %shift_left3A_1082 : i32 to vector<16xi32>
        %shift_left3A_1084 = arith.shli %get3A_977, %shift_left3A_1083 : vector<16xi32>
        %add3A_1085 = arith.addi %convert_element_type3A_1081, %shift_left3A_1084 : vector<16xi32>
        %mul3A_1086 = arith.constant -5.120000e+02 : f32
        %mul3A_1087 = vector.broadcast %mul3A_1086 : f32 to vector<16xf32>
        %mul3A_1088 = arith.mulf %get3A_980, %mul3A_1087 : vector<16xf32>
        %bitcast_convert_type3A_1089 = tpu.bitcast %mul3A_1088 : vector<16xf32> -> vector<16xi32>
        %shift_left3A_1090 = arith.constant 31 : i32
        %shift_left3A_1091 = vector.broadcast %shift_left3A_1090 : i32 to vector<16xi32>
        %shift_left3A_1092 = arith.shli %get3A_983, %shift_left3A_1091 : vector<16xi32>
        %xor3A_1093 = arith.xori %bitcast_convert_type3A_1089, %shift_left3A_1092 : vector<16xi32>
        %bitcast_convert_type3A_1094 = tpu.bitcast %xor3A_1093 : vector<16xi32> -> vector<16xf32>
        %add3A_1095 = arith.constant 3.584000e+03 : f32
        %add3A_1096 = vector.broadcast %add3A_1095 : f32 to vector<16xf32>
        %add3A_1097 = arith.addf %add3A_1096, %bitcast_convert_type3A_1094 : vector<16xf32>
        %lt3A_1098 = arith.constant 4.096000e+03 : f32
        %lt3A_1099 = vector.broadcast %lt3A_1098 : f32 to vector<16xf32>
        %lt3A_1100 = arith.cmpf olt, %add3A_1097, %lt3A_1099 : vector<16xf32>
        %max3A_1101 = arith.constant 0.000000e+00 : f32
        %max3A_1102 = vector.broadcast %max3A_1101 : f32 to vector<16xf32>
        %max3A_1103 = arith.maximumf %add3A_1097, %max3A_1102 : vector<16xf32>
        %min3A_1104 = arith.constant 4.095000e+03 : f32
        %min3A_1105 = vector.broadcast %min3A_1104 : f32 to vector<16xf32>
        %min3A_1106 = arith.minimumf %max3A_1103, %min3A_1105 : vector<16xf32>
        %convert_element_type3A_1107 = arith.fptosi %min3A_1106 : vector<16xf32> to vector<16xi32>
        %shift_left3A_1108 = arith.constant 12 : i32
        %shift_left3A_1109 = vector.broadcast %shift_left3A_1108 : i32 to vector<16xi32>
        %shift_left3A_1110 = arith.shli %get3A_983, %shift_left3A_1109 : vector<16xi32>
        %add3A_1111 = arith.addi %convert_element_type3A_1107, %shift_left3A_1110 : vector<16xi32>
        %mul3A_1112 = arith.constant -5.120000e+02 : f32
        %mul3A_1113 = vector.broadcast %mul3A_1112 : f32 to vector<16xf32>
        %mul3A_1114 = arith.mulf %get3A_986, %mul3A_1113 : vector<16xf32>
        %bitcast_convert_type3A_1115 = tpu.bitcast %mul3A_1114 : vector<16xf32> -> vector<16xi32>
        %shift_left3A_1116 = arith.constant 31 : i32
        %shift_left3A_1117 = vector.broadcast %shift_left3A_1116 : i32 to vector<16xi32>
        %shift_left3A_1118 = arith.shli %get3A_989, %shift_left3A_1117 : vector<16xi32>
        %xor3A_1119 = arith.xori %bitcast_convert_type3A_1115, %shift_left3A_1118 : vector<16xi32>
        %bitcast_convert_type3A_1120 = tpu.bitcast %xor3A_1119 : vector<16xi32> -> vector<16xf32>
        %add3A_1121 = arith.constant 3.584000e+03 : f32
        %add3A_1122 = vector.broadcast %add3A_1121 : f32 to vector<16xf32>
        %add3A_1123 = arith.addf %add3A_1122, %bitcast_convert_type3A_1120 : vector<16xf32>
        %lt3A_1124 = arith.constant 4.096000e+03 : f32
        %lt3A_1125 = vector.broadcast %lt3A_1124 : f32 to vector<16xf32>
        %lt3A_1126 = arith.cmpf olt, %add3A_1123, %lt3A_1125 : vector<16xf32>
        %max3A_1127 = arith.constant 0.000000e+00 : f32
        %max3A_1128 = vector.broadcast %max3A_1127 : f32 to vector<16xf32>
        %max3A_1129 = arith.maximumf %add3A_1123, %max3A_1128 : vector<16xf32>
        %min3A_1130 = arith.constant 4.095000e+03 : f32
        %min3A_1131 = vector.broadcast %min3A_1130 : f32 to vector<16xf32>
        %min3A_1132 = arith.minimumf %max3A_1129, %min3A_1131 : vector<16xf32>
        %convert_element_type3A_1133 = arith.fptosi %min3A_1132 : vector<16xf32> to vector<16xi32>
        %shift_left3A_1134 = arith.constant 12 : i32
        %shift_left3A_1135 = vector.broadcast %shift_left3A_1134 : i32 to vector<16xi32>
        %shift_left3A_1136 = arith.shli %get3A_989, %shift_left3A_1135 : vector<16xi32>
        %add3A_1137 = arith.addi %convert_element_type3A_1133, %shift_left3A_1136 : vector<16xi32>
        %mul3A_1138 = arith.constant -5.120000e+02 : f32
        %mul3A_1139 = vector.broadcast %mul3A_1138 : f32 to vector<16xf32>
        %mul3A_1140 = arith.mulf %get3A_992, %mul3A_1139 : vector<16xf32>
        %bitcast_convert_type3A_1141 = tpu.bitcast %mul3A_1140 : vector<16xf32> -> vector<16xi32>
        %shift_left3A_1142 = arith.constant 31 : i32
        %shift_left3A_1143 = vector.broadcast %shift_left3A_1142 : i32 to vector<16xi32>
        %shift_left3A_1144 = arith.shli %get3A_995, %shift_left3A_1143 : vector<16xi32>
        %xor3A_1145 = arith.xori %bitcast_convert_type3A_1141, %shift_left3A_1144 : vector<16xi32>
        %bitcast_convert_type3A_1146 = tpu.bitcast %xor3A_1145 : vector<16xi32> -> vector<16xf32>
        %add3A_1147 = arith.constant 3.584000e+03 : f32
        %add3A_1148 = vector.broadcast %add3A_1147 : f32 to vector<16xf32>
        %add3A_1149 = arith.addf %add3A_1148, %bitcast_convert_type3A_1146 : vector<16xf32>
        %lt3A_1150 = arith.constant 4.096000e+03 : f32
        %lt3A_1151 = vector.broadcast %lt3A_1150 : f32 to vector<16xf32>
        %lt3A_1152 = arith.cmpf olt, %add3A_1149, %lt3A_1151 : vector<16xf32>
        %max3A_1153 = arith.constant 0.000000e+00 : f32
        %max3A_1154 = vector.broadcast %max3A_1153 : f32 to vector<16xf32>
        %max3A_1155 = arith.maximumf %add3A_1149, %max3A_1154 : vector<16xf32>
        %min3A_1156 = arith.constant 4.095000e+03 : f32
        %min3A_1157 = vector.broadcast %min3A_1156 : f32 to vector<16xf32>
        %min3A_1158 = arith.minimumf %max3A_1155, %min3A_1157 : vector<16xf32>
        %convert_element_type3A_1159 = arith.fptosi %min3A_1158 : vector<16xf32> to vector<16xi32>
        %shift_left3A_1160 = arith.constant 12 : i32
        %shift_left3A_1161 = vector.broadcast %shift_left3A_1160 : i32 to vector<16xi32>
        %shift_left3A_1162 = arith.shli %get3A_995, %shift_left3A_1161 : vector<16xi32>
        %add3A_1163 = arith.addi %convert_element_type3A_1159, %shift_left3A_1162 : vector<16xi32>
        %mul3A_1164 = arith.constant -5.120000e+02 : f32
        %mul3A_1165 = vector.broadcast %mul3A_1164 : f32 to vector<16xf32>
        %mul3A_1166 = arith.mulf %get3A_998, %mul3A_1165 : vector<16xf32>
        %bitcast_convert_type3A_1167 = tpu.bitcast %mul3A_1166 : vector<16xf32> -> vector<16xi32>
        %shift_left3A_1168 = arith.constant 31 : i32
        %shift_left3A_1169 = vector.broadcast %shift_left3A_1168 : i32 to vector<16xi32>
        %shift_left3A_1170 = arith.shli %get3A_1001, %shift_left3A_1169 : vector<16xi32>
        %xor3A_1171 = arith.xori %bitcast_convert_type3A_1167, %shift_left3A_1170 : vector<16xi32>
        %bitcast_convert_type3A_1172 = tpu.bitcast %xor3A_1171 : vector<16xi32> -> vector<16xf32>
        %add3A_1173 = arith.constant 3.584000e+03 : f32
        %add3A_1174 = vector.broadcast %add3A_1173 : f32 to vector<16xf32>
        %add3A_1175 = arith.addf %add3A_1174, %bitcast_convert_type3A_1172 : vector<16xf32>
        %lt3A_1176 = arith.constant 4.096000e+03 : f32
        %lt3A_1177 = vector.broadcast %lt3A_1176 : f32 to vector<16xf32>
        %lt3A_1178 = arith.cmpf olt, %add3A_1175, %lt3A_1177 : vector<16xf32>
        %max3A_1179 = arith.constant 0.000000e+00 : f32
        %max3A_1180 = vector.broadcast %max3A_1179 : f32 to vector<16xf32>
        %max3A_1181 = arith.maximumf %add3A_1175, %max3A_1180 : vector<16xf32>
        %min3A_1182 = arith.constant 4.095000e+03 : f32
        %min3A_1183 = vector.broadcast %min3A_1182 : f32 to vector<16xf32>
        %min3A_1184 = arith.minimumf %max3A_1181, %min3A_1183 : vector<16xf32>
        %convert_element_type3A_1185 = arith.fptosi %min3A_1184 : vector<16xf32> to vector<16xi32>
        %shift_left3A_1186 = arith.constant 12 : i32
        %shift_left3A_1187 = vector.broadcast %shift_left3A_1186 : i32 to vector<16xi32>
        %shift_left3A_1188 = arith.shli %get3A_1001, %shift_left3A_1187 : vector<16xi32>
        %add3A_1189 = arith.addi %convert_element_type3A_1185, %shift_left3A_1188 : vector<16xi32>
        %mul3A_1190 = arith.constant -5.120000e+02 : f32
        %mul3A_1191 = vector.broadcast %mul3A_1190 : f32 to vector<16xf32>
        %mul3A_1192 = arith.mulf %get3A_1004, %mul3A_1191 : vector<16xf32>
        %bitcast_convert_type3A_1193 = tpu.bitcast %mul3A_1192 : vector<16xf32> -> vector<16xi32>
        %shift_left3A_1194 = arith.constant 31 : i32
        %shift_left3A_1195 = vector.broadcast %shift_left3A_1194 : i32 to vector<16xi32>
        %shift_left3A_1196 = arith.shli %get3A_1007, %shift_left3A_1195 : vector<16xi32>
        %xor3A_1197 = arith.xori %bitcast_convert_type3A_1193, %shift_left3A_1196 : vector<16xi32>
        %bitcast_convert_type3A_1198 = tpu.bitcast %xor3A_1197 : vector<16xi32> -> vector<16xf32>
        %add3A_1199 = arith.constant 3.584000e+03 : f32
        %add3A_1200 = vector.broadcast %add3A_1199 : f32 to vector<16xf32>
        %add3A_1201 = arith.addf %add3A_1200, %bitcast_convert_type3A_1198 : vector<16xf32>
        %lt3A_1202 = arith.constant 4.096000e+03 : f32
        %lt3A_1203 = vector.broadcast %lt3A_1202 : f32 to vector<16xf32>
        %lt3A_1204 = arith.cmpf olt, %add3A_1201, %lt3A_1203 : vector<16xf32>
        %max3A_1205 = arith.constant 0.000000e+00 : f32
        %max3A_1206 = vector.broadcast %max3A_1205 : f32 to vector<16xf32>
        %max3A_1207 = arith.maximumf %add3A_1201, %max3A_1206 : vector<16xf32>
        %min3A_1208 = arith.constant 4.095000e+03 : f32
        %min3A_1209 = vector.broadcast %min3A_1208 : f32 to vector<16xf32>
        %min3A_1210 = arith.minimumf %max3A_1207, %min3A_1209 : vector<16xf32>
        %convert_element_type3A_1211 = arith.fptosi %min3A_1210 : vector<16xf32> to vector<16xi32>
        %shift_left3A_1212 = arith.constant 12 : i32
        %shift_left3A_1213 = vector.broadcast %shift_left3A_1212 : i32 to vector<16xi32>
        %shift_left3A_1214 = arith.shli %get3A_1007, %shift_left3A_1213 : vector<16xi32>
        %add3A_1215 = arith.addi %convert_element_type3A_1211, %shift_left3A_1214 : vector<16xi32>
        %add3A_1216 = arith.addi %get3A_965, %get3A_971 : vector<16xi32>
        %add3A_1217 = arith.addi %get3A_977, %get3A_983 : vector<16xi32>
        %add3A_1218 = arith.addi %get3A_989, %get3A_995 : vector<16xi32>
        %add3A_1219 = arith.addi %get3A_1001, %get3A_1007 : vector<16xi32>
        %add3A_1220 = arith.addi %add3A_1216, %add3A_1217 : vector<16xi32>
        %add3A_1221 = arith.addi %add3A_1218, %add3A_1219 : vector<16xi32>
        %add3A_1222 = arith.addi %add3A_1220, %add3A_1221 : vector<16xi32>
        %add3A_1223 = arith.addi %add3A_959, %add3A_1222 : vector<16xi32>
        tpu.vector_store_idx %arg9[%add3A_769], %broadcast_in_dim3A_33 masked %lt3A_758 {add = true} : memref<8208xf32, #tpu.memory_space<vmem>>[vector<16xi32>], vector<16xf32>, vector<16xi1>
        tpu.vector_store_idx %arg9[%add3A_795], %broadcast_in_dim3A_33 masked %lt3A_784 {add = true} : memref<8208xf32, #tpu.memory_space<vmem>>[vector<16xi32>], vector<16xf32>, vector<16xi1>
        tpu.vector_store_idx %arg9[%add3A_821], %broadcast_in_dim3A_33 masked %lt3A_810 {add = true} : memref<8208xf32, #tpu.memory_space<vmem>>[vector<16xi32>], vector<16xf32>, vector<16xi1>
        tpu.vector_store_idx %arg9[%add3A_847], %broadcast_in_dim3A_33 masked %lt3A_836 {add = true} : memref<8208xf32, #tpu.memory_space<vmem>>[vector<16xi32>], vector<16xf32>, vector<16xi1>
        tpu.vector_store_idx %arg9[%add3A_873], %broadcast_in_dim3A_33 masked %lt3A_862 {add = true} : memref<8208xf32, #tpu.memory_space<vmem>>[vector<16xi32>], vector<16xf32>, vector<16xi1>
        tpu.vector_store_idx %arg9[%add3A_899], %broadcast_in_dim3A_33 masked %lt3A_888 {add = true} : memref<8208xf32, #tpu.memory_space<vmem>>[vector<16xi32>], vector<16xf32>, vector<16xi1>
        tpu.vector_store_idx %arg9[%add3A_925], %broadcast_in_dim3A_33 masked %lt3A_914 {add = true} : memref<8208xf32, #tpu.memory_space<vmem>>[vector<16xi32>], vector<16xf32>, vector<16xi1>
        tpu.vector_store_idx %arg9[%add3A_951], %broadcast_in_dim3A_33 masked %lt3A_940 {add = true} : memref<8208xf32, #tpu.memory_space<vmem>>[vector<16xi32>], vector<16xf32>, vector<16xi1>
        tpu.vector_store_idx %arg9[%add3A_1033], %broadcast_in_dim3A_33 masked %lt3A_1022 {add = true} : memref<8208xf32, #tpu.memory_space<vmem>>[vector<16xi32>], vector<16xf32>, vector<16xi1>
        tpu.vector_store_idx %arg9[%add3A_1059], %broadcast_in_dim3A_33 masked %lt3A_1048 {add = true} : memref<8208xf32, #tpu.memory_space<vmem>>[vector<16xi32>], vector<16xf32>, vector<16xi1>
        tpu.vector_store_idx %arg9[%add3A_1085], %broadcast_in_dim3A_33 masked %lt3A_1074 {add = true} : memref<8208xf32, #tpu.memory_space<vmem>>[vector<16xi32>], vector<16xf32>, vector<16xi1>
        tpu.vector_store_idx %arg9[%add3A_1111], %broadcast_in_dim3A_33 masked %lt3A_1100 {add = true} : memref<8208xf32, #tpu.memory_space<vmem>>[vector<16xi32>], vector<16xf32>, vector<16xi1>
        tpu.vector_store_idx %arg9[%add3A_1137], %broadcast_in_dim3A_33 masked %lt3A_1126 {add = true} : memref<8208xf32, #tpu.memory_space<vmem>>[vector<16xi32>], vector<16xf32>, vector<16xi1>
        tpu.vector_store_idx %arg9[%add3A_1163], %broadcast_in_dim3A_33 masked %lt3A_1152 {add = true} : memref<8208xf32, #tpu.memory_space<vmem>>[vector<16xi32>], vector<16xf32>, vector<16xi1>
        tpu.vector_store_idx %arg9[%add3A_1189], %broadcast_in_dim3A_33 masked %lt3A_1178 {add = true} : memref<8208xf32, #tpu.memory_space<vmem>>[vector<16xi32>], vector<16xf32>, vector<16xi1>
        tpu.vector_store_idx %arg9[%add3A_1215], %broadcast_in_dim3A_33 masked %lt3A_1204 {add = true} : memref<8208xf32, #tpu.memory_space<vmem>>[vector<16xi32>], vector<16xf32>, vector<16xi1>
        scf.yield %add3A_1223 : vector<16xi32>
      }
      %scan3A_170 = arith.constant 16 : i32
      scf.yield %scan3A_169 : vector<16xi32>
    }
    %scan3A_64 = arith.constant 8 : i32
    %dma_wait3A = arith.constant 0 : i32
    %dma_wait3A_65 = arith.constant 0 : i32
    %dma_wait3A_66 = tpu.memref_slice %arg2[%add3A, %dma_wait3A, %dma_wait3A_65] : memref<16x512x512xf32, #tpu.memory_space<hbm>> -> memref<1x16x512xf32, #tpu.memory_space<hbm>>
    %dma_wait3A_67 = tpu.memref_squeeze %dma_wait3A_66 : memref<1x16x512xf32, #tpu.memory_space<hbm>> -> memref<16x512xf32, #tpu.memory_space<hbm>>
    %dma_wait3A_68 = arith.constant 0 : i32
    %dma_wait3A_69 = arith.constant 0 : i32
    %dma_wait3A_70 = tpu.memref_slice %arg2[%add3A, %dma_wait3A_68, %dma_wait3A_69] : memref<16x512x512xf32, #tpu.memory_space<hbm>> -> memref<1x16x512xf32, #tpu.memory_space<hbm>>
    %dma_wait3A_71 = tpu.memref_squeeze %dma_wait3A_70 : memref<1x16x512xf32, #tpu.memory_space<hbm>> -> memref<16x512xf32, #tpu.memory_space<hbm>>
    tpu.wait_dma2 semaphore(%arg13 : memref<!tpu.dma_semaphore, #tpu.memory_space<semaphore_mem>>) src(%dma_wait3A_71 : memref<16x512xf32, #tpu.memory_space<hbm>>) dst(%arg5 : memref<16x512xf32, #tpu.memory_space<vmem>>)
    %dma_wait3A_72 = arith.constant 0 : i32
    %dma_wait3A_73 = arith.constant 0 : i32
    %dma_wait3A_74 = tpu.memref_slice %arg3[%add3A, %dma_wait3A_72, %dma_wait3A_73] : memref<16x512x512xi32, #tpu.memory_space<hbm>> -> memref<1x16x512xi32, #tpu.memory_space<hbm>>
    %dma_wait3A_75 = tpu.memref_squeeze %dma_wait3A_74 : memref<1x16x512xi32, #tpu.memory_space<hbm>> -> memref<16x512xi32, #tpu.memory_space<hbm>>
    %dma_wait3A_76 = arith.constant 0 : i32
    %dma_wait3A_77 = arith.constant 0 : i32
    %dma_wait3A_78 = tpu.memref_slice %arg3[%add3A, %dma_wait3A_76, %dma_wait3A_77] : memref<16x512x512xi32, #tpu.memory_space<hbm>> -> memref<1x16x512xi32, #tpu.memory_space<hbm>>
    %dma_wait3A_79 = tpu.memref_squeeze %dma_wait3A_78 : memref<1x16x512xi32, #tpu.memory_space<hbm>> -> memref<16x512xi32, #tpu.memory_space<hbm>>
    tpu.wait_dma2 semaphore(%arg14 : memref<!tpu.dma_semaphore, #tpu.memory_space<semaphore_mem>>) src(%dma_wait3A_79 : memref<16x512xi32, #tpu.memory_space<hbm>>) dst(%arg6 : memref<16x512xi32, #tpu.memory_space<vmem>>)
    %convert_element_type3A = arith.sitofp %scan3A_63 : vector<16xi32> to vector<16xf32>
    %swap3A = arith.constant 8192 : index
    %swap3A_80 = tpu.vector_load %arg9[%swap3A] {strides = array<i32>} : memref<8208xf32, #tpu.memory_space<vmem>>, vector<16xf32>,
    tpu.vector_store %arg9[%swap3A], %convert_element_type3A {strides = array<i32>} : memref<8208xf32, #tpu.memory_space<vmem>>, vector<16xf32>,
    "tpu.region"() ({
      %run_scoped3A = tpu.sem_alloc : memref<!tpu.dma_semaphore, #tpu.memory_space<semaphore_mem>>
      %dma_start3A_85 = arith.constant 0 : i32
      %dma_start3A_86 = tpu.memref_slice %arg12[%arg1, %dma_start3A_85] : memref<16x8208xf32, #tpu.memory_space<vmem_shared>> -> memref<1x8208xf32, #tpu.memory_space<vmem_shared>>
      %dma_start3A_87 = tpu.memref_squeeze %dma_start3A_86 : memref<1x8208xf32, #tpu.memory_space<vmem_shared>> -> memref<8208xf32, #tpu.memory_space<vmem_shared>>
      %dma_start3A_88 = arith.constant 0 : i32
      %dma_start3A_89 = tpu.memref_slice %arg12[%arg1, %dma_start3A_88] : memref<16x8208xf32, #tpu.memory_space<vmem_shared>> -> memref<1x8208xf32, #tpu.memory_space<vmem_shared>>
      %dma_start3A_90 = tpu.memref_squeeze %dma_start3A_89 : memref<1x8208xf32, #tpu.memory_space<vmem_shared>> -> memref<8208xf32, #tpu.memory_space<vmem_shared>>
      tpu.enqueue_dma source(%arg9 : memref<8208xf32, #tpu.memory_space<vmem>>) target(%dma_start3A_90 : memref<8208xf32, #tpu.memory_space<vmem_shared>>) target_semaphore(%run_scoped3A : memref<!tpu.dma_semaphore, #tpu.memory_space<semaphore_mem>>)
      %dma_wait3A_91 = arith.constant 0 : i32
      %dma_wait3A_92 = tpu.memref_slice %arg12[%arg1, %dma_wait3A_91] : memref<16x8208xf32, #tpu.memory_space<vmem_shared>> -> memref<1x8208xf32, #tpu.memory_space<vmem_shared>>
      %dma_wait3A_93 = tpu.memref_squeeze %dma_wait3A_92 : memref<1x8208xf32, #tpu.memory_space<vmem_shared>> -> memref<8208xf32, #tpu.memory_space<vmem_shared>>
      %dma_wait3A_94 = arith.constant 0 : i32
      %dma_wait3A_95 = tpu.memref_slice %arg12[%arg1, %dma_wait3A_94] : memref<16x8208xf32, #tpu.memory_space<vmem_shared>> -> memref<1x8208xf32, #tpu.memory_space<vmem_shared>>
      %dma_wait3A_96 = tpu.memref_squeeze %dma_wait3A_95 : memref<1x8208xf32, #tpu.memory_space<vmem_shared>> -> memref<8208xf32, #tpu.memory_space<vmem_shared>>
      tpu.wait_dma2 semaphore(%run_scoped3A : memref<!tpu.dma_semaphore, #tpu.memory_space<semaphore_mem>>) src(%arg9 : memref<8208xf32, #tpu.memory_space<vmem>>) dst(%dma_wait3A_96 : memref<8208xf32, #tpu.memory_space<vmem_shared>>)
      tpu.yield
    }) : () -> ()
    %barrier3A = arith.constant 0 : index
    tpu.barrier barrier_id(%barrier3A)
    %eq3A_81 = arith.constant 0 : i32
    %eq3A_82 = arith.cmpi eq, %select_n3A_30, %eq3A_81 : i32
    %convert_element_type3A_83 = arith.extui %eq3A_82 : i1 to i32
    %cond3A = arith.constant 0 : i32
    %cond3A_84 = arith.cmpi ne, %convert_element_type3A_83, %cond3A : i32
    scf.if %cond3A_84 {
      %add3A_85 = arith.constant 1 : i32
      %add3A_86 = arith.addi %arg1, %add3A_85 : i32
      "tpu.region"() ({
        %run_scoped3A = tpu.sem_alloc : memref<!tpu.dma_semaphore, #tpu.memory_space<semaphore_mem>>
        %dma_start3A_126 = arith.constant 0 : i32
        %dma_start3A_127 = tpu.memref_slice %arg12[%add3A_86, %dma_start3A_126] : memref<16x8208xf32, #tpu.memory_space<vmem_shared>> -> memref<1x8208xf32, #tpu.memory_space<vmem_shared>>
        %dma_start3A_128 = tpu.memref_squeeze %dma_start3A_127 : memref<1x8208xf32, #tpu.memory_space<vmem_shared>> -> memref<8208xf32, #tpu.memory_space<vmem_shared>>
        %dma_start3A_129 = arith.constant 0 : i32
        %dma_start3A_130 = tpu.memref_slice %arg12[%add3A_86, %dma_start3A_129] : memref<16x8208xf32, #tpu.memory_space<vmem_shared>> -> memref<1x8208xf32, #tpu.memory_space<vmem_shared>>
        %dma_start3A_131 = tpu.memref_squeeze %dma_start3A_130 : memref<1x8208xf32, #tpu.memory_space<vmem_shared>> -> memref<8208xf32, #tpu.memory_space<vmem_shared>>
        tpu.enqueue_dma source(%dma_start3A_131 : memref<8208xf32, #tpu.memory_space<vmem_shared>>) target(%arg10 : memref<8208xf32, #tpu.memory_space<vmem>>) target_semaphore(%run_scoped3A : memref<!tpu.dma_semaphore, #tpu.memory_space<semaphore_mem>>)
        %dma_wait3A_132 = arith.constant 0 : i32
        %dma_wait3A_133 = tpu.memref_slice %arg12[%add3A_86, %dma_wait3A_132] : memref<16x8208xf32, #tpu.memory_space<vmem_shared>> -> memref<1x8208xf32, #tpu.memory_space<vmem_shared>>
        %dma_wait3A_134 = tpu.memref_squeeze %dma_wait3A_133 : memref<1x8208xf32, #tpu.memory_space<vmem_shared>> -> memref<8208xf32, #tpu.memory_space<vmem_shared>>
        %dma_wait3A_135 = arith.constant 0 : i32
        %dma_wait3A_136 = tpu.memref_slice %arg12[%add3A_86, %dma_wait3A_135] : memref<16x8208xf32, #tpu.memory_space<vmem_shared>> -> memref<1x8208xf32, #tpu.memory_space<vmem_shared>>
        %dma_wait3A_137 = tpu.memref_squeeze %dma_wait3A_136 : memref<1x8208xf32, #tpu.memory_space<vmem_shared>> -> memref<8208xf32, #tpu.memory_space<vmem_shared>>
        tpu.wait_dma2 semaphore(%run_scoped3A : memref<!tpu.dma_semaphore, #tpu.memory_space<semaphore_mem>>) src(%dma_wait3A_137 : memref<8208xf32, #tpu.memory_space<vmem_shared>>) dst(%arg10 : memref<8208xf32, #tpu.memory_space<vmem>>)
        tpu.yield
      }) : () -> ()
      %get3A = arith.constant 8192 : index
      %get3A_87 = tpu.vector_load %arg9[%get3A] {strides = array<i32>} : memref<8208xf32, #tpu.memory_space<vmem>>, vector<16xf32>,
      %get3A_88 = arith.constant 8192 : index
      %get3A_89 = tpu.vector_load %arg10[%get3A_88] {strides = array<i32>} : memref<8208xf32, #tpu.memory_space<vmem>>, vector<16xf32>,
      %add3A_90 = arith.addf %get3A_87, %get3A_89 : vector<16xf32>
      %reduce_sum3A = arith.constant true
      %reduce_sum3A_91 = vector.broadcast %reduce_sum3A : i1 to vector<16xi1>
      %reduce_sum3A_92 = tpu.scan <sum>, %add3A_90 masked %reduce_sum3A_91 : vector<16xf32>, vector<16xi1> -> vector<16xf32>
      %reduce_sum3A_93 = vector.extract %reduce_sum3A_92[15] : f32 from vector<16xf32>
      %sub3A_94 = arith.constant 2.621440e+05 : f32
      %sub3A_95 = arith.subf %sub3A_94, %reduce_sum3A_93 : f32
      %sub3A_96 = arith.constant 4.096000e+03 : f32
      %sub3A_97 = arith.constant 5.000000e-01 : f32
      %sub3A_98 = arith.subf %sub3A_96, %sub3A_97 : f32
      %iota3A = tpu.iota {dimensions = array<i32: 0>} : vector<16xi32>
      %convert_element_type3A_99 = arith.sitofp %iota3A : vector<16xi32> to vector<16xf32>
      %sub3A_100 = vector.broadcast %sub3A_98 : f32 to vector<16xf32>
      %sub3A_101 = arith.subf %sub3A_100, %convert_element_type3A_99 : vector<16xf32>
      %div3A_102 = arith.constant 5.120000e+02 : f32
      %div3A_103 = vector.broadcast %div3A_102 : f32 to vector<16xf32>
      %div3A_104 = arith.divf %sub3A_101, %div3A_103 : vector<16xf32>
      %div3A_105 = arith.constant 1.600000e+01 : f32
      %div3A_106 = arith.constant 5.120000e+02 : f32
      %div3A_107 = arith.divf %div3A_105, %div3A_106 : f32
      %scan3A_108 = arith.constant 0.000000e+00 : f32
      %scan3A_109 = arith.constant 0.000000e+00 : f32
      %scan3A_110 = arith.constant 0 : i32
      %scan3A_111 = arith.constant 256 : i32
      %scan3A_112 = arith.addi %scan3A_110, %scan3A_111 : i32
      %scan3A_113 = arith.constant 1 : i32
      %scan3A_114:4 = scf.for %scan3A_126 = %scan3A_110 to %scan3A_112 step %scan3A_113 iter_args(%scan3A_127 = %scan3A_108, %scan3A_128 = %scan3A_109, %scan3A_129 = %div3A_104, %scan3A_130 = %broadcast_in_dim3A_31) -> (f32, f32, vector<16xf32>, vector<16xf32>)  : i32 {
        %mul3A_131 = arith.constant 16 : i32
        %mul3A_132 = arith.muli %scan3A_126, %mul3A_131 : i32
        %get3A_133 = arith.index_cast %mul3A_132 : i32 to index
        %get3A_134 = tpu.vector_load %arg9[%get3A_133] {strides = array<i32>} : memref<8208xf32, #tpu.memory_space<vmem>>, vector<16xf32>,
        %mul3A_135 = arith.constant 16 : i32
        %mul3A_136 = arith.muli %scan3A_126, %mul3A_135 : i32
        %get3A_137 = arith.index_cast %mul3A_136 : i32 to index
        %get3A_138 = tpu.vector_load %arg10[%get3A_137] {strides = array<i32>} : memref<8208xf32, #tpu.memory_space<vmem>>, vector<16xf32>,
        %add3A_139 = arith.addf %get3A_134, %get3A_138 : vector<16xf32>
        %mul3A_140 = arith.constant 16 : i32
        %mul3A_141 = arith.muli %scan3A_126, %mul3A_140 : i32
        %add3A_142 = arith.constant 4096 : i32
        %add3A_143 = arith.addi %add3A_142, %mul3A_141 : i32
        %get3A_144 = arith.index_cast %add3A_143 : i32 to index
        %get3A_145 = tpu.vector_load %arg9[%get3A_144] {strides = array<i32>} : memref<8208xf32, #tpu.memory_space<vmem>>, vector<16xf32>,
        %mul3A_146 = arith.constant 16 : i32
        %mul3A_147 = arith.muli %scan3A_126, %mul3A_146 : i32
        %add3A_148 = arith.constant 4096 : i32
        %add3A_149 = arith.addi %add3A_148, %mul3A_147 : i32
        %get3A_150 = arith.index_cast %add3A_149 : i32 to index
        %get3A_151 = tpu.vector_load %arg10[%get3A_150] {strides = array<i32>} : memref<8208xf32, #tpu.memory_space<vmem>>, vector<16xf32>,
        %add3A_152 = arith.addf %get3A_145, %get3A_151 : vector<16xf32>
        %add3A_153 = arith.addf %add3A_139, %add3A_152 : vector<16xf32>
        %broadcast_in_dim3A_154 = arith.constant true
        %broadcast_in_dim3A_155 = vector.broadcast %broadcast_in_dim3A_154 : i1 to vector<16xi1>
        %masked_cumsum3A = tpu.scan <sum>, %add3A_153 masked %broadcast_in_dim3A_155 : vector<16xf32>, vector<16xi1> -> vector<16xf32>
        %broadcast_in_dim3A_156 = arith.constant true
        %broadcast_in_dim3A_157 = vector.broadcast %broadcast_in_dim3A_156 : i1 to vector<16xi1>
        %masked_cumsum3A_158 = tpu.scan <sum>, %add3A_152 masked %broadcast_in_dim3A_157 : vector<16xf32>, vector<16xi1> -> vector<16xf32>
        %add3A_159 = vector.broadcast %scan3A_127 : f32 to vector<16xf32>
        %add3A_160 = arith.addf %add3A_159, %masked_cumsum3A : vector<16xf32>
        %add3A_161 = vector.broadcast %scan3A_128 : f32 to vector<16xf32>
        %add3A_162 = arith.addf %add3A_161, %masked_cumsum3A_158 : vector<16xf32>
        %sub3A_163 = arith.subf %add3A_160, %add3A_153 : vector<16xf32>
        %sub3A_164 = arith.subf %add3A_162, %add3A_152 : vector<16xf32>
        %sub3A_165 = vector.broadcast %reduce_sum3A_93 : f32 to vector<16xf32>
        %sub3A_166 = arith.subf %sub3A_165, %add3A_162 : vector<16xf32>
        %add3A_167 = vector.broadcast %reduce_sum3A_93 : f32 to vector<16xf32>
        %add3A_168 = arith.addf %add3A_167, %add3A_160 : vector<16xf32>
        %sub3A_169 = arith.subf %add3A_168, %add3A_162 : vector<16xf32>
        %max3A = arith.constant 1.000000e+00 : f32
        %max3A_170 = vector.broadcast %max3A : f32 to vector<16xf32>
        %max3A_171 = arith.maximumf %sub3A_169, %max3A_170 : vector<16xf32>
        %div3A_172 = arith.divf %sub3A_166, %max3A_171 : vector<16xf32>
        %sub3A_173 = vector.broadcast %reduce_sum3A_93 : f32 to vector<16xf32>
        %sub3A_174 = arith.subf %sub3A_173, %sub3A_164 : vector<16xf32>
        %add3A_175 = vector.broadcast %reduce_sum3A_93 : f32 to vector<16xf32>
        %add3A_176 = arith.addf %add3A_175, %sub3A_163 : vector<16xf32>
        %sub3A_177 = arith.subf %add3A_176, %sub3A_164 : vector<16xf32>
        %max3A_178 = arith.constant 1.000000e+00 : f32
        %max3A_179 = vector.broadcast %max3A_178 : f32 to vector<16xf32>
        %max3A_180 = arith.maximumf %sub3A_177, %max3A_179 : vector<16xf32>
        %div3A_181 = arith.divf %sub3A_174, %max3A_180 : vector<16xf32>
        %sub3A_182 = arith.subf %add3A_160, %add3A_162 : vector<16xf32>
        %sub3A_183 = vector.broadcast %sub3A_95 : f32 to vector<16xf32>
        %sub3A_184 = arith.subf %sub3A_183, %sub3A_182 : vector<16xf32>
        %add3A_185 = vector.broadcast %sub3A_95 : f32 to vector<16xf32>
        %add3A_186 = arith.addf %add3A_185, %add3A_162 : vector<16xf32>
        %max3A_187 = arith.constant 1.000000e+00 : f32
        %max3A_188 = vector.broadcast %max3A_187 : f32 to vector<16xf32>
        %max3A_189 = arith.maximumf %add3A_186, %max3A_188 : vector<16xf32>
        %div3A_190 = arith.divf %sub3A_184, %max3A_189 : vector<16xf32>
        %sub3A_191 = arith.subf %sub3A_163, %sub3A_164 : vector<16xf32>
        %sub3A_192 = vector.broadcast %sub3A_95 : f32 to vector<16xf32>
        %sub3A_193 = arith.subf %sub3A_192, %sub3A_191 : vector<16xf32>
        %add3A_194 = vector.broadcast %sub3A_95 : f32 to vector<16xf32>
        %add3A_195 = arith.addf %add3A_194, %sub3A_164 : vector<16xf32>
        %max3A_196 = arith.constant 1.000000e+00 : f32
        %max3A_197 = vector.broadcast %max3A_196 : f32 to vector<16xf32>
        %max3A_198 = arith.maximumf %add3A_195, %max3A_197 : vector<16xf32>
        %div3A_199 = arith.divf %sub3A_193, %max3A_198 : vector<16xf32>
        %sub3A_200 = arith.subf %div3A_181, %div3A_172 : vector<16xf32>
        %sub3A_201 = arith.subf %div3A_199, %div3A_190 : vector<16xf32>
        %add3A_202 = arith.addf %sub3A_200, %sub3A_201 : vector<16xf32>
        %reduce_sum3A_203 = arith.constant true
        %reduce_sum3A_204 = vector.broadcast %reduce_sum3A_203 : i1 to vector<16xi1>
        %reduce_sum3A_205 = tpu.scan <sum>, %add3A_153 masked %reduce_sum3A_204 : vector<16xf32>, vector<16xi1> -> vector<16xf32>
        %reduce_sum3A_206 = vector.extract %reduce_sum3A_205[15] : f32 from vector<16xf32>
        %add3A_207 = arith.addf %scan3A_127, %reduce_sum3A_206 : f32
        %reduce_sum3A_208 = arith.constant true
        %reduce_sum3A_209 = vector.broadcast %reduce_sum3A_208 : i1 to vector<16xi1>
        %reduce_sum3A_210 = tpu.scan <sum>, %add3A_152 masked %reduce_sum3A_209 : vector<16xf32>, vector<16xi1> -> vector<16xf32>
        %reduce_sum3A_211 = vector.extract %reduce_sum3A_210[15] : f32 from vector<16xf32>
        %add3A_212 = arith.addf %scan3A_128, %reduce_sum3A_211 : f32
        %sub3A_213 = vector.broadcast %div3A_107 : f32 to vector<16xf32>
        %sub3A_214 = arith.subf %scan3A_129, %sub3A_213 : vector<16xf32>
        %mul3A_215 = arith.mulf %scan3A_129, %add3A_202 : vector<16xf32>
        %add3A_216 = arith.addf %scan3A_130, %mul3A_215 : vector<16xf32>
        scf.yield %add3A_207, %add3A_212, %sub3A_214, %add3A_216 : f32, f32, vector<16xf32>, vector<16xf32>
      }
      %scan3A_115 = arith.constant 256 : i32
      %reduce_sum3A_116 = arith.constant true
      %reduce_sum3A_117 = vector.broadcast %reduce_sum3A_116 : i1 to vector<16xi1>
      %reduce_sum3A_118 = tpu.scan <sum>, %scan3A_114#3 masked %reduce_sum3A_117 : vector<16xf32>, vector<16xi1> -> vector<16xf32>
      %reduce_sum3A_119 = vector.extract %reduce_sum3A_118[15] : f32 from vector<16xf32>
      %mul3A_120 = arith.constant 5.000000e-01 : f32
      %mul3A_121 = arith.mulf %mul3A_120, %reduce_sum3A_119 : f32
      %add3A_122 = vector.broadcast %mul3A_121 : f32 to vector<16xf32>
      %add3A_123 = arith.addf %broadcast_in_dim3A_31, %add3A_122 : vector<16xf32>
      %swap3A_124 = arith.constant 0 : index
      %swap3A_125 = tpu.vector_load %arg11[%swap3A_124] {strides = array<i32>} : memref<16xf32, #tpu.memory_space<vmem>>, vector<16xf32>,
      tpu.vector_store %arg11[%swap3A_124], %add3A_123 {strides = array<i32>} : memref<16xf32, #tpu.memory_space<vmem>>, vector<16xf32>,
      "tpu.region"() ({
        %run_scoped3A = tpu.sem_alloc : memref<!tpu.dma_semaphore, #tpu.memory_space<semaphore_mem>>
        %dma_start3A_126 = arith.constant 0 : i32
        %dma_start3A_127 = tpu.memref_slice %arg4[%add3A, %dma_start3A_126] : memref<16x16xf32, #tpu.memory_space<hbm>> -> memref<1x16xf32, #tpu.memory_space<hbm>>
        %dma_start3A_128 = tpu.memref_squeeze %dma_start3A_127 : memref<1x16xf32, #tpu.memory_space<hbm>> -> memref<16xf32, #tpu.memory_space<hbm>>
        %dma_start3A_129 = arith.constant 0 : i32
        %dma_start3A_130 = tpu.memref_slice %arg4[%add3A, %dma_start3A_129] : memref<16x16xf32, #tpu.memory_space<hbm>> -> memref<1x16xf32, #tpu.memory_space<hbm>>
        %dma_start3A_131 = tpu.memref_squeeze %dma_start3A_130 : memref<1x16xf32, #tpu.memory_space<hbm>> -> memref<16xf32, #tpu.memory_space<hbm>>
        tpu.enqueue_dma source(%arg11 : memref<16xf32, #tpu.memory_space<vmem>>) target(%dma_start3A_131 : memref<16xf32, #tpu.memory_space<hbm>>) target_semaphore(%run_scoped3A : memref<!tpu.dma_semaphore, #tpu.memory_space<semaphore_mem>>)
        %dma_wait3A_132 = arith.constant 0 : i32
        %dma_wait3A_133 = tpu.memref_slice %arg4[%add3A, %dma_wait3A_132] : memref<16x16xf32, #tpu.memory_space<hbm>> -> memref<1x16xf32, #tpu.memory_space<hbm>>
        %dma_wait3A_134 = tpu.memref_squeeze %dma_wait3A_133 : memref<1x16xf32, #tpu.memory_space<hbm>> -> memref<16xf32, #tpu.memory_space<hbm>>
        %dma_wait3A_135 = arith.constant 0 : i32
        %dma_wait3A_136 = tpu.memref_slice %arg4[%add3A, %dma_wait3A_135] : memref<16x16xf32, #tpu.memory_space<hbm>> -> memref<1x16xf32, #tpu.memory_space<hbm>>
        %dma_wait3A_137 = tpu.memref_squeeze %dma_wait3A_136 : memref<1x16xf32, #tpu.memory_space<hbm>> -> memref<16xf32, #tpu.memory_space<hbm>>
        tpu.wait_dma2 semaphore(%run_scoped3A : memref<!tpu.dma_semaphore, #tpu.memory_space<semaphore_mem>>) src(%arg11 : memref<16xf32, #tpu.memory_space<vmem>>) dst(%dma_wait3A_137 : memref<16xf32, #tpu.memory_space<hbm>>)
        tpu.yield
      }) : () -> ()
    } else {
    }
    return
  }
}

</mosaic_0001>

<sc_bundles>
// kernel: kernel.3.cloned.1.call-start
scs
__scs_entry_jumppad:
0x0: {  	(pc) =	sbr.rel $0x88, $3  }
0x1: {  	(tag) =	ssettag $0x0;
	lr =	simm.s32 $0x1  }
0x2: {  	[smem:$0x3F9F] =	sst lr;
	_ =	strace $0xD0000000  }
0x3: {  	_ = 	snop  }
0x4: {  	_ = 	snop  }
0x5: {  	_ = 	snop  }
0x6: {  	_ = 	snop  }
0x7: {  	_ = 	snop  }
__scs_overlays_trampoline_lowered:
0x8: {  	[smem:$0x3FAE] =	sst s0  }
0x9: {  	[smem:$0x3FAF] =	sst s1  }
0xa: {  	[smem:$0x3FB0] =	sst s2  }
0xb: {  	[smem:$0x3FB1] =	sst s3  }
0xc: {  	[smem:$0x3FB2] =	sst s4  }
0xd: {  	[smem:$0x3FB3] =	sst s5  }
0xe: {  	[smem:$0x3FB4] =	sst s6  }
0xf: {  	[smem:$0x3FB5] =	sst s7  }
0x10: {  	[smem:$0x3FB6] =	sst s8  }
0x11: {  	[smem:$0x3FB7] =	sst s9;
	s0 =	simm.s32 @!p0 $0x0  }
0x12: {  	s1 =	sld [smem:$0x3F9D];
	s0 =	simm.s32 @p0 $0x1  }
0x13: {  	[smem:$0x3FB8] =	sst s0;
	s0 =	simm.s32 @!p1 $0x0  }
0x14: {  	s2 =	sld [smem:$0x3F9C];
	s0 =	simm.s32 @p1 $0x1  }
0x15: {  	[smem:$0x3FB9] =	sst s0;
	s0 =	simm.s32 @!p2 $0x0  }
0x16: {  	s3 =	sld [smem:$0x3FDB];
	s0 =	simm.s32 @p2 $0x1  }
0x17: {  	s4 =	simm.s32 $0x1BF5;
	[smem:$0x3FBB] =	sst s0  }
0x18: {  	s0 =	sld [smem:$0x3F9E];
	_ =	swait.ge [sflag:s4], $0x0  }
0x19: {  	s7 =	sld [smem:$0x3F9F]  }
0x1a: {  	s8 =	sadd.s32 $0xFFFFE003, lr  }
0x1b: {  	s9 =	sadd.s32 $0xFFFFFEF7, lr;
	s5 =	simm.s32 $0xFFFFFFFF;
	p2 =	slt.u32 s8, $0xFFFFF086  }
0x1c: {  	p1 =	slt.u32 s9, $0xF7A;
	s5 =	simm.s32 @!p2 $0x0  }
0x1d: {  	s5 =	simm.s32 @p1 $0x1;
	p0 =	seq.s32 s7, s2  }
0x1e: {  	s7 =	smul.u32 @!p0 $0xF7A, s2;
	p2 =	seq.s32 @!p0 s5, $0x0  }
0x1f: {  	s9 =	smul.u32 $0xF7A, s1;
	s8 =	simm.s32 @!p0 $0x1BF5;
	p2 =	por !p2, p0  }
0x20: {  	[sflag:s8] =	ssyncset.s32 @!p0 $0xFFFFF086;
	s6 =	sadd.s32 @!p0 s3, s7;
	s7 =	simm.s32 @!p0 $0x108  }
0x21: {  	s3 =	sadd.s32 s3, s9;
	s6 =	sadd.s32 @!p0 $0x88, s6;
	s7 =	simm.s32 @p2 $0x1082  }
0x22: {  	[simem:s7], [sflag:s8] =	dma.local @!p0 [hbm:s6], $0xF7A  }
0x23: {  	s9 =	sor.u32 $0xD0000000, s2;
	s6 =	simm.s32 $0x108;
	_ =	swait.ge @!p0 [sflag:s8], $0x0  }
0x24: {  	s3 =	sadd.s32 $0x88, s3;
	s6 =	simm.s32 @!p1 $0x1082;
	[sflag:s4] =	ssyncset.s32 $0xFFFFF086  }
0x25: {  	[simem:s6], [sflag:s4] =	dma.local [hbm:s3], $0xF7A  }
0x26: {  	[smem:$0x3F9F] =	sst s1;
	(tag) =	ssettag s2;
	_ =	strace s9  }
0x27: {  	s1 =	sld [smem:$0x3FAF]  }
0x28: {  	s2 =	sld [smem:$0x3FB0]  }
0x29: {  	s4 =	sld [smem:$0x3FB2]  }
0x2a: {  	p0 =	seq.s32 s5, $0x0;
	s5 =	sld [smem:$0x3FB3]  }
0x2b: {  	s6 =	sld [smem:$0x3FB4]  }
0x2c: {  	s7 =	sld [smem:$0x3FB5]  }
0x2d: {  	s3 =	simm.s32 $0x108;
	s8 =	sld [smem:$0x3FB6]  }
0x2e: {  	s3 =	simm.s32 @!p0 $0x1082;
	s9 =	sld [smem:$0x3FB7]  }
0x2f: {  	lr =	sadd.s32 s0, s3;
	s0 =	sld [smem:$0x3FAE]  }
0x30: {  	s3 =	sld [smem:$0x3FB1]  }
0x31: {  	[smem:$0x3FBA] =	sst s10  }
0x32: {  	s10 =	sld [smem:$0x3FB8];
	_ =	sdelay $0x3  }
0x33: {  	p0 =	seq.s32 s10, $0x1;
	s10 =	sld [smem:$0x3FBA];
	_ =	sdelay $0x3  }
0x34: {  	[smem:$0x3FBA] =	sst s10  }
0x35: {  	s10 =	sld [smem:$0x3FB9];
	_ =	sdelay $0x3  }
0x36: {  	p1 =	seq.s32 s10, $0x1;
	s10 =	sld [smem:$0x3FBA];
	_ =	sdelay $0x3  }
0x37: {  	[smem:$0x3FBA] =	sst s10  }
0x38: {  	s10 =	sld [smem:$0x3FBB]  }
0x39: {  	_ = 	snop;
	(pc) =	sbr.ind lr, $3  }
0x3a: {  	_ = 	snop  }
0x3b: {  	_ = 	snop  }
0x3c: {  	p2 =	seq.s32 s10, $0x1;
	s10 =	sld [smem:$0x3FBA]  }
0x3d: {  	_ =	shalt  }
0x3e: {  	_ =	shalt  }
0x3f: {  	_ =	shalt  }
0x40: {  	_ =	shalt  }
0x41: {  	_ =	shalt  }
0x42: {  	_ =	shalt  }
0x43: {  	_ =	shalt  }
0x44: {  	_ =	shalt  }
0x45: {  	_ =	shalt  }
0x46: {  	_ =	shalt  }
0x47: {  	_ =	shalt  }
0x48: {  	_ =	shalt  }
0x49: {  	_ =	shalt  }
0x4a: {  	_ =	shalt  }
0x4b: {  	_ =	shalt  }
0x4c: {  	_ =	shalt  }
0x4d: {  	_ =	shalt  }
0x4e: {  	_ =	shalt  }
0x4f: {  	_ =	shalt  }
0x50: {  	_ =	shalt  }
0x51: {  	_ =	shalt  }
0x52: {  	_ =	shalt  }
0x53: {  	_ =	shalt  }
0x54: {  	_ =	shalt  }
0x55: {  	_ =	shalt  }
0x56: {  	_ =	shalt  }
0x57: {  	_ =	shalt  }
0x58: {  	_ =	shalt  }
0x59: {  	_ =	shalt  }
0x5a: {  	_ =	shalt  }
0x5b: {  	_ =	shalt  }
0x5c: {  	_ =	shalt  }
0x5d: {  	_ =	shalt  }
0x5e: {  	_ =	shalt  }
0x5f: {  	_ =	shalt  }
0x60: {  	_ =	shalt  }
0x61: {  	_ =	shalt  }
0x62: {  	_ =	shalt  }
0x63: {  	_ =	shalt  }
0x64: {  	_ =	shalt  }
0x65: {  	_ =	shalt  }
0x66: {  	_ =	shalt  }
0x67: {  	_ =	shalt  }
0x68: {  	_ =	shalt  }
0x69: {  	_ =	shalt  }
0x6a: {  	_ =	shalt  }
0x6b: {  	_ =	shalt  }
0x6c: {  	_ =	shalt  }
0x6d: {  	_ =	shalt  }
0x6e: {  	_ =	shalt  }
0x6f: {  	_ =	shalt  }
0x70: {  	_ =	shalt  }
0x71: {  	_ =	shalt  }
0x72: {  	_ =	shalt  }
0x73: {  	_ =	shalt  }
0x74: {  	_ =	shalt  }
0x75: {  	_ =	shalt  }
0x76: {  	_ =	shalt  }
0x77: {  	_ =	shalt  }
0x78: {  	_ =	shalt  }
0x79: {  	_ =	shalt  }
0x7a: {  	_ =	shalt  }
0x7b: {  	_ =	shalt  }
0x7c: {  	_ =	shalt  }
0x7d: {  	_ =	shalt  }
0x7e: {  	_ =	shalt  }
0x7f: {  	_ =	shalt  }
0x80: {  	_ =	shalt  }
0x81: {  	_ =	shalt  }
0x82: {  	_ =	shalt  }
0x83: {  	_ =	shalt  }
0x84: {  	_ =	shalt  }
0x85: {  	_ =	shalt  }
0x86: {  	_ =	shalt  }
0x87: {  	_ =	shalt  }
.Lfunc_end0:
.L_simem_size_0:
called_computation_lowered:
.L_overlay_start_0:
0x88: {  	s2 =	sld [smem:$0x3FD9]  }
0x89: {  	s3 =	sld [smem:$0x3FFE];
	_ =	sdelay $0x1  }
0x8a: {  	s1 =	srdreg.scid  }
0x8b: {  	s0 =	sand.u32 $0x1, s1  }
0x8c: {  	s17 =	sshll.u32 s0, $0xA;
	s2 =	sadd.s32 s3, s2  }
0x8d: {  	s2 =	sadd.s32 s2, s17  }
0x8e: {  	[smem:$0x3FC6] =	sst s2  }
0x8f: {  	_ = 	snop  }
0x90: {  	s2 =	sld [smem:$0x3FC9]  }
0x91: {  	s18 =	sld [smem:$0x3FC8];
	(tm) =	ssettm $0x1  }
0x92: {  	s4 =	sld [smem:$0x3FFB];
	_ =	sdelay $0x3  }
0x93: {  	_ =	strace s4  }
0x94: {  	s4 =	sld [smem:$0x3FFC];
	_ =	sdelay $0x3  }
0x95: {  	_ =	strace s4  }
0x96: {  	s4 =	sld [smem:$0x3FFD];
	_ =	sdelay $0x3  }
0x97: {  	_ =	strace s4  }
0x98: {  	_ =	strace $0x8FFFFFFF  }
0x99: {  	s19 =	sld [smem:$0x3FDB];
	_ =	sdelay $0x1  }
0x9a: {  	s5 =	simm.s32 $_scs_section_size  }
0x9b: {  	s6 =	simm.s32 $_size__tile_overlayer_lowered;
	s7 =	simm.s32 $_tile_overlayer_lowered  }
0x9c: {  	s22 =	simm.s32 $0x1BFF;
	s21 =	sshll.u32 s7, $0x1;
	s4 =	sadd.s32 s5, s19  }
0x9d: {  	s8 =	simm.s32 $0x0;
	s20 =	sshll.u32 s6, $0x1;
	s6 =	sadd.s32 s21, s4  }
0x9e: {  	[timem:s8], [sflag:s22] =	dma.local [hbm:s6], s20  }
0x9f: {  	_ =	swait.ge [sflag:s22], s20  }
0xa0: {  	s5 =	ssub.s32 $0x0, s20;
	[sflag:s22] =	ssyncset.done $0x0  }
0xa1: {  	[sflag:s22] =	ssyncadd.s32 s5;
	_ =	sdelay $0x1  }
0xa2: {  	s23 =	simm.s32 $0x1B8B  }
0xa3: {  	_ =	swait.ge [sflag:s23], $0x1  }
0xa4: {  	[sflag:s23] =	ssyncset.done $0x0  }
0xa5: {  	s25 =	simm.s32 $0x1B8E;
	s24 =	sld [smem:$0x3FFE];
	[sflag:s23] =	ssyncadd.s32 $0xFFFFFFFF  }
0xa6: {  	s26 =	simm.s32 $execute0_lowered;
	[smem:$0x3FD2] =	sst s25  }
0xa7: {  	s6 =	sshll.u32 s26, $0x1;
	_ =	strace $0x80000046;
	[dreg:$0x1] =	wrdreg $0xFFFFFFFF  }
0xa8: {  	s28 =	simm.s32 $_size_execute0_lowered;
	s4 =	sadd.s32 s4, s6;
	[dreg:$0x0] =	wrdreg $0x0  }
0xa9: {  	s6 =	sshll.u32 s28, $0x1;
	[dreg:$0x2] =	wrdreg s4  }
0xaa: {  	[dreg:$0x3] =	wrdreg s6  }
0xab: {  	[dreg:$0x4] =	wrdreg $0xC0  }
0xac: {  	_ =	task [dreg:s8], $0x5FFFF  }
0xad: {  	[dreg:$0x1] =	wrdreg $0xFFFFFFFF  }
0xae: {  	[dreg:$0x0] =	wrdreg $0x60  }
0xaf: {  	[dreg:$0x2] =	wrdreg s2  }
0xb0: {  	[dreg:$0x3] =	wrdreg s18  }
0xb1: {  	[dreg:$0x4] =	wrdreg s24  }
0xb2: {  	[dreg:$0x5] =	wrdreg $0xC1800  }
0xb3: {  	[dreg:$0x6] =	wrdreg $0x9  }
0xb4: {  	_ =	task.clear_ibuf [dreg:s8], $0x7FFFF;
	_ =	strace $0x90000046  }
0xb5: {  	s29 =	simm.s32 $0x9;
	_ =	strace $0x80000048  }
0xb6: {  	_ =	swait.ge [sflag:s29], $0x1  }
0xb7: {  	[sflag:s29] =	ssyncadd.s32 $0xFFFFFFFF  }
0xb8: {  	_ =	strace $0x90000048  }
0xb9: {  	_ =	sfence  }
0xba: {  	s30 =	sld [smem:$0x0];
	_ =	sdelay $0x2  }
0xbb: {  	s31 =	sshll.u32 s1, $0xD;
	s1 =	sshrl.u32 s1, $0x2  }
0xbc: {  	s3 =	sand.u32 $0x4000, s31;
	s1 =	sadd.s32 s1, s30  }
0xbd: {  	s0 =	sor.u32 s3, s0;
	s1 =	sshll.u32 s1, $0x11  }
0xbe: {  	s0 =	sor.u32 s1, s0  }
0xbf: {  	s0 =	sadd.s32 $0x8F2B, s0  }
0xc0: {  	[sflag:s0] =	ssyncadd.remote.s32 $0x1  }
0xc1: {  	_ =	sfence.sel $0xFFFF  }
0xc2: {  	[dreg:$0x0] =	wrdreg $0xFFFFFFFF;
	(pc) =	sbr.abs _section_cstart, $3  }
0xc3: {  	[dreg:$0x1] =	wrdreg $0xFFFFFFFF  }
0xc4: {  	_ =	task.clear_ibuf [dreg:s8], $0x2FFFF;
	_ =	strace $0x9FFFFFFF  }
0xc5: {  	(tm) =	ssettm $0x7FFFFFFF  }
tec
execute0_lowered:
.L_overlay_start_1:
0x0: {  	(tag) =	ssettag $0x1  }
0x1: {  	s1 =	rddreg [dreg:$0x0]  }
0x2: {  	s2 =	rddreg [dreg:$0x1]  }
0x3: {  	s10 =	rddreg [dreg:$0x2]  }
0x4: {  	s9 =	rddreg [dreg:$0x3];
	s3 =	simm.s32 $0x0  }
0x5: {  	v0 =	vimm.f32 $4.080500000e+03;
	vm0 =	vcmask $0x300;
	s0 =	srdreg.scid;
	s4 =	stileid.u32;
	s17 =	simm.s32 $0x2  }
0x6: {  	vm14 =	vcmask $0x704;
	s18 =	simm.s32 $0x8000;
	s19 =	simm.s32 $0x3;
	s20 =	simm.s32 $0x4;
	v0 =	vsel vm0, $0x457FF800, v0  }
0x7: {  	vm15 =	vcmask $0xB08;
	s21 =	simm.s32 $0x80;
	s22 =	simm.s32 $0x400;
	s23 =	simm.s32 $0x5;
	v0 =	vsel vm14, $0x457FE800, v0  }
0x8: {  	vm4 =	vcmask $0xF0C;
	s24 =	simm.s32 $0xA080;
	s25 =	simm.s32 $0xC100;
	[smem:$0x7FF] =	sst s3;
	v0 =	vsel vm15, $0x457FD800, v0  }
0x9: {  	vm5 =	vcmask $0x1310;
	s11 =	sand.u32 $0x1, s0;
	s12 =	sshrl.u32 s4, $0x1;
	s26 =	sand.u32 $0x1, s4;
	v0 =	vsel vm4, $0x457FC800, v0  }
0xa: {  	vm6 =	vcmask $0x1714;
	v1 =	vimm.f32 $5.120000000e+02;
	s29 =	sshrl.u32 s4, $0x3;
	s31 =	sshll.u32 s4, $0x7;
	_ =	strace $0x80000047;
	v0 =	vsel vm5, $0x457FB800, v0  }
0xb: {  	vm7 =	vcmask $0x1B18;
	s5 =	sshll.u32 s11, $0x15;
	s6 =	sshll.u32 s12, $0x12;
	s7 =	sshll.u32 s26, $0x11;
	(erf) = vrcp.f32 v1;
	v0 =	vsel vm6, $0x457FA800, v0  }
0xc: {  	vm8 =	vcmask $0x1F1C;
	s28 =	ssub.s32 $0x2, s11;
	s14 =	smul.u32 $0x41000, s29;
	s16 =	sand.u32 $0x380, s31;
	v0 =	vsel vm7, $0x457F9800, v0  }
0xd: {  	vm9 =	vcmask $0x2320;
	s11 =	sshll.u32 s11, $0x7;
	s12 =	sshll.u32 s12, $0x4;
	p0 =	sne.s32 s26, $0x0;
	v0 =	vsel vm8, $0x457F8800, v0  }
0xe: {  	vm10 =	vcmask $0x2724;
	s26 =	simm.s32 $0x0;
	s5 =	sor.u32 s6, s5;
	s30 =	sshrl.u32 s28, $0x1;
	v0 =	vsel vm9, $0x457F7800, v0  }
0xf: {  	vm11 =	vcmask $0x2B28;
	s11 =	sadd.s32 s10, s11;
	s8 =	sor.u32 s7, s5;
	s15 =	ssub.s32 s28, s30;
	v0 =	vsel vm10, $0x457F6800, v0  }
0x10: {  	vm12 =	vcmask $0x2F2C;
	s14 =	sshrl.u32 s14, $0x2;
	s11 =	sadd.s32 s12, s11;
	s13 =	sshrl.u32 s8, $0x3;
	v0 =	vsel vm11, $0x457F5800, v0  }
.Ltmp0:
0x11: {  	vm13 =	vcmask $0x3330;
	s7 =	sor.u32 $0x2000, s8;
	s8 =	sor.u32 $0x4000, s8;
	v0 =	vsel vm12, $0x457F4800, v0;
	(pc) =	sbr.rel .LBB2_1-.Ltmp0, $4  }
0x12: {  	vm14 =	vcmask $0x3734;
	s14 =	sadd.s32 s14, s9;
	s12 =	smax.u32 s15, $0x1;
	s15 =	simm.s32 $0x6000;
	v0 =	vsel vm13, $0x457F3800, v0  }
0x13: {  	vm15 =	vcmask $0x3B38;
	s5 =	sadd.s32 s1, s13;
	s6 =	sadd.s32 s2, s13;
	s13 =	sand.u32 $0x300, s31;
	v0 =	vsel vm14, $0x457F2800, v0  }
0x14: {  	s9 =	sadd.s32 s16, s14;
	s16 =	simm.s32 $0x1;
	s13 =	sadd.s32 s13, s14;
	v1 =	vpop (erf);
	v0 =	vsel vm15, $0x457F1800, v0  }
0x15: {  	v2 =	vimm.f32 $1.000000000e+00;
	s14 =	simm.s32 $0x4000;
	s10 =	sadd.s32 $0x80, s13;
	s13 =	simm.s32 $0x2000;
	v0 =	vmul.f32 v0, v1;
	v1 =	vimm.f32 $0.0e+00  }
.LBB2_12:
0x16: {  	_ =	sdelay $0x1  }
0x17: {  	v16 =	vadd.f32 s28, v23;
	v18 =	vadd.f32 s0, v18  }
0x18: {  	v63 =	vadd.f32 v24, v7;
	v22 =	vadd.f32 v22, v7  }
0x19: {  	v14 =	vmul.f32 v26, v14;
	v9 =	vsub.f32 v3, v9;
	v13 =	vsub.f32 v3, v13  }
0x1a: {  	v20 =	vmax.f32 v20, $1.000000000e+00;
	v12 =	vsub.f32 v16, v12;
	v10 =	vsub.f32 v18, v10;
	s4 =	spop (v2sf)  }
0x1b: {  	(erf) = vrcp.f32 v20;
	v34, _, _ =	vpop (xrf2);
	v32 =	vadd.f32 v16, v3;
	v27 =	vadd.f32 v18, v7;
	s31 =	sadd.f32 s4, s0;
	s29 =	spop (v2sf)  }
0x1c: {  	v14 =	vsub.f32 v14, v25;
	(erf) = vrcp.f32 v21;
	v37 =	vpop (erf);
	v33 =	vadd.f32 v12, v3;
	s4 =	sadd.f32 s29, s28  }
0x1d: {  	v35 =	vadd.f32 v10, v7;
	v36 =	vsub.f32 v32, v18;
	v28, _, _ =	vpop (xrf2);
	v27 =	vmax.f32 v27, $1.000000000e+00  }
0x1e: {  	v38 =	vpop (erf);
	(erf) = vrcp.f32 v27;
	v30 =	vadd.f32 s31, v34;
	v29 =	vadd.f32 s4, v28  }
0x1f: {  	v25 =	vsub.f32 v33, v10;
	v26 =	vmax.f32 v35, $1.000000000e+00;
	v21 =	vmax.f32 v36, $1.000000000e+00  }
0x20: {  	(erf) = vrcp.f32 v26;
	v15 =	vsub.f32 v30, v15;
	v19 =	vsub.f32 v29, v19  }
0x21: {  	v39 =	vmax.f32 v25, $1.000000000e+00;
	v41 =	vadd.f32 v30, v7;
	v40 =	vadd.f32 v29, v3  }
0x22: {  	(erf) = vrcp.f32 v21;
	v43 =	vadd.f32 v15, v7;
	v42 =	vadd.f32 v19, v3  }
0x23: {  	(erf) = vrcp.f32 v39;
	v45 =	vmax.f32 v41, $1.000000000e+00;
	v44 =	vsub.f32 v40, v30  }
0x24: {  	(erf) = vrcp.f32 v45;
	v46 =	vmax.f32 v43, $1.000000000e+00;
	v21 =	vsub.f32 v42, v15  }
0x25: {  	v16 =	vsub.f32 v18, v16;
	(erf) = vrcp.f32 v46;
	v24 =	vmax.f32 v44, $1.000000000e+00  }
0x26: {  	v22 =	vmul.f32 v37, v22;
	(erf) = vrcp.f32 v24;
	v21 =	vmax.f32 v21, $1.000000000e+00  }
0x27: {  	v23 =	vmul.f32 v38, v63;
	v12 =	vsub.f32 v10, v12;
	v47 =	vpop (erf);
	(erf) = vrcp.f32 v21  }
0x28: {  	v14 =	vadd.f32 v14, v17;
	v16 =	vadd.f32 v16, v7;
	v48 =	vpop (erf)  }
0x29: {  	v18 =	vsub.f32 v3, v18;
	v49 =	vsub.f32 v23, v22;
	v50 =	vpop (erf)  }
0x2a: {  	v12 =	vadd.f32 v12, v7;
	v54 =	vsub.f32 v30, v29;
	v51 =	vpop (erf)  }
0x2b: {  	v10 =	vsub.f32 v3, v10;
	v60 =	vsub.f32 v3, v30;
	v9 =	vmul.f32 v47, v9;
	v52 =	vpop (erf)  }
0x2c: {  	v13 =	vmul.f32 v48, v13;
	v19 =	vsub.f32 v15, v19;
	v58 =	vadd.f32 v54, v7;
	v53 =	vpop (erf)  }
0x2d: {  	v3 =	vsub.f32 v3, v15;
	v16 =	vmul.f32 v50, v16;
	v12 =	vmul.f32 v51, v12;
	v56 =	vpop (erf)  }
0x2e: {  	v57 =	vadd.f32 v19, v7;
	v55 =	vmul.f32 v52, v18;
	v10 =	vmul.f32 v53, v10;
	v59 =	vpop (erf)  }
0x2f: {  	v11 =	vmul.f32 v14, v11;
	v9 =	vsub.f32 v13, v9;
	v12 =	vsub.f32 v12, v16;
	v61 =	vpop (erf)  }
0x30: {  	v10 =	vsub.f32 v10, v55;
	v7 =	vmul.f32 v56, v58;
	v62 =	vmul.f32 v59, v57;
	v63 =	vpop (erf)  }
0x31: {  	v9 =	vadd.f32 v9, v49;
	v14 =	vmul.f32 v61, v60;
	v3 =	vmul.f32 v63, v3  }
0x32: {  	v8 =	vadd.f32 v11, v8;
	v10 =	vadd.f32 v10, v12  }
0x33: {  	v4 =	vmul.f32 v9, v4;
	v7 =	vsub.f32 v62, v7;
	v3 =	vsub.f32 v3, v14;
	_ =	sdelay $0x1  }
0x34: {  	v4 =	vadd.f32 v4, v8;
	v5 =	vmul.f32 v10, v5;
	v3 =	vadd.f32 v3, v7;
	_ =	sdelay $0x1  }
0x35: {  	v4 =	vadd.f32 v5, v4;
	v3 =	vmul.f32 v3, v6;
	_ =	sdelay $0x1  }
0x36: {  	v3 =	vadd.f32 v3, v4;
	_ =	sdelay $0x1  }
0x37: {  	(xrf2) =	vadd.scan.msk.f32 $0xffff, v3;
	_ =	sdelay $0x8  }
0x38: {  	(v2sf) =	vpush v34, $0xF  }
0x39: {  	(v2sf) =	vpush v28, $0xF;
	v3, _, _ =	vpop (xrf2)  }
0x3a: {  	(v2sf) =	vpush v3, $0xF;
	_ =	sdelay $0xc  }
0x3b: {  	s30 =	spop (v2sf)  }
0x3c: {  	s31 =	spop (v2sf)  }
0x3d: {  	s0 =	spop (v2sf)  }
0x3e: {  	s0 =	smul.f32 $5.000000000e-01, s0;
	_ =	sdelay $0x1  }
0x3f: {  	v3 =	vmov s0  }
0x40: {  	v3 =	vadd.f32 $0.0e+00, v3;
	_ =	sdelay $0x1  }
0x41: {  	v3 =	vbroadcast v3, $0x0;
	_ =	sdelay $0x1  }
0x42: {  	[tilespmem:$0xC100] =	vst v3  }
0x43: {  	[hbm4b:s11+s3] =	stream.linear.scatter [tilespmem:s25], [sflag:$0x5], $0x80, $0x38;
	[tilespmem:$0xE190] =	vst v63  }
0x44: {  	_ =	swait.ge [sflag:s23], $0x80  }
0x45: {  	[sflag:s23] =	ssyncset.done $0x0  }
0x46: {  	[sflag:s23] =	ssyncadd.s32 $0xFFFFFF80  }
.LBB2_13:
0x47: {  	s26 =	sadd.s32 $0x1, s26  }
0x48: {  	p1 =	sne.s32 s26, s12  }
.Ltmp1:
0x49: {  	_ = 	snop;
	(pc) =	sbr.rel @!p1 .LBB2_14-.Ltmp1, $1  }
0x4a: {  	_ =	sdelay $0x3  }
.LBB2_1:
0x4b: {  	[tilespmem:s3], [sflag:$0x1] =	stream.linear.gather [hbm4b:s5+s3], $0x2000, $0x38;
	[tilespmem:$0xE190] =	vst v63  }
0x4c: {  	s0 =	simm.s32 $0x0  }
0x4d: {  	[tilespmem:s13], [sflag:$0x2] =	stream.linear.gather [hbm4b:s6+s3], $0x2000, $0x38;
	[tilespmem:$0xE190] =	vst v63  }
.LBB2_2:
0x4e: {  	p1 =	sne.s32 s0, $0x8000  }
.Ltmp2:
0x4f: {  	_ = 	snop;
	(pc) =	sbr.rel @p1 .LBB2_2-.Ltmp2, $3  }
0x50: {  	_ =	sdelay $0x1  }
0x51: {  	s28 =	sshra.s32 s0, $0x2  }
0x52: {  	s0 =	sadd.s32 $0x40, s0;
	[tilespmem:s28+$0x8000] =	vst v1  }
0x53: {  	s28 =	simm.s32 $0x0;
	v3 =	vimm.s32 $0x0;
	s29 =	simm.s32 $0x0  }
.LBB2_4:
0x54: {  	s0 =	sshll.u32 s29, $0xE  }
0x55: {  	s0 =	sadd.s32 s7, s0  }
0x56: {  	s0 =	sshrl.u32 s0, $0x3  }
0x57: {  	s30 =	sadd.s32 s1, s0  }
0x58: {  	[tilespmem:s14], [sflag:$0x3] =	stream.linear.gather [hbm4b:s30+s28], $0x2000, $0x38;
	[tilespmem:$0xE190] =	vst v63  }
0x59: {  	s0 =	sadd.s32 s2, s0  }
0x5a: {  	[tilespmem:s15], [sflag:$0x4] =	stream.linear.gather [hbm4b:s0+s28], $0x2000, $0x38;
	[tilespmem:$0xE190] =	vst v63  }
0x5b: {  	_ =	swait.ge [sflag:s16], $0x2000  }
0x5c: {  	[sflag:s16] =	ssyncset.done $0x0  }
0x5d: {  	[sflag:s16] =	ssyncadd.s32 $0xFFFFE000  }
0x5e: {  	_ =	swait.ge [sflag:s17], $0x2000  }
0x5f: {  	[sflag:s17] =	ssyncset.done $0x0  }
0x60: {  	s31 =	simm.s32 $0x0;
	s30 =	simm.s32 $0x0;
	[sflag:s17] =	ssyncadd.s32 $0xFFFFE000  }
.LBB2_5:
0x61: {  	s0 =	sand.u32 $0x1000, s31;
	s4 =	sand.u32 $0x380, s30  }
0x62: {  	s0 =	sor.u32 s4, s0  }
0x63: {  	v4 =	vld [tilespmem:s0+$0x0]  }
0x64: {  	v5 =	vld [tilespmem:s0+$0x2000]  }
0x65: {  	v7 =	vld [tilespmem:s0+$0x10]  }
0x66: {  	v9 =	vld [tilespmem:s0+$0x20]  }
0x67: {  	v12 =	vld [tilespmem:s0+$0x30]  }
0x68: {  	v15 =	vld [tilespmem:s0+$0x50]  }
0x69: {  	v56 =	vld [tilespmem:s0+$0x60]  }
0x6a: {  	v63 =	vld [tilespmem:s0+$0x70]  }
0x6b: {  	v28 =	vld [tilespmem:s0+$0x400]  }
0x6c: {  	v6 =	vmul.f32 $-5.120000000e+02, v4;
	v4 =	vld [tilespmem:s0+$0x2010]  }
0x6d: {  	v8 =	vshll.u32 v5, $0x1F;
	v11 =	vmul.f32 $-5.120000000e+02, v7;
	v7 =	vld [tilespmem:s0+$0x2030]  }
0x6e: {  	v9 =	vmul.f32 $-5.120000000e+02, v9;
	v8 =	vxor.u32 v6, v8  }
0x6f: {  	v48 =	vld [tilespmem:s0+$0x40];
	v50 =	vmul.f32 $-5.120000000e+02, v12;
	v59 =	vmul.f32 $-5.120000000e+02, v15;
	v8 =	vadd.f32 $3.584000000e+03, v8  }
0x70: {  	v45 =	vshll.u32 v5, $0xC;
	v25 =	vmul.f32 $-5.120000000e+02, v56;
	v15 =	vmul.f32 $-5.120000000e+02, v63;
	v6 =	vld [tilespmem:s0+$0x2020]  }
0x71: {  	v37 =	vmul.f32 $-5.120000000e+02, v28;
	v3 =	vadd.s32 v3, v5;
	v10 =	vmax.f32 v8, $0.0e+00  }
0x72: {  	v35 =	vld [tilespmem:s0+$0x410];
	v13 =	vshll.u32 v4, $0x1F;
	vm0 =	vlt.f32 v8, $4.096000000e+03;
	v14 =	vshll.u32 v7, $0x1F  }
0x73: {  	v52 =	vshll.u32 v4, $0xC;
	v61 =	vshll.u32 v7, $0xC;
	v3 =	vadd.s32 v4, v3  }
0x74: {  	v10 =	vmin.f32 v10, $4.095000000e+03;
	v11 =	vxor.u32 v11, v13;
	v13 =	vmul.f32 $-5.120000000e+02, v48  }
0x75: {  	v8 =	vld [tilespmem:s0+$0x2040];
	v10 =	vtrunc.f32 v10;
	v11 =	vadd.f32 $3.584000000e+03, v11;
	v44 =	vshll.u32 v6, $0x1F  }
0x76: {  	v54 =	vshll.u32 v6, $0xC;
	v3 =	vadd.s32 v6, v3;
	v10 =	vcvt.f32.s32 v10  }
0x77: {  	v9 =	vxor.u32 v9, v44;
	v44 =	vmul.f32 $-5.120000000e+02, v35;
	v3 =	vadd.s32 v7, v3  }
0x78: {  	v46 =	vmax.f32 v11, $0.0e+00;
	v47 =	vadd.f32 $3.584000000e+03, v9;
	vm1 =	vlt.f32 v11, $4.096000000e+03  }
0x79: {  	v11 =	vxor.u32 v50, v14;
	v20 =	vadd.s32 v10, v45;
	v49 =	vmin.f32 v46, $4.095000000e+03  }
0x7a: {  	v11 =	vadd.f32 $3.584000000e+03, v11;
	v58 =	vshll.u32 v8, $0x1F;
	v29 =	vshll.u32 v8, $0xC  }
0x7b: {  	v28 =	vld [tilespmem:s0+$0x430];
	v3 =	vadd.s32 v8, v3;
	v9 =	vtrunc.f32 v49;
	v51 =	vmax.f32 v47, $0.0e+00  }
0x7c: {  	v10 =	vld [tilespmem:s0+$0x2060];
	vm2 =	vlt.f32 v47, $4.096000000e+03;
	v13 =	vxor.u32 v13, v58;
	v16 =	vcvt.f32.s32 v9  }
0x7d: {  	v12 =	vmin.f32 v51, $4.095000000e+03;
	v55 =	vmax.f32 v11, $0.0e+00;
	v13 =	vadd.f32 $3.584000000e+03, v13  }
0x7e: {  	v9 =	vld [tilespmem:s0+$0x2050];
	vm7 =	vlt.f32 v11, $4.096000000e+03;
	v12 =	vtrunc.f32 v12;
	v57 =	vmin.f32 v55, $4.095000000e+03  }
0x7f: {  	v11 =	vld [tilespmem:s0+$0x2070];
	v21 =	vadd.s32 v16, v52;
	v53 =	vcvt.f32.s32 v12;
	v12 =	vtrunc.f32 v57  }
0x80: {  	v62 =	vmax.f32 v13, $0.0e+00;
	vm8 =	vlt.f32 v13, $4.096000000e+03;
	v52 =	vmul.f32 $-5.120000000e+02, v28  }
0x81: {  	v12 =	vcvt.f32.s32 v12;
	v24 =	vmin.f32 v62, $4.095000000e+03;
	v17 =	vshll.u32 v10, $0x1F  }
0x82: {  	v40 =	vshll.u32 v10, $0xC;
	v22 =	vadd.s32 v53, v54;
	v13 =	vxor.u32 v25, v17  }
0x83: {  	v60 =	vshll.u32 v9, $0x1F;
	v23 =	vadd.s32 v12, v61;
	v12 =	vtrunc.f32 v24  }
0x84: {  	v24 =	vadd.f32 $3.584000000e+03, v13;
	v31 =	vshll.u32 v9, $0xC;
	v34 =	vshll.u32 v11, $0x1F  }
0x85: {  	v53 =	vld [tilespmem:s0+$0x450];
	v3 =	vadd.s32 v9, v3;
	v14 =	vxor.u32 v59, v60;
	v18 =	vcvt.f32.s32 v12  }
0x86: {  	v13 =	vld [tilespmem:s0+$0x2410];
	v3 =	vadd.s32 v10, v3;
	v14 =	vadd.f32 $3.584000000e+03, v14;
	v32 =	vmax.f32 v24, $0.0e+00  }
0x87: {  	v12 =	vld [tilespmem:s0+$0x2400];
	vm10 =	vlt.f32 v24, $4.096000000e+03;
	v3 =	vadd.s32 v11, v3;
	v25 =	vadd.s32 v18, v29  }
0x88: {  	v33 =	vmin.f32 v32, $4.095000000e+03;
	v29 =	vshll.u32 v11, $0xC;
	v26 =	vmax.f32 v14, $0.0e+00  }
0x89: {  	vm9 =	vlt.f32 v14, $4.096000000e+03;
	v36 =	vtrunc.f32 v33;
	v14 =	vxor.u32 v15, v34  }
0x8a: {  	v16 =	vld [tilespmem:s0+$0x2440];
	v28 =	vmul.f32 $-5.120000000e+02, v53;
	v27 =	vmin.f32 v26, $4.095000000e+03;
	v38 =	vcvt.f32.s32 v36  }
0x8b: {  	v43 =	vld [tilespmem:s0+$0x420];
	v14 =	vadd.f32 $3.584000000e+03, v14;
	v56 =	vshll.u32 v13, $0xC;
	v19 =	vtrunc.f32 v27  }
0x8c: {  	v32 =	vld [tilespmem:s0+$0x440];
	v39 =	vshll.u32 v12, $0x1F;
	v27 =	vshll.u32 v13, $0x1F;
	v48 =	vshll.u32 v12, $0xC  }
0x8d: {  	v34 =	vld [tilespmem:s0+$0x460];
	v3 =	vadd.s32 v12, v3;
	v30 =	vcvt.f32.s32 v19;
	v15 =	vxor.u32 v37, v39  }
0x8e: {  	v59 =	vld [tilespmem:s0+$0x470];
	v24 =	vadd.s32 v38, v40;
	v41 =	vmax.f32 v14, $0.0e+00;
	vm11 =	vlt.f32 v14, $4.096000000e+03  }
0x8f: {  	v27 =	vxor.u32 v44, v27;
	v37 =	vshll.u32 v16, $0x1F;
	v3 =	vadd.s32 v13, v3  }
0x90: {  	v14 =	vld [tilespmem:s0+$0x2420];
	v18 =	vadd.f32 $3.584000000e+03, v15;
	v42 =	vmin.f32 v41, $4.095000000e+03;
	v27 =	vadd.f32 $3.584000000e+03, v27  }
0x91: {  	v32 =	vmul.f32 $-5.120000000e+02, v32;
	v41 =	vshll.u32 v16, $0xC;
	v45 =	vtrunc.f32 v42  }
0x92: {  	v26 =	vadd.s32 v30, v31;
	v31 =	vmul.f32 $-5.120000000e+02, v43;
	v39 =	vmul.f32 $-5.120000000e+02, v34  }
0x93: {  	v15 =	vld [tilespmem:s0+$0x2430];
	v43 =	vmul.f32 $-5.120000000e+02, v59;
	v46 =	vmax.f32 v18, $0.0e+00;
	v17 =	vcvt.f32.s32 v45  }
0x94: {  	vm3 =	vlt.f32 v18, $4.096000000e+03;
	v49 =	vmax.f32 v27, $0.0e+00;
	vm4 =	vlt.f32 v27, $4.096000000e+03  }
0x95: {  	v32 =	vxor.u32 v32, v37;
	v19 =	vmin.f32 v46, $4.095000000e+03;
	v51 =	vshll.u32 v14, $0x1F  }
0x96: {  	v50 =	vmin.f32 v49, $4.095000000e+03;
	v32 =	vadd.f32 $3.584000000e+03, v32;
	v18 =	vxor.u32 v31, v51  }
0x97: {  	v19 =	vtrunc.f32 v19;
	v29 =	vadd.s32 v17, v29;
	v33 =	vadd.f32 $3.584000000e+03, v18  }
0x98: {  	v17 =	vtrunc.f32 v50;
	v60 =	vshll.u32 v14, $0xC;
	v55 =	vshll.u32 v15, $0x1F  }
0x99: {  	v54 =	vcvt.f32.s32 v17;
	v17 =	vld [tilespmem:s0+$0x2450];
	v18 =	vxor.u32 v52, v55;
	v57 =	vmax.f32 v33, $0.0e+00  }
0x9a: {  	v47 =	vcvt.f32.s32 v19;
	v58 =	vadd.f32 $3.584000000e+03, v18;
	v18 =	vld [tilespmem:s0+$0x2460];
	v19 =	vmin.f32 v57, $4.095000000e+03  }
0x9b: {  	v3 =	vadd.s32 v14, v3;
	v62 =	vshll.u32 v15, $0xC;
	v35 =	vtrunc.f32 v19;
	v19 =	vld [tilespmem:s0+$0x2470]  }
0x9c: {  	v63 =	vmax.f32 v32, $0.0e+00;
	vm13 =	vlt.f32 v32, $4.096000000e+03;
	v3 =	vadd.s32 v15, v3;
	[tilespmem:v20+s18+$0x0] =	vst.idx.add.f32.msk vm0, v2  }
0x9d: {  	v37 =	vmin.f32 v63, $4.095000000e+03;
	v3 =	vadd.s32 v16, v3;
	v30 =	vadd.s32 v47, v48;
	[tilespmem:v21+s18+$0x0] =	vst.idx.add.f32.msk vm1, v2  }
0x9e: {  	v31 =	vadd.s32 v54, v56;
	vm5 =	vlt.f32 v33, $4.096000000e+03;
	v36 =	vmax.f32 v58, $0.0e+00;
	[tilespmem:v22+s18+$0x0] =	vst.idx.add.f32.msk vm2, v2  }
0x9f: {  	vm6 =	vlt.f32 v58, $4.096000000e+03;
	v36 =	vmin.f32 v36, $4.095000000e+03;
	v38 =	vshll.u32 v17, $0x1F;
	[tilespmem:v23+s18+$0x0] =	vst.idx.add.f32.msk vm7, v2  }
0xa0: {  	v20 =	vtrunc.f32 v37;
	v49 =	vshll.u32 v17, $0xC;
	v21 =	vxor.u32 v28, v38;
	[tilespmem:v25+s18+$0x0] =	vst.idx.add.f32.msk vm8, v2  }
0xa1: {  	v35 =	vcvt.f32.s32 v35;
	v36 =	vtrunc.f32 v36;
	v21 =	vadd.f32 $3.584000000e+03, v21;
	[tilespmem:v26+s18+$0x0] =	vst.idx.add.f32.msk vm9, v2  }
0xa2: {  	v3 =	vadd.s32 v17, v3;
	v20 =	vcvt.f32.s32 v20;
	v61 =	vcvt.f32.s32 v36;
	[tilespmem:v24+s18+$0x0] =	vst.idx.add.f32.msk vm10, v2  }
0xa3: {  	v40 =	vshll.u32 v18, $0x1F;
	v52 =	vshll.u32 v18, $0xC;
	v42 =	vmax.f32 v21, $0.0e+00;
	[tilespmem:v29+s18+$0x0] =	vst.idx.add.f32.msk vm11, v2  }
0xa4: {  	v22 =	vxor.u32 v39, v40;
	v32 =	vadd.s32 v20, v41;
	v20 =	vmin.f32 v42, $4.095000000e+03;
	v44 =	vld [tilespmem:s0+$0x800]  }
0xa5: {  	v22 =	vadd.f32 $3.584000000e+03, v22;
	v47 =	vshll.u32 v19, $0x1F;
	v45 =	vtrunc.f32 v20;
	v20 =	vld [tilespmem:s0+$0x2800]  }
0xa6: {  	v3 =	vadd.s32 v18, v3;
	vm14 =	vlt.f32 v21, $4.096000000e+03;
	v21 =	vxor.u32 v43, v47;
	v48 =	vld [tilespmem:s0+$0x810]  }
0xa7: {  	v35 =	vadd.s32 v35, v60;
	v46 =	vmax.f32 v22, $0.0e+00;
	v50 =	vadd.f32 $3.584000000e+03, v21;
	v21 =	vld [tilespmem:s0+$0x2810]  }
0xa8: {  	v36 =	vadd.s32 v61, v62;
	vm15 =	vlt.f32 v22, $4.096000000e+03;
	v25 =	vmin.f32 v46, $4.095000000e+03;
	v55 =	vld [tilespmem:s0+$0x820]  }
0xa9: {  	v24 =	vcvt.f32.s32 v45;
	v25 =	vtrunc.f32 v25;
	v22 =	vld [tilespmem:s0+$0x2820];
	v53 =	vmax.f32 v50, $0.0e+00  }
0xaa: {  	v62 =	vshll.u32 v19, $0xC;
	v63 =	vld [tilespmem:s0+$0x830];
	v51 =	vcvt.f32.s32 v25;
	v54 =	vmin.f32 v53, $4.095000000e+03  }
0xab: {  	v3 =	vadd.s32 v19, v3;
	v38 =	vld [tilespmem:s0+$0x840];
	v33 =	vadd.s32 v24, v49;
	v57 =	vtrunc.f32 v54  }
0xac: {  	vm12 =	vlt.f32 v50, $4.096000000e+03;
	v24 =	vld [tilespmem:s0+$0x2840];
	v34 =	vadd.s32 v51, v52;
	v59 =	vcvt.f32.s32 v57  }
0xad: {  	v49 =	vld [tilespmem:s0+$0x850];
	v23 =	vmul.f32 $-5.120000000e+02, v44;
	v56 =	vshll.u32 v20, $0x1F;
	v58 =	vmul.f32 $-5.120000000e+02, v48  }
0xae: {  	v61 =	vshll.u32 v21, $0x1F;
	v46 =	vmul.f32 $-5.120000000e+02, v55;
	v39 =	vshll.u32 v22, $0x1F  }
0xaf: {  	v50 =	vshll.u32 v20, $0xC;
	v53 =	vshll.u32 v21, $0xC;
	v43 =	vmul.f32 $-5.120000000e+02, v63  }
0xb0: {  	v38 =	vmul.f32 $-5.120000000e+02, v38;
	v3 =	vadd.s32 v20, v3;
	v37 =	vadd.s32 v59, v62  }
0xb1: {  	v59 =	vshll.u32 v22, $0xC;
	v3 =	vadd.s32 v21, v3;
	v23 =	vxor.u32 v23, v56  }
0xb2: {  	v27 =	vxor.u32 v46, v39;
	v39 =	vmul.f32 $-5.120000000e+02, v49;
	v46 =	vshll.u32 v24, $0xC  }
0xb3: {  	v3 =	vadd.s32 v22, v3;
	v60 =	vadd.f32 $3.584000000e+03, v23;
	v23 =	vxor.u32 v58, v61  }
0xb4: {  	v26 =	vld [tilespmem:s0+$0x2860];
	v42 =	vadd.f32 $3.584000000e+03, v27;
	v58 =	vshll.u32 v24, $0x1F;
	v45 =	vadd.f32 $3.584000000e+03, v23  }
0xb5: {  	v52 =	vld [tilespmem:s0+$0x860];
	v38 =	vxor.u32 v38, v58;
	v44 =	vmax.f32 v60, $0.0e+00;
	vm0 =	vlt.f32 v60, $4.096000000e+03  }
0xb6: {  	v23 =	vld [tilespmem:s0+$0x2830];
	v54 =	vmax.f32 v42, $0.0e+00;
	v38 =	vadd.f32 $3.584000000e+03, v38;
	v25 =	vmin.f32 v44, $4.095000000e+03  }
0xb7: {  	v27 =	vld [tilespmem:s0+$0x2870];
	v47 =	vmax.f32 v45, $0.0e+00;
	vm1 =	vlt.f32 v45, $4.096000000e+03;
	v55 =	vmin.f32 v54, $4.095000000e+03  }
0xb8: {  	v44 =	vld [tilespmem:s0+$0x870];
	v25 =	vtrunc.f32 v25;
	v48 =	vmin.f32 v47, $4.095000000e+03;
	v45 =	vtrunc.f32 v55  }
0xb9: {  	vm2 =	vlt.f32 v42, $4.096000000e+03;
	v40 =	vcvt.f32.s32 v25;
	v41 =	vtrunc.f32 v48;
	v25 =	vld [tilespmem:s0+$0x2850]  }
0xba: {  	v62 =	vmax.f32 v38, $0.0e+00;
	v57 =	vcvt.f32.s32 v45;
	[tilespmem:v30+s18+$0x0] =	vst.idx.add.f32.msk vm3, v2;
	v48 =	vmul.f32 $-5.120000000e+02, v52  }
0xbb: {  	v51 =	vcvt.f32.s32 v41;
	v56 =	vshll.u32 v23, $0x1F;
	[tilespmem:v31+s18+$0x0] =	vst.idx.add.f32.msk vm4, v2;
	vm4 =	vlt.f32 v38, $4.096000000e+03  }
0xbc: {  	v3 =	vadd.s32 v23, v3;
	v28 =	vadd.s32 v40, v50;
	v41 =	vxor.u32 v43, v56  }
0xbd: {  	v30 =	vadd.s32 v57, v59;
	[tilespmem:v35+s18+$0x0] =	vst.idx.add.f32.msk vm5, v2;
	v35 =	vmin.f32 v62, $4.095000000e+03;
	v43 =	vshll.u32 v23, $0xC  }
0xbe: {  	v50 =	vshll.u32 v26, $0x1F;
	v3 =	vadd.s32 v24, v3;
	v41 =	vadd.f32 $3.584000000e+03, v41  }
0xbf: {  	v29 =	vadd.s32 v51, v53;
	[tilespmem:v36+s18+$0x0] =	vst.idx.add.f32.msk vm6, v2;
	v35 =	vtrunc.f32 v35;
	v52 =	vmul.f32 $-5.120000000e+02, v44  }
0xc0: {  	v53 =	vshll.u32 v27, $0x1F;
	[tilespmem:v32+s18+$0x0] =	vst.idx.add.f32.msk vm13, v2;
	v45 =	vcvt.f32.s32 v35;
	v60 =	vmax.f32 v41, $0.0e+00  }
0xc1: {  	vm3 =	vlt.f32 v41, $4.096000000e+03;
	v63 =	vshll.u32 v25, $0x1F;
	[tilespmem:v33+s18+$0x0] =	vst.idx.add.f32.msk vm14, v2;
	v35 =	vxor.u32 v52, v53  }
0xc2: {  	v54 =	vshll.u32 v25, $0xC;
	v3 =	vadd.s32 v25, v3;
	v42 =	vxor.u32 v39, v63;
	[tilespmem:v34+s18+$0x0] =	vst.idx.add.f32.msk vm15, v2  }
0xc3: {  	v61 =	vmin.f32 v60, $4.095000000e+03;
	v33 =	vadd.s32 v45, v46;
	v34 =	vxor.u32 v48, v50;
	[tilespmem:v37+s18+$0x0] =	vst.idx.add.f32.msk vm12, v2  }
0xc4: {  	v39 =	vadd.f32 $3.584000000e+03, v35;
	v63 =	vshll.u32 v26, $0xC;
	v46 =	vshll.u32 v27, $0xC;
	v37 =	vld [tilespmem:s0+$0xC00]  }
0xc5: {  	v3 =	vadd.s32 v26, v3;
	v31 =	vtrunc.f32 v61;
	v36 =	vadd.f32 $3.584000000e+03, v42;
	v57 =	vld [tilespmem:s0+$0xC10]  }
0xc6: {  	v34 =	vadd.f32 $3.584000000e+03, v34;
	v3 =	vadd.s32 v27, v3;
	v31 =	vcvt.f32.s32 v31;
	v62 =	vld [tilespmem:s0+$0xC20]  }
0xc7: {  	v60 =	vmax.f32 v39, $0.0e+00;
	v35 =	vld [tilespmem:s0+$0x2C20];
	vm7 =	vlt.f32 v39, $4.096000000e+03;
	v47 =	vmax.f32 v36, $0.0e+00  }
0xc8: {  	v48 =	vld [tilespmem:s0+$0xC30];
	v55 =	vmax.f32 v34, $0.0e+00;
	vm6 =	vlt.f32 v34, $4.096000000e+03;
	v40 =	vmin.f32 v60, $4.095000000e+03  }
0xc9: {  	v34 =	vld [tilespmem:s0+$0x2C10];
	v32 =	vadd.s32 v31, v43;
	v49 =	vmin.f32 v47, $4.095000000e+03;
	v40 =	vtrunc.f32 v40  }
0xca: {  	v31 =	vld [tilespmem:s0+$0x2C00];
	v56 =	vmin.f32 v55, $4.095000000e+03;
	v51 =	vtrunc.f32 v49;
	v45 =	vcvt.f32.s32 v40  }
0xcb: {  	vm5 =	vlt.f32 v36, $4.096000000e+03;
	v59 =	vtrunc.f32 v56;
	v38 =	vcvt.f32.s32 v51  }
0xcc: {  	v58 =	vmul.f32 $-5.120000000e+02, v37;
	v37 =	vcvt.f32.s32 v59;
	v39 =	vadd.s32 v45, v46  }
0xcd: {  	v56 =	vld [tilespmem:s0+$0xC40];
	v42 =	vmul.f32 $-5.120000000e+02, v62;
	v50 =	vshll.u32 v35, $0x1F;
	v40 =	vmul.f32 $-5.120000000e+02, v48  }
0xce: {  	v59 =	vshll.u32 v35, $0xC;
	v36 =	vadd.s32 v38, v54;
	v38 =	vmul.f32 $-5.120000000e+02, v57  }
0xcf: {  	v45 =	vld [tilespmem:s0+$0x2C30];
	v49 =	vshll.u32 v34, $0x1F;
	v46 =	vshll.u32 v34, $0xC;
	v61 =	vshll.u32 v31, $0x1F  }
0xd0: {  	v37 =	vadd.s32 v37, v63;
	v51 =	vshll.u32 v31, $0xC;
	v42 =	vxor.u32 v42, v50  }
0xd1: {  	v5 =	vld [tilespmem:s0+$0x2C50];
	v3 =	vadd.s32 v31, v3;
	v41 =	vxor.u32 v58, v61;
	v42 =	vadd.f32 $3.584000000e+03, v42  }
0xd2: {  	v38 =	vxor.u32 v38, v49;
	v61 =	vmul.f32 $-5.120000000e+02, v56;
	v3 =	vadd.s32 v34, v3  }
0xd3: {  	v50 =	vld [tilespmem:s0+$0x2C60];
	v41 =	vadd.f32 $3.584000000e+03, v41;
	v38 =	vadd.f32 $3.584000000e+03, v38;
	v54 =	vmax.f32 v42, $0.0e+00  }
0xd4: {  	v55 =	vshll.u32 v45, $0x1F;
	vm10 =	vlt.f32 v42, $4.096000000e+03;
	v62 =	vshll.u32 v45, $0xC  }
0xd5: {  	v58 =	vld [tilespmem:s0+$0xC50];
	v47 =	vmax.f32 v41, $0.0e+00;
	vm8 =	vlt.f32 v41, $4.096000000e+03;
	v52 =	vmax.f32 v38, $0.0e+00  }
0xd6: {  	vm9 =	vlt.f32 v38, $4.096000000e+03;
	v40 =	vxor.u32 v40, v55;
	v55 =	vshll.u32 v5, $0xC  }
0xd7: {  	v43 =	vmin.f32 v47, $4.095000000e+03;
	v53 =	vmin.f32 v52, $4.095000000e+03;
	v40 =	vadd.f32 $3.584000000e+03, v40;
	v47 =	vld [tilespmem:s0+$0x2C40]  }
0xd8: {  	v52 =	vld [tilespmem:s0+$0xC70];
	v56 =	vshll.u32 v50, $0x1F;
	v43 =	vtrunc.f32 v43;
	v38 =	vtrunc.f32 v53  }
0xd9: {  	v43 =	vcvt.f32.s32 v43;
	v38 =	vcvt.f32.s32 v38;
	v48 =	vmax.f32 v40, $0.0e+00  }
0xda: {  	vm11 =	vlt.f32 v40, $4.096000000e+03;
	v40 =	vmul.f32 $-5.120000000e+02, v58;
	v60 =	vmin.f32 v48, $4.095000000e+03  }
0xdb: {  	v48 =	vld [tilespmem:s0+$0xC60];
	v41 =	vadd.s32 v43, v51;
	v43 =	vmin.f32 v54, $4.095000000e+03;
	v4 =	vtrunc.f32 v60  }
0xdc: {  	v53 =	vld [tilespmem:s0+$0x2C70];
	v38 =	vadd.s32 v38, v46;
	v43 =	vtrunc.f32 v43;
	v4 =	vcvt.f32.s32 v4  }
0xdd: {  	v63 =	vshll.u32 v47, $0x1F;
	v54 =	vshll.u32 v47, $0xC;
	v11 =	vmul.f32 $-5.120000000e+02, v52  }
0xde: {  	v57 =	vcvt.f32.s32 v43;
	v6 =	vxor.u32 v61, v63;
	v43 =	vshll.u32 v5, $0x1F  }
0xdf: {  	v6 =	vadd.f32 $3.584000000e+03, v6;
	v4 =	vadd.s32 v4, v62;
	v44 =	vxor.u32 v40, v43  }
0xe0: {  	v42 =	vadd.s32 v57, v59;
	v7 =	vadd.f32 $3.584000000e+03, v44;
	v9 =	vmul.f32 $-5.120000000e+02, v48  }
0xe1: {  	[tilespmem:v28+s18+$0x0] =	vst.idx.add.f32.msk vm0, v2;
	v57 =	vshll.u32 v53, $0x1F;
	v46 =	vmax.f32 v6, $0.0e+00;
	vm12 =	vlt.f32 v6, $4.096000000e+03  }
0xe2: {  	[tilespmem:v29+s18+$0x0] =	vst.idx.add.f32.msk vm1, v2;
	v58 =	vxor.u32 v11, v57;
	v49 =	vmin.f32 v46, $4.095000000e+03;
	v9 =	vxor.u32 v9, v56  }
0xe3: {  	[tilespmem:v30+s18+$0x0] =	vst.idx.add.f32.msk vm2, v2;
	v51 =	vmax.f32 v7, $0.0e+00;
	vm13 =	vlt.f32 v7, $4.096000000e+03;
	v9 =	vadd.f32 $3.584000000e+03, v9  }
0xe4: {  	[tilespmem:v32+s18+$0x0] =	vst.idx.add.f32.msk vm3, v2;
	v7 =	vadd.f32 $3.584000000e+03, v58;
	v6 =	vtrunc.f32 v49;
	v10 =	vmin.f32 v51, $4.095000000e+03  }
0xe5: {  	[tilespmem:v33+s18+$0x0] =	vst.idx.add.f32.msk vm4, v2;
	v6 =	vcvt.f32.s32 v6;
	v10 =	vtrunc.f32 v10;
	v59 =	vmax.f32 v9, $0.0e+00  }
0xe6: {  	[tilespmem:v36+s18+$0x0] =	vst.idx.add.f32.msk vm5, v2;
	v61 =	vmax.f32 v7, $0.0e+00;
	v10 =	vcvt.f32.s32 v10;
	v60 =	vmin.f32 v59, $4.095000000e+03  }
0xe7: {  	[tilespmem:v37+s18+$0x0] =	vst.idx.add.f32.msk vm6, v2;
	vm14 =	vlt.f32 v9, $4.096000000e+03;
	v11 =	vmin.f32 v61, $4.095000000e+03;
	v9 =	vtrunc.f32 v60  }
0xe8: {  	[tilespmem:v39+s18+$0x0] =	vst.idx.add.f32.msk vm7, v2;
	v6 =	vadd.s32 v6, v54;
	v11 =	vtrunc.f32 v11;
	v9 =	vcvt.f32.s32 v9  }
0xe9: {  	v62 =	vshll.u32 v50, $0xC;
	[tilespmem:v41+s18+$0x0] =	vst.idx.add.f32.msk vm8, v2;
	v10 =	vadd.s32 v10, v55;
	v11 =	vcvt.f32.s32 v11  }
0xea: {  	v63 =	vshll.u32 v53, $0xC;
	vm15 =	vlt.f32 v7, $4.096000000e+03;
	[tilespmem:v38+s18+$0x0] =	vst.idx.add.f32.msk vm9, v2;
	v9 =	vadd.s32 v9, v62  }
0xeb: {  	p1 =	sne.s32 s31, $0x1E00;
	v3 =	vadd.s32 v35, v3;
	[tilespmem:v42+s18+$0x0] =	vst.idx.add.f32.msk vm10, v2;
	v7 =	vadd.s32 v11, v63  }
.Ltmp3:
0xec: {  	v3 =	vadd.s32 v45, v3;
	[tilespmem:v4+s18+$0x0] =	vst.idx.add.f32.msk vm11, v2;
	(pc) =	sbr.rel @p1 .LBB2_5-.Ltmp3, $4  }
0xed: {  	v3 =	vadd.s32 v47, v3;
	[tilespmem:v6+s18+$0x0] =	vst.idx.add.f32.msk vm12, v2  }
0xee: {  	v3 =	vadd.s32 v5, v3;
	[tilespmem:v10+s18+$0x0] =	vst.idx.add.f32.msk vm13, v2  }
0xef: {  	v3 =	vadd.s32 v50, v3;
	[tilespmem:v9+s18+$0x0] =	vst.idx.add.f32.msk vm14, v2  }
0xf0: {  	s30 =	sadd.s32 $0x80, s30;
	s31 =	sadd.s32 $0x200, s31;
	v3 =	vadd.s32 v53, v3;
	[tilespmem:v7+s18+$0x0] =	vst.idx.add.f32.msk vm15, v2  }
0xf1: {  	s0 =	sshll.u32 s29, $0x1  }
0xf2: {  	s0 =	smin.u32 s0, $0xD  }
0xf3: {  	s0 =	sshll.u32 s0, $0xD  }
0xf4: {  	s0 =	sadd.s32 s0, s8  }
0xf5: {  	s0 =	sshrl.u32 s0, $0x3  }
0xf6: {  	s30 =	simm.s32 $0x0;
	s4 =	sadd.s32 s1, s0  }
0xf7: {  	[tilespmem:s30], [sflag:$0x1] =	stream.linear.gather [hbm4b:s4+s30], $0x2000, $0x38;
	[tilespmem:$0xE190] =	vst v63  }
0xf8: {  	s0 =	sadd.s32 s2, s0  }
0xf9: {  	[tilespmem:s13], [sflag:$0x2] =	stream.linear.gather [hbm4b:s0+s30], $0x2000, $0x38;
	[tilespmem:$0xE190] =	vst v63  }
0xfa: {  	_ =	swait.ge [sflag:s19], $0x2000  }
0xfb: {  	[sflag:s19] =	ssyncset.done $0x0  }
0xfc: {  	[sflag:s19] =	ssyncadd.s32 $0xFFFFE000  }
0xfd: {  	_ =	swait.ge [sflag:s20], $0x2000  }
0xfe: {  	[sflag:s20] =	ssyncset.done $0x0  }
0xff: {  	s31 =	simm.s32 $0x0;
	[sflag:s20] =	ssyncadd.s32 $0xFFFFE000  }
.LBB2_7:
0x100: {  	s0 =	sand.u32 $0x1000, s31;
	s4 =	sand.u32 $0x380, s30  }
0x101: {  	s0 =	sor.u32 s4, s0  }
0x102: {  	v4 =	vld [tilespmem:s0+$0x4000]  }
0x103: {  	v5 =	vld [tilespmem:s0+$0x6000]  }
0x104: {  	v7 =	vld [tilespmem:s0+$0x4010]  }
0x105: {  	v9 =	vld [tilespmem:s0+$0x4020]  }
0x106: {  	v12 =	vld [tilespmem:s0+$0x4030]  }
0x107: {  	v15 =	vld [tilespmem:s0+$0x4050]  }
0x108: {  	v56 =	vld [tilespmem:s0+$0x4060]  }
0x109: {  	v63 =	vld [tilespmem:s0+$0x4070]  }
0x10a: {  	v28 =	vld [tilespmem:s0+$0x4400]  }
0x10b: {  	v6 =	vmul.f32 $-5.120000000e+02, v4;
	v4 =	vld [tilespmem:s0+$0x6010]  }
0x10c: {  	v8 =	vshll.u32 v5, $0x1F;
	v11 =	vmul.f32 $-5.120000000e+02, v7;
	v7 =	vld [tilespmem:s0+$0x6030]  }
0x10d: {  	v9 =	vmul.f32 $-5.120000000e+02, v9;
	v8 =	vxor.u32 v6, v8  }
0x10e: {  	v48 =	vld [tilespmem:s0+$0x4040];
	v50 =	vmul.f32 $-5.120000000e+02, v12;
	v59 =	vmul.f32 $-5.120000000e+02, v15;
	v8 =	vadd.f32 $3.584000000e+03, v8  }
0x10f: {  	v45 =	vshll.u32 v5, $0xC;
	v25 =	vmul.f32 $-5.120000000e+02, v56;
	v15 =	vmul.f32 $-5.120000000e+02, v63;
	v6 =	vld [tilespmem:s0+$0x6020]  }
0x110: {  	v37 =	vmul.f32 $-5.120000000e+02, v28;
	v3 =	vadd.s32 v3, v5;
	v10 =	vmax.f32 v8, $0.0e+00  }
0x111: {  	v35 =	vld [tilespmem:s0+$0x4410];
	v13 =	vshll.u32 v4, $0x1F;
	vm0 =	vlt.f32 v8, $4.096000000e+03;
	v14 =	vshll.u32 v7, $0x1F  }
0x112: {  	v52 =	vshll.u32 v4, $0xC;
	v61 =	vshll.u32 v7, $0xC;
	v3 =	vadd.s32 v4, v3  }
0x113: {  	v10 =	vmin.f32 v10, $4.095000000e+03;
	v11 =	vxor.u32 v11, v13;
	v13 =	vmul.f32 $-5.120000000e+02, v48  }
0x114: {  	v8 =	vld [tilespmem:s0+$0x6040];
	v10 =	vtrunc.f32 v10;
	v11 =	vadd.f32 $3.584000000e+03, v11;
	v44 =	vshll.u32 v6, $0x1F  }
0x115: {  	v54 =	vshll.u32 v6, $0xC;
	v3 =	vadd.s32 v6, v3;
	v10 =	vcvt.f32.s32 v10  }
0x116: {  	v9 =	vxor.u32 v9, v44;
	v44 =	vmul.f32 $-5.120000000e+02, v35;
	v3 =	vadd.s32 v7, v3  }
0x117: {  	v46 =	vmax.f32 v11, $0.0e+00;
	v47 =	vadd.f32 $3.584000000e+03, v9;
	vm1 =	vlt.f32 v11, $4.096000000e+03  }
0x118: {  	v11 =	vxor.u32 v50, v14;
	v20 =	vadd.s32 v10, v45;
	v49 =	vmin.f32 v46, $4.095000000e+03  }
0x119: {  	v11 =	vadd.f32 $3.584000000e+03, v11;
	v58 =	vshll.u32 v8, $0x1F;
	v29 =	vshll.u32 v8, $0xC  }
0x11a: {  	v28 =	vld [tilespmem:s0+$0x4430];
	v3 =	vadd.s32 v8, v3;
	v9 =	vtrunc.f32 v49;
	v51 =	vmax.f32 v47, $0.0e+00  }
0x11b: {  	v10 =	vld [tilespmem:s0+$0x6060];
	vm2 =	vlt.f32 v47, $4.096000000e+03;
	v13 =	vxor.u32 v13, v58;
	v16 =	vcvt.f32.s32 v9  }
0x11c: {  	v12 =	vmin.f32 v51, $4.095000000e+03;
	v55 =	vmax.f32 v11, $0.0e+00;
	v13 =	vadd.f32 $3.584000000e+03, v13  }
0x11d: {  	v9 =	vld [tilespmem:s0+$0x6050];
	vm7 =	vlt.f32 v11, $4.096000000e+03;
	v12 =	vtrunc.f32 v12;
	v57 =	vmin.f32 v55, $4.095000000e+03  }
0x11e: {  	v11 =	vld [tilespmem:s0+$0x6070];
	v21 =	vadd.s32 v16, v52;
	v53 =	vcvt.f32.s32 v12;
	v12 =	vtrunc.f32 v57  }
0x11f: {  	v62 =	vmax.f32 v13, $0.0e+00;
	vm8 =	vlt.f32 v13, $4.096000000e+03;
	v52 =	vmul.f32 $-5.120000000e+02, v28  }
0x120: {  	v12 =	vcvt.f32.s32 v12;
	v24 =	vmin.f32 v62, $4.095000000e+03;
	v17 =	vshll.u32 v10, $0x1F  }
0x121: {  	v40 =	vshll.u32 v10, $0xC;
	v22 =	vadd.s32 v53, v54;
	v13 =	vxor.u32 v25, v17  }
0x122: {  	v60 =	vshll.u32 v9, $0x1F;
	v23 =	vadd.s32 v12, v61;
	v12 =	vtrunc.f32 v24  }
0x123: {  	v24 =	vadd.f32 $3.584000000e+03, v13;
	v31 =	vshll.u32 v9, $0xC;
	v34 =	vshll.u32 v11, $0x1F  }
0x124: {  	v53 =	vld [tilespmem:s0+$0x4450];
	v3 =	vadd.s32 v9, v3;
	v14 =	vxor.u32 v59, v60;
	v18 =	vcvt.f32.s32 v12  }
0x125: {  	v13 =	vld [tilespmem:s0+$0x6410];
	v3 =	vadd.s32 v10, v3;
	v14 =	vadd.f32 $3.584000000e+03, v14;
	v32 =	vmax.f32 v24, $0.0e+00  }
0x126: {  	v12 =	vld [tilespmem:s0+$0x6400];
	vm10 =	vlt.f32 v24, $4.096000000e+03;
	v3 =	vadd.s32 v11, v3;
	v25 =	vadd.s32 v18, v29  }
0x127: {  	v33 =	vmin.f32 v32, $4.095000000e+03;
	v29 =	vshll.u32 v11, $0xC;
	v26 =	vmax.f32 v14, $0.0e+00  }
0x128: {  	vm9 =	vlt.f32 v14, $4.096000000e+03;
	v36 =	vtrunc.f32 v33;
	v14 =	vxor.u32 v15, v34  }
0x129: {  	v16 =	vld [tilespmem:s0+$0x6440];
	v28 =	vmul.f32 $-5.120000000e+02, v53;
	v27 =	vmin.f32 v26, $4.095000000e+03;
	v38 =	vcvt.f32.s32 v36  }
0x12a: {  	v43 =	vld [tilespmem:s0+$0x4420];
	v14 =	vadd.f32 $3.584000000e+03, v14;
	v56 =	vshll.u32 v13, $0xC;
	v19 =	vtrunc.f32 v27  }
0x12b: {  	v32 =	vld [tilespmem:s0+$0x4440];
	v39 =	vshll.u32 v12, $0x1F;
	v27 =	vshll.u32 v13, $0x1F;
	v48 =	vshll.u32 v12, $0xC  }
0x12c: {  	v34 =	vld [tilespmem:s0+$0x4460];
	v3 =	vadd.s32 v12, v3;
	v30 =	vcvt.f32.s32 v19;
	v15 =	vxor.u32 v37, v39  }
0x12d: {  	v59 =	vld [tilespmem:s0+$0x4470];
	v24 =	vadd.s32 v38, v40;
	v41 =	vmax.f32 v14, $0.0e+00;
	vm11 =	vlt.f32 v14, $4.096000000e+03  }
0x12e: {  	v27 =	vxor.u32 v44, v27;
	v37 =	vshll.u32 v16, $0x1F;
	v3 =	vadd.s32 v13, v3  }
0x12f: {  	v14 =	vld [tilespmem:s0+$0x6420];
	v18 =	vadd.f32 $3.584000000e+03, v15;
	v42 =	vmin.f32 v41, $4.095000000e+03;
	v27 =	vadd.f32 $3.584000000e+03, v27  }
0x130: {  	v32 =	vmul.f32 $-5.120000000e+02, v32;
	v41 =	vshll.u32 v16, $0xC;
	v45 =	vtrunc.f32 v42  }
0x131: {  	v26 =	vadd.s32 v30, v31;
	v31 =	vmul.f32 $-5.120000000e+02, v43;
	v39 =	vmul.f32 $-5.120000000e+02, v34  }
0x132: {  	v15 =	vld [tilespmem:s0+$0x6430];
	v43 =	vmul.f32 $-5.120000000e+02, v59;
	v46 =	vmax.f32 v18, $0.0e+00;
	v17 =	vcvt.f32.s32 v45  }
0x133: {  	vm3 =	vlt.f32 v18, $4.096000000e+03;
	v49 =	vmax.f32 v27, $0.0e+00;
	vm4 =	vlt.f32 v27, $4.096000000e+03  }
0x134: {  	v32 =	vxor.u32 v32, v37;
	v19 =	vmin.f32 v46, $4.095000000e+03;
	v51 =	vshll.u32 v14, $0x1F  }
0x135: {  	v50 =	vmin.f32 v49, $4.095000000e+03;
	v32 =	vadd.f32 $3.584000000e+03, v32;
	v18 =	vxor.u32 v31, v51  }
0x136: {  	v19 =	vtrunc.f32 v19;
	v29 =	vadd.s32 v17, v29;
	v33 =	vadd.f32 $3.584000000e+03, v18  }
0x137: {  	v17 =	vtrunc.f32 v50;
	v60 =	vshll.u32 v14, $0xC;
	v55 =	vshll.u32 v15, $0x1F  }
0x138: {  	v54 =	vcvt.f32.s32 v17;
	v17 =	vld [tilespmem:s0+$0x6450];
	v18 =	vxor.u32 v52, v55;
	v57 =	vmax.f32 v33, $0.0e+00  }
0x139: {  	v47 =	vcvt.f32.s32 v19;
	v58 =	vadd.f32 $3.584000000e+03, v18;
	v18 =	vld [tilespmem:s0+$0x6460];
	v19 =	vmin.f32 v57, $4.095000000e+03  }
0x13a: {  	v3 =	vadd.s32 v14, v3;
	v62 =	vshll.u32 v15, $0xC;
	v35 =	vtrunc.f32 v19;
	v19 =	vld [tilespmem:s0+$0x6470]  }
0x13b: {  	v63 =	vmax.f32 v32, $0.0e+00;
	vm13 =	vlt.f32 v32, $4.096000000e+03;
	v3 =	vadd.s32 v15, v3;
	[tilespmem:v20+s18+$0x0] =	vst.idx.add.f32.msk vm0, v2  }
0x13c: {  	v37 =	vmin.f32 v63, $4.095000000e+03;
	v3 =	vadd.s32 v16, v3;
	v30 =	vadd.s32 v47, v48;
	[tilespmem:v21+s18+$0x0] =	vst.idx.add.f32.msk vm1, v2  }
0x13d: {  	v31 =	vadd.s32 v54, v56;
	vm5 =	vlt.f32 v33, $4.096000000e+03;
	v36 =	vmax.f32 v58, $0.0e+00;
	[tilespmem:v22+s18+$0x0] =	vst.idx.add.f32.msk vm2, v2  }
0x13e: {  	vm6 =	vlt.f32 v58, $4.096000000e+03;
	v36 =	vmin.f32 v36, $4.095000000e+03;
	v38 =	vshll.u32 v17, $0x1F;
	[tilespmem:v23+s18+$0x0] =	vst.idx.add.f32.msk vm7, v2  }
0x13f: {  	v20 =	vtrunc.f32 v37;
	v49 =	vshll.u32 v17, $0xC;
	v21 =	vxor.u32 v28, v38;
	[tilespmem:v25+s18+$0x0] =	vst.idx.add.f32.msk vm8, v2  }
0x140: {  	v35 =	vcvt.f32.s32 v35;
	v36 =	vtrunc.f32 v36;
	v21 =	vadd.f32 $3.584000000e+03, v21;
	[tilespmem:v26+s18+$0x0] =	vst.idx.add.f32.msk vm9, v2  }
0x141: {  	v3 =	vadd.s32 v17, v3;
	v20 =	vcvt.f32.s32 v20;
	v61 =	vcvt.f32.s32 v36;
	[tilespmem:v24+s18+$0x0] =	vst.idx.add.f32.msk vm10, v2  }
0x142: {  	v40 =	vshll.u32 v18, $0x1F;
	v52 =	vshll.u32 v18, $0xC;
	v42 =	vmax.f32 v21, $0.0e+00;
	[tilespmem:v29+s18+$0x0] =	vst.idx.add.f32.msk vm11, v2  }
0x143: {  	v22 =	vxor.u32 v39, v40;
	v32 =	vadd.s32 v20, v41;
	v20 =	vmin.f32 v42, $4.095000000e+03;
	v44 =	vld [tilespmem:s0+$0x4800]  }
0x144: {  	v22 =	vadd.f32 $3.584000000e+03, v22;
	v47 =	vshll.u32 v19, $0x1F;
	v45 =	vtrunc.f32 v20;
	v20 =	vld [tilespmem:s0+$0x6800]  }
0x145: {  	v3 =	vadd.s32 v18, v3;
	vm14 =	vlt.f32 v21, $4.096000000e+03;
	v21 =	vxor.u32 v43, v47;
	v48 =	vld [tilespmem:s0+$0x4810]  }
0x146: {  	v35 =	vadd.s32 v35, v60;
	v46 =	vmax.f32 v22, $0.0e+00;
	v50 =	vadd.f32 $3.584000000e+03, v21;
	v21 =	vld [tilespmem:s0+$0x6810]  }
0x147: {  	v36 =	vadd.s32 v61, v62;
	vm15 =	vlt.f32 v22, $4.096000000e+03;
	v25 =	vmin.f32 v46, $4.095000000e+03;
	v55 =	vld [tilespmem:s0+$0x4820]  }
0x148: {  	v24 =	vcvt.f32.s32 v45;
	v25 =	vtrunc.f32 v25;
	v22 =	vld [tilespmem:s0+$0x6820];
	v53 =	vmax.f32 v50, $0.0e+00  }
0x149: {  	v62 =	vshll.u32 v19, $0xC;
	v63 =	vld [tilespmem:s0+$0x4830];
	v51 =	vcvt.f32.s32 v25;
	v54 =	vmin.f32 v53, $4.095000000e+03  }
0x14a: {  	v3 =	vadd.s32 v19, v3;
	v38 =	vld [tilespmem:s0+$0x4840];
	v33 =	vadd.s32 v24, v49;
	v57 =	vtrunc.f32 v54  }
0x14b: {  	vm12 =	vlt.f32 v50, $4.096000000e+03;
	v24 =	vld [tilespmem:s0+$0x6840];
	v34 =	vadd.s32 v51, v52;
	v59 =	vcvt.f32.s32 v57  }
0x14c: {  	v49 =	vld [tilespmem:s0+$0x4850];
	v23 =	vmul.f32 $-5.120000000e+02, v44;
	v56 =	vshll.u32 v20, $0x1F;
	v58 =	vmul.f32 $-5.120000000e+02, v48  }
0x14d: {  	v61 =	vshll.u32 v21, $0x1F;
	v46 =	vmul.f32 $-5.120000000e+02, v55;
	v39 =	vshll.u32 v22, $0x1F  }
0x14e: {  	v50 =	vshll.u32 v20, $0xC;
	v53 =	vshll.u32 v21, $0xC;
	v43 =	vmul.f32 $-5.120000000e+02, v63  }
0x14f: {  	v38 =	vmul.f32 $-5.120000000e+02, v38;
	v3 =	vadd.s32 v20, v3;
	v37 =	vadd.s32 v59, v62  }
0x150: {  	v59 =	vshll.u32 v22, $0xC;
	v3 =	vadd.s32 v21, v3;
	v23 =	vxor.u32 v23, v56  }
0x151: {  	v27 =	vxor.u32 v46, v39;
	v39 =	vmul.f32 $-5.120000000e+02, v49;
	v46 =	vshll.u32 v24, $0xC  }
0x152: {  	v3 =	vadd.s32 v22, v3;
	v60 =	vadd.f32 $3.584000000e+03, v23;
	v23 =	vxor.u32 v58, v61  }
0x153: {  	v26 =	vld [tilespmem:s0+$0x6860];
	v42 =	vadd.f32 $3.584000000e+03, v27;
	v58 =	vshll.u32 v24, $0x1F;
	v45 =	vadd.f32 $3.584000000e+03, v23  }
0x154: {  	v52 =	vld [tilespmem:s0+$0x4860];
	v38 =	vxor.u32 v38, v58;
	v44 =	vmax.f32 v60, $0.0e+00;
	vm0 =	vlt.f32 v60, $4.096000000e+03  }
0x155: {  	v23 =	vld [tilespmem:s0+$0x6830];
	v54 =	vmax.f32 v42, $0.0e+00;
	v38 =	vadd.f32 $3.584000000e+03, v38;
	v25 =	vmin.f32 v44, $4.095000000e+03  }
0x156: {  	v27 =	vld [tilespmem:s0+$0x6870];
	v47 =	vmax.f32 v45, $0.0e+00;
	vm1 =	vlt.f32 v45, $4.096000000e+03;
	v55 =	vmin.f32 v54, $4.095000000e+03  }
0x157: {  	v44 =	vld [tilespmem:s0+$0x4870];
	v25 =	vtrunc.f32 v25;
	v48 =	vmin.f32 v47, $4.095000000e+03;
	v45 =	vtrunc.f32 v55  }
0x158: {  	vm2 =	vlt.f32 v42, $4.096000000e+03;
	v40 =	vcvt.f32.s32 v25;
	v41 =	vtrunc.f32 v48;
	v25 =	vld [tilespmem:s0+$0x6850]  }
0x159: {  	v62 =	vmax.f32 v38, $0.0e+00;
	v57 =	vcvt.f32.s32 v45;
	[tilespmem:v30+s18+$0x0] =	vst.idx.add.f32.msk vm3, v2;
	v48 =	vmul.f32 $-5.120000000e+02, v52  }
0x15a: {  	v51 =	vcvt.f32.s32 v41;
	v56 =	vshll.u32 v23, $0x1F;
	[tilespmem:v31+s18+$0x0] =	vst.idx.add.f32.msk vm4, v2;
	vm4 =	vlt.f32 v38, $4.096000000e+03  }
0x15b: {  	v3 =	vadd.s32 v23, v3;
	v28 =	vadd.s32 v40, v50;
	v41 =	vxor.u32 v43, v56  }
0x15c: {  	v30 =	vadd.s32 v57, v59;
	[tilespmem:v35+s18+$0x0] =	vst.idx.add.f32.msk vm5, v2;
	v35 =	vmin.f32 v62, $4.095000000e+03;
	v43 =	vshll.u32 v23, $0xC  }
0x15d: {  	v50 =	vshll.u32 v26, $0x1F;
	v3 =	vadd.s32 v24, v3;
	v41 =	vadd.f32 $3.584000000e+03, v41  }
0x15e: {  	v29 =	vadd.s32 v51, v53;
	[tilespmem:v36+s18+$0x0] =	vst.idx.add.f32.msk vm6, v2;
	v35 =	vtrunc.f32 v35;
	v52 =	vmul.f32 $-5.120000000e+02, v44  }
0x15f: {  	v53 =	vshll.u32 v27, $0x1F;
	[tilespmem:v32+s18+$0x0] =	vst.idx.add.f32.msk vm13, v2;
	v45 =	vcvt.f32.s32 v35;
	v60 =	vmax.f32 v41, $0.0e+00  }
0x160: {  	vm3 =	vlt.f32 v41, $4.096000000e+03;
	v63 =	vshll.u32 v25, $0x1F;
	[tilespmem:v33+s18+$0x0] =	vst.idx.add.f32.msk vm14, v2;
	v35 =	vxor.u32 v52, v53  }
0x161: {  	v54 =	vshll.u32 v25, $0xC;
	v3 =	vadd.s32 v25, v3;
	v42 =	vxor.u32 v39, v63;
	[tilespmem:v34+s18+$0x0] =	vst.idx.add.f32.msk vm15, v2  }
0x162: {  	v61 =	vmin.f32 v60, $4.095000000e+03;
	v33 =	vadd.s32 v45, v46;
	v34 =	vxor.u32 v48, v50;
	[tilespmem:v37+s18+$0x0] =	vst.idx.add.f32.msk vm12, v2  }
0x163: {  	v39 =	vadd.f32 $3.584000000e+03, v35;
	v63 =	vshll.u32 v26, $0xC;
	v46 =	vshll.u32 v27, $0xC;
	v37 =	vld [tilespmem:s0+$0x4C00]  }
0x164: {  	v3 =	vadd.s32 v26, v3;
	v31 =	vtrunc.f32 v61;
	v36 =	vadd.f32 $3.584000000e+03, v42;
	v57 =	vld [tilespmem:s0+$0x4C10]  }
0x165: {  	v34 =	vadd.f32 $3.584000000e+03, v34;
	v3 =	vadd.s32 v27, v3;
	v31 =	vcvt.f32.s32 v31;
	v62 =	vld [tilespmem:s0+$0x4C20]  }
0x166: {  	v60 =	vmax.f32 v39, $0.0e+00;
	v35 =	vld [tilespmem:s0+$0x6C20];
	vm7 =	vlt.f32 v39, $4.096000000e+03;
	v47 =	vmax.f32 v36, $0.0e+00  }
0x167: {  	v48 =	vld [tilespmem:s0+$0x4C30];
	v55 =	vmax.f32 v34, $0.0e+00;
	vm6 =	vlt.f32 v34, $4.096000000e+03;
	v40 =	vmin.f32 v60, $4.095000000e+03  }
0x168: {  	v34 =	vld [tilespmem:s0+$0x6C10];
	v32 =	vadd.s32 v31, v43;
	v49 =	vmin.f32 v47, $4.095000000e+03;
	v40 =	vtrunc.f32 v40  }
0x169: {  	v31 =	vld [tilespmem:s0+$0x6C00];
	v56 =	vmin.f32 v55, $4.095000000e+03;
	v51 =	vtrunc.f32 v49;
	v45 =	vcvt.f32.s32 v40  }
0x16a: {  	vm5 =	vlt.f32 v36, $4.096000000e+03;
	v59 =	vtrunc.f32 v56;
	v38 =	vcvt.f32.s32 v51  }
0x16b: {  	v58 =	vmul.f32 $-5.120000000e+02, v37;
	v37 =	vcvt.f32.s32 v59;
	v39 =	vadd.s32 v45, v46  }
0x16c: {  	v56 =	vld [tilespmem:s0+$0x4C40];
	v42 =	vmul.f32 $-5.120000000e+02, v62;
	v50 =	vshll.u32 v35, $0x1F;
	v40 =	vmul.f32 $-5.120000000e+02, v48  }
0x16d: {  	v59 =	vshll.u32 v35, $0xC;
	v36 =	vadd.s32 v38, v54;
	v38 =	vmul.f32 $-5.120000000e+02, v57  }
0x16e: {  	v45 =	vld [tilespmem:s0+$0x6C30];
	v49 =	vshll.u32 v34, $0x1F;
	v46 =	vshll.u32 v34, $0xC;
	v61 =	vshll.u32 v31, $0x1F  }
0x16f: {  	v37 =	vadd.s32 v37, v63;
	v51 =	vshll.u32 v31, $0xC;
	v42 =	vxor.u32 v42, v50  }
0x170: {  	v5 =	vld [tilespmem:s0+$0x6C50];
	v3 =	vadd.s32 v31, v3;
	v41 =	vxor.u32 v58, v61;
	v42 =	vadd.f32 $3.584000000e+03, v42  }
0x171: {  	v38 =	vxor.u32 v38, v49;
	v61 =	vmul.f32 $-5.120000000e+02, v56;
	v3 =	vadd.s32 v34, v3  }
0x172: {  	v50 =	vld [tilespmem:s0+$0x6C60];
	v41 =	vadd.f32 $3.584000000e+03, v41;
	v38 =	vadd.f32 $3.584000000e+03, v38;
	v54 =	vmax.f32 v42, $0.0e+00  }
0x173: {  	v55 =	vshll.u32 v45, $0x1F;
	vm10 =	vlt.f32 v42, $4.096000000e+03;
	v62 =	vshll.u32 v45, $0xC  }
0x174: {  	v58 =	vld [tilespmem:s0+$0x4C50];
	v47 =	vmax.f32 v41, $0.0e+00;
	vm8 =	vlt.f32 v41, $4.096000000e+03;
	v52 =	vmax.f32 v38, $0.0e+00  }
0x175: {  	vm9 =	vlt.f32 v38, $4.096000000e+03;
	v40 =	vxor.u32 v40, v55;
	v55 =	vshll.u32 v5, $0xC  }
0x176: {  	v43 =	vmin.f32 v47, $4.095000000e+03;
	v53 =	vmin.f32 v52, $4.095000000e+03;
	v40 =	vadd.f32 $3.584000000e+03, v40;
	v47 =	vld [tilespmem:s0+$0x6C40]  }
0x177: {  	v52 =	vld [tilespmem:s0+$0x4C70];
	v56 =	vshll.u32 v50, $0x1F;
	v43 =	vtrunc.f32 v43;
	v38 =	vtrunc.f32 v53  }
0x178: {  	v43 =	vcvt.f32.s32 v43;
	v38 =	vcvt.f32.s32 v38;
	v48 =	vmax.f32 v40, $0.0e+00  }
0x179: {  	vm11 =	vlt.f32 v40, $4.096000000e+03;
	v40 =	vmul.f32 $-5.120000000e+02, v58;
	v60 =	vmin.f32 v48, $4.095000000e+03  }
0x17a: {  	v48 =	vld [tilespmem:s0+$0x4C60];
	v41 =	vadd.s32 v43, v51;
	v43 =	vmin.f32 v54, $4.095000000e+03;
	v4 =	vtrunc.f32 v60  }
0x17b: {  	v53 =	vld [tilespmem:s0+$0x6C70];
	v38 =	vadd.s32 v38, v46;
	v43 =	vtrunc.f32 v43;
	v4 =	vcvt.f32.s32 v4  }
0x17c: {  	v63 =	vshll.u32 v47, $0x1F;
	v54 =	vshll.u32 v47, $0xC;
	v11 =	vmul.f32 $-5.120000000e+02, v52  }
0x17d: {  	v57 =	vcvt.f32.s32 v43;
	v6 =	vxor.u32 v61, v63;
	v43 =	vshll.u32 v5, $0x1F  }
0x17e: {  	v6 =	vadd.f32 $3.584000000e+03, v6;
	v4 =	vadd.s32 v4, v62;
	v44 =	vxor.u32 v40, v43  }
0x17f: {  	v42 =	vadd.s32 v57, v59;
	v7 =	vadd.f32 $3.584000000e+03, v44;
	v9 =	vmul.f32 $-5.120000000e+02, v48  }
0x180: {  	[tilespmem:v28+s18+$0x0] =	vst.idx.add.f32.msk vm0, v2;
	v57 =	vshll.u32 v53, $0x1F;
	v46 =	vmax.f32 v6, $0.0e+00;
	vm12 =	vlt.f32 v6, $4.096000000e+03  }
0x181: {  	[tilespmem:v29+s18+$0x0] =	vst.idx.add.f32.msk vm1, v2;
	v58 =	vxor.u32 v11, v57;
	v49 =	vmin.f32 v46, $4.095000000e+03;
	v9 =	vxor.u32 v9, v56  }
0x182: {  	[tilespmem:v30+s18+$0x0] =	vst.idx.add.f32.msk vm2, v2;
	v51 =	vmax.f32 v7, $0.0e+00;
	vm13 =	vlt.f32 v7, $4.096000000e+03;
	v9 =	vadd.f32 $3.584000000e+03, v9  }
0x183: {  	[tilespmem:v32+s18+$0x0] =	vst.idx.add.f32.msk vm3, v2;
	v7 =	vadd.f32 $3.584000000e+03, v58;
	v6 =	vtrunc.f32 v49;
	v10 =	vmin.f32 v51, $4.095000000e+03  }
0x184: {  	[tilespmem:v33+s18+$0x0] =	vst.idx.add.f32.msk vm4, v2;
	v6 =	vcvt.f32.s32 v6;
	v10 =	vtrunc.f32 v10;
	v59 =	vmax.f32 v9, $0.0e+00  }
0x185: {  	[tilespmem:v36+s18+$0x0] =	vst.idx.add.f32.msk vm5, v2;
	v61 =	vmax.f32 v7, $0.0e+00;
	v10 =	vcvt.f32.s32 v10;
	v60 =	vmin.f32 v59, $4.095000000e+03  }
0x186: {  	[tilespmem:v37+s18+$0x0] =	vst.idx.add.f32.msk vm6, v2;
	vm14 =	vlt.f32 v9, $4.096000000e+03;
	v11 =	vmin.f32 v61, $4.095000000e+03;
	v9 =	vtrunc.f32 v60  }
0x187: {  	[tilespmem:v39+s18+$0x0] =	vst.idx.add.f32.msk vm7, v2;
	v6 =	vadd.s32 v6, v54;
	v11 =	vtrunc.f32 v11;
	v9 =	vcvt.f32.s32 v9  }
0x188: {  	v62 =	vshll.u32 v50, $0xC;
	[tilespmem:v41+s18+$0x0] =	vst.idx.add.f32.msk vm8, v2;
	v10 =	vadd.s32 v10, v55;
	v11 =	vcvt.f32.s32 v11  }
0x189: {  	v63 =	vshll.u32 v53, $0xC;
	vm15 =	vlt.f32 v7, $4.096000000e+03;
	[tilespmem:v38+s18+$0x0] =	vst.idx.add.f32.msk vm9, v2;
	v9 =	vadd.s32 v9, v62  }
0x18a: {  	p1 =	sne.s32 s31, $0x1E00;
	v3 =	vadd.s32 v35, v3;
	[tilespmem:v42+s18+$0x0] =	vst.idx.add.f32.msk vm10, v2;
	v7 =	vadd.s32 v11, v63  }
.Ltmp4:
0x18b: {  	v3 =	vadd.s32 v45, v3;
	[tilespmem:v4+s18+$0x0] =	vst.idx.add.f32.msk vm11, v2;
	(pc) =	sbr.rel @p1 .LBB2_7-.Ltmp4, $4  }
0x18c: {  	v3 =	vadd.s32 v47, v3;
	[tilespmem:v6+s18+$0x0] =	vst.idx.add.f32.msk vm12, v2  }
0x18d: {  	v3 =	vadd.s32 v5, v3;
	[tilespmem:v10+s18+$0x0] =	vst.idx.add.f32.msk vm13, v2  }
0x18e: {  	v3 =	vadd.s32 v50, v3;
	[tilespmem:v9+s18+$0x0] =	vst.idx.add.f32.msk vm14, v2  }
0x18f: {  	s30 =	sadd.s32 $0x80, s30;
	s31 =	sadd.s32 $0x200, s31;
	v3 =	vadd.s32 v53, v3;
	[tilespmem:v7+s18+$0x0] =	vst.idx.add.f32.msk vm15, v2  }
0x190: {  	s29 =	sadd.s32 $0x1, s29  }
0x191: {  	p1 =	sne.s32 s29, $0x8  }
.Ltmp5:
0x192: {  	_ = 	snop;
	(pc) =	sbr.rel @p1 .LBB2_4-.Ltmp5, $1  }
0x193: {  	_ =	sdelay $0x3  }
0x194: {  	_ =	swait.ge [sflag:s16], $0x2000  }
0x195: {  	[sflag:s16] =	ssyncset.done $0x0  }
0x196: {  	[sflag:s16] =	ssyncadd.s32 $0xFFFFE000  }
0x197: {  	_ =	swait.ge [sflag:s17], $0x2000  }
0x198: {  	v3 =	vcvt.s32.f32 v3;
	[sflag:s17] =	ssyncset.done $0x0  }
0x199: {  	[sflag:s17] =	ssyncadd.s32 $0xFFFFE000  }
0x19a: {  	[tilespmem:$0xA000] =	vst v3  }
0x19b: {  	[spmem:s9] =	stream.strided.scatter [tilespmem:s18], [sflag:$0x5], $0x2080, s22, s21, $0x38;
	[tilespmem:$0xE190] =	vst v63  }
.Ltmp6:
0x19c: {  	_ =	swait.ge [sflag:s23], $0x2080;
	(pc) =	sbr.rel @p0 .LBB2_13-.Ltmp6, $3  }
0x19d: {  	[sflag:s23] =	ssyncset.done $0x0  }
0x19e: {  	[sflag:s23] =	ssyncadd.s32 $0xFFFFDF80  }
0x19f: {  	[bflag:$0x0] =	sbarrier.arrive $0xFFFF;
	_ =	sdelay $0x1  }
0x1a0: {  	[tilespmem:s24], [sflag:$0x5] =	stream.strided.gather [spmem:s10], $0x2080, s22, s21, $0x38;
	[tilespmem:$0xE190] =	vst v63  }
0x1a1: {  	_ =	swait.ge [sflag:s23], $0x2080  }
0x1a2: {  	[sflag:s23] =	ssyncset.done $0x0  }
0x1a3: {  	[sflag:s23] =	ssyncadd.s32 $0xFFFFDF80  }
0x1a4: {  	v3 =	vld [tilespmem:$0xA000]  }
0x1a5: {  	v4 =	vld [tilespmem:$0xC080];
	_ =	sdelay $0x1  }
0x1a6: {  	s0 =	simm.s32 $0x0  }
0x1a7: {  	v5 =	vld [tilespmem:s0+$0xB080]  }
0x1a8: {  	v6 =	vld [tilespmem:s0+$0xA080]  }
0x1a9: {  	v7 =	vld [tilespmem:s0+$0x9000];
	v3 =	vadd.f32 v4, v3  }
0x1aa: {  	v4 =	vld [tilespmem:s0+$0x8000]  }
0x1ab: {  	(xrf2) =	vadd.scan.msk.f32 $0xffff, v3;
	_ =	sdelay $0x3  }
0x1ac: {  	v7 =	vadd.f32 v5, v7;
	v3 =	vadd.f32 v6, v4;
	_ =	sdelay $0x1  }
0x1ad: {  	(xrf2) =	vadd.scan.msk.f32 $0xffff, v7;
	v6 =	vadd.f32 v7, v3  }
0x1ae: {  	s4 =	simm.s32 $0x10  }
0x1af: {  	v8 =	vld [tilespmem:s4+$0x9000];
	(xrf2) =	vadd.scan.msk.f32 $0xffff, v6  }
0x1b0: {  	v9 =	vld [tilespmem:s4+$0x8000]  }
0x1b1: {  	v4 =	vld [tilespmem:s4+$0xA080];
	v5, _, _ =	vpop (xrf2)  }
0x1b2: {  	v3 =	vld [tilespmem:s4+$0xB080];
	(v2sf) =	vpush v5, $0xF;
	_ =	sdelay $0x4  }
0x1b3: {  	v8 =	vadd.f32 v3, v8;
	v3 =	vadd.f32 v4, v9;
	v10, _, _ =	vpop (xrf2)  }
0x1b4: {  	(v2sf) =	vpush v10, $0xF  }
0x1b5: {  	s30 =	simm.s32 $0x20;
	v11 =	vadd.f32 v8, v3;
	v9, _, _ =	vpop (xrf2)  }
0x1b6: {  	v12 =	vld [tilespmem:s30+$0xB080];
	(xrf2) =	vadd.scan.msk.f32 $0xffff, v8;
	(v2sf) =	vpush v9, $0xF  }
0x1b7: {  	v13 =	vld [tilespmem:s30+$0xA080];
	(xrf2) =	vadd.scan.msk.f32 $0xffff, v11  }
0x1b8: {  	v14 =	vld [tilespmem:s30+$0x9000]  }
0x1b9: {  	v15 =	vld [tilespmem:s30+$0x8000];
	_ =	sdelay $0x1  }
0x1ba: {  	s4 =	simm.f32 $0.0e+00;
	v4 =	vadd.f32 $-3.125000000e-02, v0  }
0x1bb: {  	v16 =	vadd.f32 s4, v10;
	v9 =	vadd.f32 s4, v9  }
0x1bc: {  	v3 =	vbroadcast v5, $0xF;
	v5 =	vadd.f32 $-3.125000000e-02, v4;
	v10 =	vadd.f32 v12, v14;
	s31 =	spop (v2sf)  }
0x1bd: {  	v17 =	vsub.f32 v9, v6;
	v6 =	vadd.f32 v13, v15;
	s0 =	ssub.f32 $2.621440000e+05, s31  }
0x1be: {  	v18 =	vsub.f32 v16, v7;
	v25 =	vsub.f32 v3, v16  }
0x1bf: {  	v20 =	vadd.f32 v17, v3;
	v21, _, _ =	vpop (xrf2);
	(xrf2) =	vadd.scan.msk.f32 $0xffff, v10;
	v12 =	vadd.f32 v10, v6;
	v7 =	vmov s0  }
0x1c0: {  	(v2sf) =	vpush v21, $0xF;
	v15, _, _ =	vpop (xrf2);
	v13 =	vadd.f32 v16, v7  }
0x1c1: {  	v17 =	vsub.f32 v18, v17;
	(v2sf) =	vpush v15, $0xF  }
0x1c2: {  	v19 =	vadd.f32 v9, v3;
	s30 =	spop (v2sf);
	v14 =	vadd.f32 v18, v7;
	v13 =	vmax.f32 v13, $1.000000000e+00  }
0x1c3: {  	v6 =	vadd.f32 $-3.125000000e-02, v5;
	(xrf2) =	vadd.scan.msk.f32 $0xffff, v12;
	s0 =	sadd.f32 s30, s4;
	v17 =	vadd.f32 v17, v7;
	(erf) = vrcp.f32 v13  }
0x1c4: {  	s31 =	simm.s32 $0x30;
	v14 =	vmax.f32 v14, $1.000000000e+00;
	s28 =	spop (v2sf);
	v13 =	vsub.f32 v19, v16;
	v19 =	vsub.f32 v20, v18  }
0x1c5: {  	v22 =	vld [tilespmem:s31+$0xB080];
	v20 =	vsub.f32 v16, v9;
	v9 =	vadd.f32 s0, v21;
	s28 =	sadd.f32 s28, s4;
	(erf) = vrcp.f32 v14  }
0x1c6: {  	v23 =	vld [tilespmem:s31+$0xA080];
	v16 =	vadd.f32 $-3.125000000e-02, v6;
	v19 =	vmax.f32 v19, $1.000000000e+00;
	v13 =	vmax.f32 v13, $1.000000000e+00  }
0x1c7: {  	v24 =	vadd.f32 s28, v15;
	(erf) = vrcp.f32 v13;
	v15 =	vld [tilespmem:s31+$0x9000];
	v13 =	vsub.f32 v9, v8  }
0x1c8: {  	v14 =	vsub.f32 v3, v18;
	v27 =	vadd.f32 v20, v7;
	(erf) = vrcp.f32 v19;
	v19 =	vld [tilespmem:s31+$0x8000]  }
0x1c9: {  	v18, _, _ =	vpop (xrf2);
	v11 =	vsub.f32 v24, v11;
	v26 =	vadd.f32 v13, v7  }
0x1ca: {  	(v2sf) =	vpush v18, $0xF;
	v8 =	vadd.f32 v24, v3  }
0x1cb: {  	v21 =	vadd.f32 v11, v3;
	v29 =	vmax.f32 v26, $1.000000000e+00;
	v26 =	vadd.f32 v9, v7  }
0x1cc: {  	v20 =	vsub.f32 v8, v9;
	v8 =	vimm.f32 $0.0e+00;
	v15 =	vadd.f32 v22, v15;
	v28 =	vpop (erf)  }
0x1cd: {  	v21 =	vsub.f32 v21, v13;
	v19 =	vadd.f32 v23, v19;
	v23, _, _ =	vpop (xrf2);
	v26 =	vmax.f32 v26, $1.000000000e+00  }
0x1ce: {  	v22 =	vpop (erf);
	v27 =	vmul.f32 v28, v27;
	(v2sf) =	vpush v23, $0xF;
	(xrf2) =	vadd.scan.msk.f32 $0xffff, v15;
	(erf) = vrcp.f32 v26  }
0x1cf: {  	s30 =	spop (v2sf);
	v17 =	vmul.f32 v22, v17;
	v19 =	vadd.f32 v15, v19;
	v21 =	vmax.f32 v21, $1.000000000e+00  }
0x1d0: {  	s0 =	sadd.f32 s30, s0;
	s31 =	spop (v2sf);
	v22 =	vsub.f32 v9, v24;
	v24 =	vsub.f32 v13, v11;
	(erf) = vrcp.f32 v29;
	v63 =	vpop (erf)  }
0x1d1: {  	s29 =	simm.s32 $0x100;
	s28 =	sadd.f32 s31, s28;
	v11 =	vmov v0;
	v17 =	vsub.f32 v17, v27;
	v26 =	vpop (erf);
	(xrf2) =	vadd.scan.msk.f32 $0xffff, v19;
	v25 =	vmul.f32 v63, v25  }
.LBB2_11:
0x1d2: {  	s4 =	sshra.s32 s29, $0x2;
	p1 =	sne.s32 s29, $0x3FC0;
	s29 =	sadd.s32 $0x40, s29;
	v27 =	vsub.f32 v3, v9;
	v26 =	vmul.f32 v26, v14;
	v14 =	vsub.f32 v3, v13;
	v28 =	vmovc v6  }
0x1d3: {  	v30 =	vadd.f32 s28, v23;
	v13 =	vmax.f32 v20, $1.000000000e+00;
	v6 =	vmovc v16;
	v16 =	vadd.f32 $-3.125000000e-02, v16;
	v29 =	vld [tilespmem:s4+$0xB080]  }
0x1d4: {  	v9 =	vadd.f32 s0, v18;
	v23 =	vld [tilespmem:s4+$0xA080];
	(erf) = vrcp.f32 v13;
	v18 =	vsub.f32 v26, v25  }
0x1d5: {  	v24 =	vadd.f32 v24, v7;
	v31 =	vsub.f32 v30, v12;
	v12 =	vmovc v19;
	v25 =	vld [tilespmem:s4+$0x9000];
	(erf) = vrcp.f32 v21  }
0x1d6: {  	v13 =	vsub.f32 v9, v10;
	v10 =	vmov v15;
	v19 =	vld [tilespmem:s4+$0x8000];
	v17 =	vadd.f32 v18, v17  }
0x1d7: {  	v15 =	vadd.f32 v30, v3;
	v21 =	vadd.f32 v31, v3  }
0x1d8: {  	v22 =	vadd.f32 v22, v7;
	v26 =	vadd.f32 v13, v7;
	v18, _, _ =	vpop (xrf2);
	v17 =	vmul.f32 v17, v11  }
0x1d9: {  	v20 =	vsub.f32 v15, v9;
	v11 =	vmov v4;
	(v2sf) =	vpush v18, $0xF;
	v32 =	vpop (erf)  }
0x1da: {  	v21 =	vsub.f32 v21, v13;
	v15 =	vadd.f32 v29, v25;
	v25 =	vmax.f32 v26, $1.000000000e+00;
	s4 =	spop (v2sf);
	v4 =	vpop (erf)  }
.Ltmp7:
0x1db: {  	v33 =	vadd.f32 v9, v7;
	v29 =	vmul.f32 v32, v22;
	v19 =	vadd.f32 v23, v19;
	v23, _, _ =	vpop (xrf2);
	s0 =	sadd.f32 s4, s0;
	(pc) =	sbr.rel @p1 .LBB2_11-.Ltmp7, $4  }
0x1dc: {  	v8 =	vadd.f32 v17, v8;
	v24 =	vmul.f32 v4, v24;
	v4 =	vmovc v5;
	(xrf2) =	vadd.scan.msk.f32 $0xffff, v15;
	(v2sf) =	vpush v23, $0xF  }
0x1dd: {  	v33 =	vmax.f32 v33, $1.000000000e+00;
	v21 =	vmax.f32 v21, $1.000000000e+00;
	v19 =	vadd.f32 v15, v19;
	s4 =	spop (v2sf);
	v32 =	vpop (erf)  }
0x1de: {  	v22 =	vsub.f32 v9, v30;
	v17 =	vsub.f32 v24, v29;
	s28 =	sadd.f32 s4, s28;
	(erf) = vrcp.f32 v33;
	v26 =	vpop (erf)  }
0x1df: {  	v5 =	vmovc v28;
	v24 =	vsub.f32 v13, v31;
	(xrf2) =	vadd.scan.msk.f32 $0xffff, v19;
	(erf) = vrcp.f32 v25;
	v25 =	vmul.f32 v32, v27  }
.Ltmp8:
0x1e0: {  	_ = 	snop;
	(pc) =	sbr.rel .LBB2_12-.Ltmp8, $1  }
0x1e1: {  	_ =	sdelay $0x3  }
.LBB2_14:
0x1e2: {  	_ =	sfence.sel $0x180000  }
0x1e3: {  	[bflag:$0x0] =	sbarrier.arrive $0xFFFF  }
0x1e4: {  	_ =	strace $0x90000047  }
0x1e5: {  	s0 =	stileid.u32;
	[bflag:$0x2] =	sbarrier.arrive $0xFFFF  }
0x1e6: {  	p0 =	sne.s32 s0, $0x0;
	s0 =	rddreg [dreg:$0x4]  }
0x1e7: {  	s0 =	sadd.s32 @!p0 $0x100000, s0  }
0x1e8: {  	[sflag:s0] =	ssyncadd.tile.s32 @!p0 $0x1;
	_ =	shalt  }
.Lfunc_end2:
_tile_overlayer_lowered:
.L_overlay_start_2:
0x1e9: {  	(tag) =	ssettag $0x2  }
0x1ea: {  	s0 =	rddreg [dreg:$0x0];
	s2 =	stileid.u32  }
0x1eb: {  	s1 =	rddreg [dreg:$0x1];
	p0 =	sne.s32 s2, $0x0  }
0x1ec: {  	s3 =	rddreg [dreg:$0x2];
	[bflag:$0x3] =	sbarrier.arrive $0xFFFF;
	s2 =	simm.s32 @!p0 $0x1C05  }
0x1ed: {  	[timem:s3], [sflag:s2] =	dma.local @!p0 [hbm:s0], s1  }
0x1ee: {  	s0 =	simm.s32 @!p0 $0x5  }
0x1ef: {  	_ =	swait.ge @!p0 [sflag:s0], s1  }
0x1f0: {  	s1 =	ssub.s32 @!p0 $0x0, s1;
	[sflag:s0] =	ssyncset.done @!p0 $0x0  }
0x1f1: {  	[sflag:s0] =	ssyncadd.s32 @!p0 s1  }
0x1f2: {  	[bflag:$0x3] =	sbarrier.arrive $0xFFFF  }
0x1f3: {  	_ =	shalt  }

</sc_bundles>
